<compile_context>
chip_gen: v7x
topology: tpu7x:2x2x1
jax: 0.10.2.dev20260603
libtpu: 0.0.44.dev20260713+nightly
codegen_flags: <defaults>
</compile_context>

<pallas_src>
import functools

import jax
import jax.numpy as jnp
from jax import lax
from jax.experimental import pallas as pl
from jax.experimental.pallas import tpu as pltpu
from jax.experimental.pallas import tpu_sc as plsc

_NC = 2
_NS = 16
_C = 80


def _dense_proj_body(x_ref, wp_ref, al_ref, ar_ref, featel_ref, er16_ref):
    featp = jnp.dot(x_ref[...], wp_ref[...], preferred_element_type=jnp.float32)
    el16 = jnp.dot(featp, al_ref[...], preferred_element_type=jnp.float32)
    er16 = jnp.dot(featp, ar_ref[...], preferred_element_type=jnp.float32)
    featel_ref[:, 0:128] = featp
    featel_ref[:, 128:144] = el16
    er16_ref[...] = er16


def _norm_body(acc_ref, pt_ref, e8_ref, bias_ref, out_ref):
    a = acc_ref[0] + acc_ref[1]
    num = a[:, 0:128]
    den = a[:, 128:136]
    denb = jnp.dot(den, e8_ref[...], preferred_element_type=jnp.float32)
    numh = jnp.dot(num, pt_ref[...], preferred_element_type=jnp.float32)
    out_ref[...] = numh / (denb + 1e-16) + bias_ref[...]


_NBUF = 3


def _make_edge_body(n, e_per_w, n_chunks, rows_per_sub):
    n_main = (n_chunks // _NBUF) * _NBUF
    n_tail = n_chunks - n_main

    def body(featel_hbm, er16_hbm, edge_hbm, out_hbm,
             idx_v, rows_v, er_v, acc, si, sg, se, ss):
        c = lax.axis_index("c")
        s = lax.axis_index("s")
        wid = c * _NS + s
        e0 = wid * e_per_w
        n0 = s * rows_per_sub

        zvec = jnp.zeros((16,), jnp.float32)

        def zrow(r, carry):
            for j in range(9):
                rows_v[0][r, pl.ds(j * 16, 16)] = zvec
            return carry

        lax.fori_loop(0, _C, zrow, 0)
        n_full = rows_per_sub // _C
        n_rem = rows_per_sub - n_full * _C
        for i in range(n_full):
            pltpu.async_copy(rows_v[0], acc.at[pl.ds(n0 + i * _C, _C)],
                             ss[0])
        if n_rem:
            pltpu.async_copy(rows_v[0].at[pl.ds(0, n_rem)],
                             acc.at[pl.ds(n0 + n_full * _C, n_rem)], ss[0])
        for i in range(n_full):
            pltpu.make_async_copy(rows_v[0],
                                  acc.at[pl.ds(n0, _C)], ss[0]).wait()
        if n_rem:
            pltpu.make_async_copy(rows_v[0].at[pl.ds(0, n_rem)],
                                  acc.at[pl.ds(n0, n_rem)], ss[0]).wait()
        plsc.subcore_barrier()

        lanes = lax.iota(jnp.int32, 16)
        lmask = lanes < 8

        def idx_start(k, b):
            pltpu.async_copy(edge_hbm.at[:, pl.ds(e0 + k * _C, _C)],
                             idx_v[b], si[b])

        def gathers_start(b):
            pltpu.make_async_copy(edge_hbm.at[:, pl.ds(0, _C)],
                                  idx_v[b], si[b]).wait()
            pltpu.async_copy(featel_hbm.at[idx_v[b].at[0]], rows_v[b], sg[b])
            pltpu.async_copy(er16_hbm.at[idx_v[b].at[1]], er_v[b], se[b])

        def scatter_wait(b):
            pltpu.make_async_copy(rows_v[b], acc.at[idx_v[b].at[1]],
                                  ss[b]).wait()

        idx_start(0, 0)
        idx_start(1, 1)
        gathers_start(0)

        def do_chunk(k, b):
            b1 = (b + 1) % _NBUF
            b2 = (b + 2) % _NBUF
            pltpu.make_async_copy(featel_hbm.at[idx_v[b].at[0]],
                                  rows_v[b], sg[b]).wait()
            pltpu.make_async_copy(er16_hbm.at[idx_v[b].at[1]],
                                  er_v[b], se[b]).wait()
            @pl.when(k + 2 < n_chunks)
            def _():
                @pl.when(k >= _NBUF - 2)
                def _():
                    scatter_wait(b2)
                idx_start(k + 2, b2)

            @pl.when(k + 1 < n_chunks)
            def _():
                gathers_start(b1)

            @plsc.parallel_loop(0, _C, unroll=4)
            def edge(e):
                elv = rows_v[b][e, pl.ds(128, 16)]
                erv = er_v[b][e, :]
                sv = elv + erv
                sv = jnp.where(sv > 0, sv, sv * 0.2)
                w = jnp.exp(sv)
                rows_v[b][e, pl.ds(128, 16)] = jnp.where(lmask, w, 0.0)
                for j in range(8):
                    rows_v[b][e, pl.ds(j * 16, 16)] = (
                        rows_v[b][e, pl.ds(j * 16, 16)] * w)

            pltpu.async_copy(rows_v[b], acc.at[idx_v[b].at[1]], ss[b],
                             add=True)

        def triple(kk, carry):
            for j in range(_NBUF):
                do_chunk(kk * _NBUF + j, j)
            return carry

        lax.fori_loop(0, n_main // _NBUF, triple, 0)
        for t in range(n_tail):
            do_chunk(jnp.int32(n_main + t), (n_main + t) % _NBUF)
        for b in range(_NBUF):
            scatter_wait(b)
        plsc.subcore_barrier()
        pltpu.sync_copy(acc.at[pl.ds(n0, rows_per_sub)],
                        out_hbm.at[c, pl.ds(n0, rows_per_sub)])

    return body


def kernel(x, edge_index, W_fc, attn_l, attn_r, bias):
    n, d = x.shape
    hf = W_fc.shape[1]
    h = attn_l.shape[1]
    f = attn_l.shape[2]
    e = edge_index.shape[1]
    assert (hf, h, f) == (128, 8, 16)
    n_workers = _NC * _NS
    assert e % (n_workers * _C) == 0
    e_per_w = e // n_workers
    n_chunks = e_per_w // _C
    rows_per_sub = n // _NS

    cols = jnp.arange(hf)
    old_of_new = (cols % h) * f + cols // h
    new_of_old = (cols % f) * h + cols // f
    wp = jnp.take(W_fc, old_of_new, axis=1)
    eyeh = jnp.arange(h)
    half_l = jnp.zeros((f, h, h), jnp.float32).at[:, eyeh, eyeh].set(attn_l[0].T).reshape(hf, h)
    half_r = jnp.zeros((f, h, h), jnp.float32).at[:, eyeh, eyeh].set(attn_r[0].T).reshape(hf, h)
    al_dup = jnp.concatenate([half_l, half_l], axis=1)
    ar_dup = jnp.concatenate([half_r, half_r], axis=1)
    pt = jax.nn.one_hot(new_of_old, hf, dtype=jnp.float32).T
    e8 = jax.nn.one_hot(cols // f, h, dtype=jnp.float32).T

    bn = 1000
    assert n % bn == 0
    grid = (n // bn,)
    featel, er16 = pl.pallas_call(
        _dense_proj_body,
        grid=grid,
        in_specs=[
            pl.BlockSpec((bn, d), lambda i: (i, 0)),
            pl.BlockSpec((d, hf), lambda i: (0, 0)),
            pl.BlockSpec((hf, 16), lambda i: (0, 0)),
            pl.BlockSpec((hf, 16), lambda i: (0, 0)),
        ],
        out_specs=[
            pl.BlockSpec((bn, 144), lambda i: (i, 0)),
            pl.BlockSpec((bn, 16), lambda i: (i, 0)),
        ],
        out_shape=[
            jax.ShapeDtypeStruct((n, 144), jnp.float32),
            jax.ShapeDtypeStruct((n, 16), jnp.float32),
        ],
    )(x, wp, al_dup, ar_dup)

    edge_call = pl.kernel(
        _make_edge_body(n, e_per_w, n_chunks, rows_per_sub),
        out_type=jax.ShapeDtypeStruct((_NC, n, 144), jnp.float32),
        mesh=plsc.VectorSubcoreMesh(core_axis_name="c", subcore_axis_name="s"),
        compiler_params=pltpu.CompilerParams(use_tc_tiling_on_sc=False),
        scratch_types=[
            [pltpu.VMEM((2, _C), jnp.int32) for _ in range(_NBUF)],
            [pltpu.VMEM((_C, 144), jnp.float32) for _ in range(_NBUF)],
            [pltpu.VMEM((_C, 16), jnp.float32) for _ in range(_NBUF)],
            pltpu.VMEM_SHARED((n, 144), jnp.float32),
            [pltpu.SemaphoreType.DMA for _ in range(_NBUF)],
            [pltpu.SemaphoreType.DMA for _ in range(_NBUF)],
            [pltpu.SemaphoreType.DMA for _ in range(_NBUF)],
            [pltpu.SemaphoreType.DMA for _ in range(_NBUF)],
        ],
    )
    acc = edge_call(featel, er16, edge_index)

    out = pl.pallas_call(
        _norm_body,
        grid=grid,
        in_specs=[
            pl.BlockSpec((_NC, bn, 144), lambda i: (0, i, 0)),
            pl.BlockSpec((hf, hf), lambda i: (0, 0)),
            pl.BlockSpec((h, hf), lambda i: (0, 0)),
            pl.BlockSpec((1, hf), lambda i: (0, 0)),
        ],
        out_specs=pl.BlockSpec((bn, hf), lambda i: (i, 0)),
        out_shape=jax.ShapeDtypeStruct((n, hf), jnp.float32),
    )(acc, pt, e8, bias.reshape(1, hf))

    return out.reshape(n, h, f)

# --- scband reference (transcript-rebuilt; emitter-appended) ---
"""Pipeline reference for scband-hard-session-17635135717525 (READ-ONLY COPY).

The authoritative reference and input builder live on the scoring server;
editing this copy changes nothing except your own understanding.
"""

import jax, jax.numpy as jnp
import numpy as np

N, D, H, F, E = 10000, 128, 8, 16, 320000

def setup_inputs(seed: int = 0) -> dict:
    key = jax.random.key(seed)
    ks = jax.random.split(key, 6)
    x = jax.random.normal(ks[0], (N, D), dtype=jnp.float32)
    edge_index = jax.random.randint(ks[1], (2, E), 0, N, dtype=jnp.int32)
    W_fc = jax.random.normal(ks[2], (D, H * F), dtype=jnp.float32) * (1.0 / np.sqrt(D))
    attn_l = jax.random.normal(ks[3], (1, H, F), dtype=jnp.float32) * 0.1
    attn_r = jax.random.normal(ks[4], (1, H, F), dtype=jnp.float32) * 0.1
    bias = jnp.zeros((H * F,), dtype=jnp.float32)
    return {"x": x, "edge_index": edge_index, "W_fc": W_fc, "attn_l": attn_l, "attn_r": attn_r, "bias": bias}

def reference(x, edge_index, W_fc, attn_l, attn_r, bias):
    n = x.shape[0]
    feat = (x @ W_fc).reshape(n, H, F)
    el = jnp.sum(feat * attn_l, axis=-1)
    er = jnp.sum(feat * attn_r, axis=-1)
    src = edge_index[0]
    dst = edge_index[1]
    e = el[src] + er[dst]
    e = jnp.where(e > 0, e, 0.2 * e)
    emax = jax.ops.segment_max(e, dst, num_segments=n)
    emax = jnp.where(jnp.isfinite(emax), emax, 0.0)
    ee = jnp.exp(e - emax[dst])
    denom = jax.ops.segment_sum(ee, dst, num_segments=n)
    a = ee / (denom[dst] + 1e-16)
    m = feat[src] * a[:, :, None]
    out = jax.ops.segment_sum(m, dst, num_segments=n)
    out = out + bias.reshape(1, H, F)
    return out

if __name__ == "__main__":
    import jax
    _d = setup_inputs()
    print(jax.jit(kernel)(*tuple(_d.values())))

</pallas_src>

<mosaic_0001>
#map = affine_map<(d0, d1) -> (0, 0)>
#map1 = affine_map<(d0, d1) -> (0, 0, 0)>
module attributes {stable_mosaic.version = 14 : i64} {
  func.func @body(%arg0: i32, %arg1: i32, %arg2: memref<10000x144xf32, #tpu.memory_space<hbm>>, %arg3: memref<10000x16xf32, #tpu.memory_space<hbm>>, %arg4: memref<2x320000xi32, #tpu.memory_space<hbm>>, %arg5: memref<2x10000x144xf32, #tpu.memory_space<hbm>>, %arg6: memref<2x80xi32, #tpu.memory_space<vmem>>, %arg7: memref<2x80xi32, #tpu.memory_space<vmem>>, %arg8: memref<2x80xi32, #tpu.memory_space<vmem>>, %arg9: memref<80x144xf32, #tpu.memory_space<vmem>>, %arg10: memref<80x144xf32, #tpu.memory_space<vmem>>, %arg11: memref<80x144xf32, #tpu.memory_space<vmem>>, %arg12: memref<80x16xf32, #tpu.memory_space<vmem>>, %arg13: memref<80x16xf32, #tpu.memory_space<vmem>>, %arg14: memref<80x16xf32, #tpu.memory_space<vmem>>, %arg15: memref<10000x144xf32, #tpu.memory_space<vmem_shared>>, %arg16: memref<!tpu.dma_semaphore, #tpu.memory_space<semaphore_mem>>, %arg17: memref<!tpu.dma_semaphore, #tpu.memory_space<semaphore_mem>>, %arg18: memref<!tpu.dma_semaphore, #tpu.memory_space<semaphore_mem>>, %arg19: memref<!tpu.dma_semaphore, #tpu.memory_space<semaphore_mem>>, %arg20: memref<!tpu.dma_semaphore, #tpu.memory_space<semaphore_mem>>, %arg21: memref<!tpu.dma_semaphore, #tpu.memory_space<semaphore_mem>>, %arg22: memref<!tpu.dma_semaphore, #tpu.memory_space<semaphore_mem>>, %arg23: memref<!tpu.dma_semaphore, #tpu.memory_space<semaphore_mem>>, %arg24: memref<!tpu.dma_semaphore, #tpu.memory_space<semaphore_mem>>, %arg25: memref<!tpu.dma_semaphore, #tpu.memory_space<semaphore_mem>>, %arg26: memref<!tpu.dma_semaphore, #tpu.memory_space<semaphore_mem>>, %arg27: memref<!tpu.dma_semaphore, #tpu.memory_space<semaphore_mem>>) attributes {dimension_semantics = [#tpu.dimension_semantics<core_parallel>, #tpu.dimension_semantics<subcore_parallel>], iteration_bounds = array<i64: 2, 16>, scalar_prefetch = 0 : i64, scratch_operands = 22 : i64, tpu.core_type = #tpu.core_type<sc_vector_subcore>, window_params = [{transform_indices = #map}, {transform_indices = #map}, {transform_indices = #map}, {transform_indices = #map1}]} {
    %mul3A = arith.constant 16 : i32
    %mul3A_0 = arith.muli %arg0, %mul3A : i32
    %add3A = arith.addi %mul3A_0, %arg1 : i32
    %mul3A_1 = arith.constant 10000 : i32
    %mul3A_2 = arith.muli %add3A, %mul3A_1 : i32
    %mul3A_3 = arith.constant 625 : i32
    %mul3A_4 = arith.muli %arg1, %mul3A_3 : i32
    %broadcast_in_dim3A = arith.constant 0.000000e+00 : f32
    %broadcast_in_dim3A_5 = vector.broadcast %broadcast_in_dim3A : f32 to vector<16xf32>
    %scan3A = arith.constant 0 : i32
    %scan3A_6 = arith.constant 0 : i32
    %scan3A_7 = arith.constant 80 : i32
    %scan3A_8 = arith.addi %scan3A_6, %scan3A_7 : i32
    %scan3A_9 = arith.constant 1 : i32
    scf.for %scan3A_242 = %scan3A_6 to %scan3A_8 step %scan3A_9  : i32 {
      %swap3A = arith.index_cast %scan3A_242 : i32 to index
      %swap3A_243 = arith.constant 0 : index
      %swap3A_244 = tpu.vector_load %arg9[%swap3A, %swap3A_243] {strides = array<i32>} : memref<80x144xf32, #tpu.memory_space<vmem>>, vector<1x16xf32>,
      %swap3A_245 = vector.shape_cast %swap3A_244 : vector<1x16xf32> to vector<16xf32>
      %swap3A_246 = vector.shape_cast %broadcast_in_dim3A_5 : vector<16xf32> to vector<1x16xf32>
      tpu.vector_store %arg9[%swap3A, %swap3A_243], %swap3A_246 {strides = array<i32>} : memref<80x144xf32, #tpu.memory_space<vmem>>, vector<1x16xf32>,
      %swap3A_247 = arith.index_cast %scan3A_242 : i32 to index
      %swap3A_248 = arith.constant 16 : index
      %swap3A_249 = tpu.vector_load %arg9[%swap3A_247, %swap3A_248] {strides = array<i32>} : memref<80x144xf32, #tpu.memory_space<vmem>>, vector<1x16xf32>,
      %swap3A_250 = vector.shape_cast %swap3A_249 : vector<1x16xf32> to vector<16xf32>
      %swap3A_251 = vector.shape_cast %broadcast_in_dim3A_5 : vector<16xf32> to vector<1x16xf32>
      tpu.vector_store %arg9[%swap3A_247, %swap3A_248], %swap3A_251 {strides = array<i32>} : memref<80x144xf32, #tpu.memory_space<vmem>>, vector<1x16xf32>,
      %swap3A_252 = arith.index_cast %scan3A_242 : i32 to index
      %swap3A_253 = arith.constant 32 : index
      %swap3A_254 = tpu.vector_load %arg9[%swap3A_252, %swap3A_253] {strides = array<i32>} : memref<80x144xf32, #tpu.memory_space<vmem>>, vector<1x16xf32>,
      %swap3A_255 = vector.shape_cast %swap3A_254 : vector<1x16xf32> to vector<16xf32>
      %swap3A_256 = vector.shape_cast %broadcast_in_dim3A_5 : vector<16xf32> to vector<1x16xf32>
      tpu.vector_store %arg9[%swap3A_252, %swap3A_253], %swap3A_256 {strides = array<i32>} : memref<80x144xf32, #tpu.memory_space<vmem>>, vector<1x16xf32>,
      %swap3A_257 = arith.index_cast %scan3A_242 : i32 to index
      %swap3A_258 = arith.constant 48 : index
      %swap3A_259 = tpu.vector_load %arg9[%swap3A_257, %swap3A_258] {strides = array<i32>} : memref<80x144xf32, #tpu.memory_space<vmem>>, vector<1x16xf32>,
      %swap3A_260 = vector.shape_cast %swap3A_259 : vector<1x16xf32> to vector<16xf32>
      %swap3A_261 = vector.shape_cast %broadcast_in_dim3A_5 : vector<16xf32> to vector<1x16xf32>
      tpu.vector_store %arg9[%swap3A_257, %swap3A_258], %swap3A_261 {strides = array<i32>} : memref<80x144xf32, #tpu.memory_space<vmem>>, vector<1x16xf32>,
      %swap3A_262 = arith.index_cast %scan3A_242 : i32 to index
      %swap3A_263 = arith.constant 64 : index
      %swap3A_264 = tpu.vector_load %arg9[%swap3A_262, %swap3A_263] {strides = array<i32>} : memref<80x144xf32, #tpu.memory_space<vmem>>, vector<1x16xf32>,
      %swap3A_265 = vector.shape_cast %swap3A_264 : vector<1x16xf32> to vector<16xf32>
      %swap3A_266 = vector.shape_cast %broadcast_in_dim3A_5 : vector<16xf32> to vector<1x16xf32>
      tpu.vector_store %arg9[%swap3A_262, %swap3A_263], %swap3A_266 {strides = array<i32>} : memref<80x144xf32, #tpu.memory_space<vmem>>, vector<1x16xf32>,
      %swap3A_267 = arith.index_cast %scan3A_242 : i32 to index
      %swap3A_268 = arith.constant 80 : index
      %swap3A_269 = tpu.vector_load %arg9[%swap3A_267, %swap3A_268] {strides = array<i32>} : memref<80x144xf32, #tpu.memory_space<vmem>>, vector<1x16xf32>,
      %swap3A_270 = vector.shape_cast %swap3A_269 : vector<1x16xf32> to vector<16xf32>
      %swap3A_271 = vector.shape_cast %broadcast_in_dim3A_5 : vector<16xf32> to vector<1x16xf32>
      tpu.vector_store %arg9[%swap3A_267, %swap3A_268], %swap3A_271 {strides = array<i32>} : memref<80x144xf32, #tpu.memory_space<vmem>>, vector<1x16xf32>,
      %swap3A_272 = arith.index_cast %scan3A_242 : i32 to index
      %swap3A_273 = arith.constant 96 : index
      %swap3A_274 = tpu.vector_load %arg9[%swap3A_272, %swap3A_273] {strides = array<i32>} : memref<80x144xf32, #tpu.memory_space<vmem>>, vector<1x16xf32>,
      %swap3A_275 = vector.shape_cast %swap3A_274 : vector<1x16xf32> to vector<16xf32>
      %swap3A_276 = vector.shape_cast %broadcast_in_dim3A_5 : vector<16xf32> to vector<1x16xf32>
      tpu.vector_store %arg9[%swap3A_272, %swap3A_273], %swap3A_276 {strides = array<i32>} : memref<80x144xf32, #tpu.memory_space<vmem>>, vector<1x16xf32>,
      %swap3A_277 = arith.index_cast %scan3A_242 : i32 to index
      %swap3A_278 = arith.constant 112 : index
      %swap3A_279 = tpu.vector_load %arg9[%swap3A_277, %swap3A_278] {strides = array<i32>} : memref<80x144xf32, #tpu.memory_space<vmem>>, vector<1x16xf32>,
      %swap3A_280 = vector.shape_cast %swap3A_279 : vector<1x16xf32> to vector<16xf32>
      %swap3A_281 = vector.shape_cast %broadcast_in_dim3A_5 : vector<16xf32> to vector<1x16xf32>
      tpu.vector_store %arg9[%swap3A_277, %swap3A_278], %swap3A_281 {strides = array<i32>} : memref<80x144xf32, #tpu.memory_space<vmem>>, vector<1x16xf32>,
      %swap3A_282 = arith.index_cast %scan3A_242 : i32 to index
      %swap3A_283 = arith.constant 128 : index
      %swap3A_284 = tpu.vector_load %arg9[%swap3A_282, %swap3A_283] {strides = array<i32>} : memref<80x144xf32, #tpu.memory_space<vmem>>, vector<1x16xf32>,
      %swap3A_285 = vector.shape_cast %swap3A_284 : vector<1x16xf32> to vector<16xf32>
      %swap3A_286 = vector.shape_cast %broadcast_in_dim3A_5 : vector<16xf32> to vector<1x16xf32>
      tpu.vector_store %arg9[%swap3A_282, %swap3A_283], %swap3A_286 {strides = array<i32>} : memref<80x144xf32, #tpu.memory_space<vmem>>, vector<1x16xf32>,
    }
    %scan3A_10 = arith.constant 80 : i32
    %add3A_11 = arith.constant 0 : i32
    %add3A_12 = arith.addi %mul3A_4, %add3A_11 : i32
    %dma_start3A = arith.constant 0 : i32
    %dma_start3A_13 = tpu.memref_slice %arg15[%add3A_12, %dma_start3A] : memref<10000x144xf32, #tpu.memory_space<vmem_shared>> -> memref<80x144xf32, #tpu.memory_space<vmem_shared>>
    %dma_start3A_14 = arith.constant 0 : i32
    %dma_start3A_15 = tpu.memref_slice %arg15[%add3A_12, %dma_start3A_14] : memref<10000x144xf32, #tpu.memory_space<vmem_shared>> -> memref<80x144xf32, #tpu.memory_space<vmem_shared>>
    tpu.enqueue_dma source(%arg9 : memref<80x144xf32, #tpu.memory_space<vmem>>) target(%dma_start3A_15 : memref<80x144xf32, #tpu.memory_space<vmem_shared>>) target_semaphore(%arg25 : memref<!tpu.dma_semaphore, #tpu.memory_space<semaphore_mem>>)
    %add3A_16 = arith.constant 80 : i32
    %add3A_17 = arith.addi %mul3A_4, %add3A_16 : i32
    %dma_start3A_18 = arith.constant 0 : i32
    %dma_start3A_19 = tpu.memref_slice %arg15[%add3A_17, %dma_start3A_18] : memref<10000x144xf32, #tpu.memory_space<vmem_shared>> -> memref<80x144xf32, #tpu.memory_space<vmem_shared>>
    %dma_start3A_20 = arith.constant 0 : i32
    %dma_start3A_21 = tpu.memref_slice %arg15[%add3A_17, %dma_start3A_20] : memref<10000x144xf32, #tpu.memory_space<vmem_shared>> -> memref<80x144xf32, #tpu.memory_space<vmem_shared>>
    tpu.enqueue_dma source(%arg9 : memref<80x144xf32, #tpu.memory_space<vmem>>) target(%dma_start3A_21 : memref<80x144xf32, #tpu.memory_space<vmem_shared>>) target_semaphore(%arg25 : memref<!tpu.dma_semaphore, #tpu.memory_space<semaphore_mem>>)
    %add3A_22 = arith.constant 160 : i32
    %add3A_23 = arith.addi %mul3A_4, %add3A_22 : i32
    %dma_start3A_24 = arith.constant 0 : i32
    %dma_start3A_25 = tpu.memref_slice %arg15[%add3A_23, %dma_start3A_24] : memref<10000x144xf32, #tpu.memory_space<vmem_shared>> -> memref<80x144xf32, #tpu.memory_space<vmem_shared>>
    %dma_start3A_26 = arith.constant 0 : i32
    %dma_start3A_27 = tpu.memref_slice %arg15[%add3A_23, %dma_start3A_26] : memref<10000x144xf32, #tpu.memory_space<vmem_shared>> -> memref<80x144xf32, #tpu.memory_space<vmem_shared>>
    tpu.enqueue_dma source(%arg9 : memref<80x144xf32, #tpu.memory_space<vmem>>) target(%dma_start3A_27 : memref<80x144xf32, #tpu.memory_space<vmem_shared>>) target_semaphore(%arg25 : memref<!tpu.dma_semaphore, #tpu.memory_space<semaphore_mem>>)
    %add3A_28 = arith.constant 240 : i32
    %add3A_29 = arith.addi %mul3A_4, %add3A_28 : i32
    %dma_start3A_30 = arith.constant 0 : i32
    %dma_start3A_31 = tpu.memref_slice %arg15[%add3A_29, %dma_start3A_30] : memref<10000x144xf32, #tpu.memory_space<vmem_shared>> -> memref<80x144xf32, #tpu.memory_space<vmem_shared>>
    %dma_start3A_32 = arith.constant 0 : i32
    %dma_start3A_33 = tpu.memref_slice %arg15[%add3A_29, %dma_start3A_32] : memref<10000x144xf32, #tpu.memory_space<vmem_shared>> -> memref<80x144xf32, #tpu.memory_space<vmem_shared>>
    tpu.enqueue_dma source(%arg9 : memref<80x144xf32, #tpu.memory_space<vmem>>) target(%dma_start3A_33 : memref<80x144xf32, #tpu.memory_space<vmem_shared>>) target_semaphore(%arg25 : memref<!tpu.dma_semaphore, #tpu.memory_space<semaphore_mem>>)
    %add3A_34 = arith.constant 320 : i32
    %add3A_35 = arith.addi %mul3A_4, %add3A_34 : i32
    %dma_start3A_36 = arith.constant 0 : i32
    %dma_start3A_37 = tpu.memref_slice %arg15[%add3A_35, %dma_start3A_36] : memref<10000x144xf32, #tpu.memory_space<vmem_shared>> -> memref<80x144xf32, #tpu.memory_space<vmem_shared>>
    %dma_start3A_38 = arith.constant 0 : i32
    %dma_start3A_39 = tpu.memref_slice %arg15[%add3A_35, %dma_start3A_38] : memref<10000x144xf32, #tpu.memory_space<vmem_shared>> -> memref<80x144xf32, #tpu.memory_space<vmem_shared>>
    tpu.enqueue_dma source(%arg9 : memref<80x144xf32, #tpu.memory_space<vmem>>) target(%dma_start3A_39 : memref<80x144xf32, #tpu.memory_space<vmem_shared>>) target_semaphore(%arg25 : memref<!tpu.dma_semaphore, #tpu.memory_space<semaphore_mem>>)
    %add3A_40 = arith.constant 400 : i32
    %add3A_41 = arith.addi %mul3A_4, %add3A_40 : i32
    %dma_start3A_42 = arith.constant 0 : i32
    %dma_start3A_43 = tpu.memref_slice %arg15[%add3A_41, %dma_start3A_42] : memref<10000x144xf32, #tpu.memory_space<vmem_shared>> -> memref<80x144xf32, #tpu.memory_space<vmem_shared>>
    %dma_start3A_44 = arith.constant 0 : i32
    %dma_start3A_45 = tpu.memref_slice %arg15[%add3A_41, %dma_start3A_44] : memref<10000x144xf32, #tpu.memory_space<vmem_shared>> -> memref<80x144xf32, #tpu.memory_space<vmem_shared>>
    tpu.enqueue_dma source(%arg9 : memref<80x144xf32, #tpu.memory_space<vmem>>) target(%dma_start3A_45 : memref<80x144xf32, #tpu.memory_space<vmem_shared>>) target_semaphore(%arg25 : memref<!tpu.dma_semaphore, #tpu.memory_space<semaphore_mem>>)
    %add3A_46 = arith.constant 480 : i32
    %add3A_47 = arith.addi %mul3A_4, %add3A_46 : i32
    %dma_start3A_48 = arith.constant 0 : i32
    %dma_start3A_49 = tpu.memref_slice %arg15[%add3A_47, %dma_start3A_48] : memref<10000x144xf32, #tpu.memory_space<vmem_shared>> -> memref<80x144xf32, #tpu.memory_space<vmem_shared>>
    %dma_start3A_50 = arith.constant 0 : i32
    %dma_start3A_51 = tpu.memref_slice %arg15[%add3A_47, %dma_start3A_50] : memref<10000x144xf32, #tpu.memory_space<vmem_shared>> -> memref<80x144xf32, #tpu.memory_space<vmem_shared>>
    tpu.enqueue_dma source(%arg9 : memref<80x144xf32, #tpu.memory_space<vmem>>) target(%dma_start3A_51 : memref<80x144xf32, #tpu.memory_space<vmem_shared>>) target_semaphore(%arg25 : memref<!tpu.dma_semaphore, #tpu.memory_space<semaphore_mem>>)
    %add3A_52 = arith.constant 560 : i32
    %add3A_53 = arith.addi %mul3A_4, %add3A_52 : i32
    %dma_start3A_54 = arith.constant 0 : i32
    %dma_start3A_55 = arith.constant 0 : i32
    %dma_start3A_56 = tpu.memref_slice %arg9[%dma_start3A_54, %dma_start3A_55] : memref<80x144xf32, #tpu.memory_space<vmem>> -> memref<65x144xf32, #tpu.memory_space<vmem>>
    %dma_start3A_57 = arith.constant 0 : i32
    %dma_start3A_58 = tpu.memref_slice %arg15[%add3A_53, %dma_start3A_57] : memref<10000x144xf32, #tpu.memory_space<vmem_shared>> -> memref<65x144xf32, #tpu.memory_space<vmem_shared>>
    %dma_start3A_59 = arith.constant 0 : i32
    %dma_start3A_60 = tpu.memref_slice %arg15[%add3A_53, %dma_start3A_59] : memref<10000x144xf32, #tpu.memory_space<vmem_shared>> -> memref<65x144xf32, #tpu.memory_space<vmem_shared>>
    %dma_start3A_61 = arith.constant 0 : i32
    %dma_start3A_62 = arith.constant 0 : i32
    %dma_start3A_63 = tpu.memref_slice %arg9[%dma_start3A_61, %dma_start3A_62] : memref<80x144xf32, #tpu.memory_space<vmem>> -> memref<65x144xf32, #tpu.memory_space<vmem>>
    tpu.enqueue_dma source(%dma_start3A_63 : memref<65x144xf32, #tpu.memory_space<vmem>>) target(%dma_start3A_60 : memref<65x144xf32, #tpu.memory_space<vmem_shared>>) target_semaphore(%arg25 : memref<!tpu.dma_semaphore, #tpu.memory_space<semaphore_mem>>)
    %dma_wait3A = arith.constant 0 : i32
    %dma_wait3A_64 = tpu.memref_slice %arg15[%mul3A_4, %dma_wait3A] : memref<10000x144xf32, #tpu.memory_space<vmem_shared>> -> memref<80x144xf32, #tpu.memory_space<vmem_shared>>
    %dma_wait3A_65 = arith.constant 0 : i32
    %dma_wait3A_66 = tpu.memref_slice %arg15[%mul3A_4, %dma_wait3A_65] : memref<10000x144xf32, #tpu.memory_space<vmem_shared>> -> memref<80x144xf32, #tpu.memory_space<vmem_shared>>
    tpu.wait_dma2 semaphore(%arg25 : memref<!tpu.dma_semaphore, #tpu.memory_space<semaphore_mem>>) src(%arg9 : memref<80x144xf32, #tpu.memory_space<vmem>>) dst(%dma_wait3A_66 : memref<80x144xf32, #tpu.memory_space<vmem_shared>>)
    %dma_wait3A_67 = arith.constant 0 : i32
    %dma_wait3A_68 = tpu.memref_slice %arg15[%mul3A_4, %dma_wait3A_67] : memref<10000x144xf32, #tpu.memory_space<vmem_shared>> -> memref<80x144xf32, #tpu.memory_space<vmem_shared>>
    %dma_wait3A_69 = arith.constant 0 : i32
    %dma_wait3A_70 = tpu.memref_slice %arg15[%mul3A_4, %dma_wait3A_69] : memref<10000x144xf32, #tpu.memory_space<vmem_shared>> -> memref<80x144xf32, #tpu.memory_space<vmem_shared>>
    tpu.wait_dma2 semaphore(%arg25 : memref<!tpu.dma_semaphore, #tpu.memory_space<semaphore_mem>>) src(%arg9 : memref<80x144xf32, #tpu.memory_space<vmem>>) dst(%dma_wait3A_70 : memref<80x144xf32, #tpu.memory_space<vmem_shared>>)
    %dma_wait3A_71 = arith.constant 0 : i32
    %dma_wait3A_72 = tpu.memref_slice %arg15[%mul3A_4, %dma_wait3A_71] : memref<10000x144xf32, #tpu.memory_space<vmem_shared>> -> memref<80x144xf32, #tpu.memory_space<vmem_shared>>
    %dma_wait3A_73 = arith.constant 0 : i32
    %dma_wait3A_74 = tpu.memref_slice %arg15[%mul3A_4, %dma_wait3A_73] : memref<10000x144xf32, #tpu.memory_space<vmem_shared>> -> memref<80x144xf32, #tpu.memory_space<vmem_shared>>
    tpu.wait_dma2 semaphore(%arg25 : memref<!tpu.dma_semaphore, #tpu.memory_space<semaphore_mem>>) src(%arg9 : memref<80x144xf32, #tpu.memory_space<vmem>>) dst(%dma_wait3A_74 : memref<80x144xf32, #tpu.memory_space<vmem_shared>>)
    %dma_wait3A_75 = arith.constant 0 : i32
    %dma_wait3A_76 = tpu.memref_slice %arg15[%mul3A_4, %dma_wait3A_75] : memref<10000x144xf32, #tpu.memory_space<vmem_shared>> -> memref<80x144xf32, #tpu.memory_space<vmem_shared>>
    %dma_wait3A_77 = arith.constant 0 : i32
    %dma_wait3A_78 = tpu.memref_slice %arg15[%mul3A_4, %dma_wait3A_77] : memref<10000x144xf32, #tpu.memory_space<vmem_shared>> -> memref<80x144xf32, #tpu.memory_space<vmem_shared>>
    tpu.wait_dma2 semaphore(%arg25 : memref<!tpu.dma_semaphore, #tpu.memory_space<semaphore_mem>>) src(%arg9 : memref<80x144xf32, #tpu.memory_space<vmem>>) dst(%dma_wait3A_78 : memref<80x144xf32, #tpu.memory_space<vmem_shared>>)
    %dma_wait3A_79 = arith.constant 0 : i32
    %dma_wait3A_80 = tpu.memref_slice %arg15[%mul3A_4, %dma_wait3A_79] : memref<10000x144xf32, #tpu.memory_space<vmem_shared>> -> memref<80x144xf32, #tpu.memory_space<vmem_shared>>
    %dma_wait3A_81 = arith.constant 0 : i32
    %dma_wait3A_82 = tpu.memref_slice %arg15[%mul3A_4, %dma_wait3A_81] : memref<10000x144xf32, #tpu.memory_space<vmem_shared>> -> memref<80x144xf32, #tpu.memory_space<vmem_shared>>
    tpu.wait_dma2 semaphore(%arg25 : memref<!tpu.dma_semaphore, #tpu.memory_space<semaphore_mem>>) src(%arg9 : memref<80x144xf32, #tpu.memory_space<vmem>>) dst(%dma_wait3A_82 : memref<80x144xf32, #tpu.memory_space<vmem_shared>>)
    %dma_wait3A_83 = arith.constant 0 : i32
    %dma_wait3A_84 = tpu.memref_slice %arg15[%mul3A_4, %dma_wait3A_83] : memref<10000x144xf32, #tpu.memory_space<vmem_shared>> -> memref<80x144xf32, #tpu.memory_space<vmem_shared>>
    %dma_wait3A_85 = arith.constant 0 : i32
    %dma_wait3A_86 = tpu.memref_slice %arg15[%mul3A_4, %dma_wait3A_85] : memref<10000x144xf32, #tpu.memory_space<vmem_shared>> -> memref<80x144xf32, #tpu.memory_space<vmem_shared>>
    tpu.wait_dma2 semaphore(%arg25 : memref<!tpu.dma_semaphore, #tpu.memory_space<semaphore_mem>>) src(%arg9 : memref<80x144xf32, #tpu.memory_space<vmem>>) dst(%dma_wait3A_86 : memref<80x144xf32, #tpu.memory_space<vmem_shared>>)
    %dma_wait3A_87 = arith.constant 0 : i32
    %dma_wait3A_88 = tpu.memref_slice %arg15[%mul3A_4, %dma_wait3A_87] : memref<10000x144xf32, #tpu.memory_space<vmem_shared>> -> memref<80x144xf32, #tpu.memory_space<vmem_shared>>
    %dma_wait3A_89 = arith.constant 0 : i32
    %dma_wait3A_90 = tpu.memref_slice %arg15[%mul3A_4, %dma_wait3A_89] : memref<10000x144xf32, #tpu.memory_space<vmem_shared>> -> memref<80x144xf32, #tpu.memory_space<vmem_shared>>
    tpu.wait_dma2 semaphore(%arg25 : memref<!tpu.dma_semaphore, #tpu.memory_space<semaphore_mem>>) src(%arg9 : memref<80x144xf32, #tpu.memory_space<vmem>>) dst(%dma_wait3A_90 : memref<80x144xf32, #tpu.memory_space<vmem_shared>>)
    %dma_wait3A_91 = arith.constant 0 : i32
    %dma_wait3A_92 = arith.constant 0 : i32
    %dma_wait3A_93 = tpu.memref_slice %arg9[%dma_wait3A_91, %dma_wait3A_92] : memref<80x144xf32, #tpu.memory_space<vmem>> -> memref<65x144xf32, #tpu.memory_space<vmem>>
    %dma_wait3A_94 = arith.constant 0 : i32
    %dma_wait3A_95 = tpu.memref_slice %arg15[%mul3A_4, %dma_wait3A_94] : memref<10000x144xf32, #tpu.memory_space<vmem_shared>> -> memref<65x144xf32, #tpu.memory_space<vmem_shared>>
    %dma_wait3A_96 = arith.constant 0 : i32
    %dma_wait3A_97 = tpu.memref_slice %arg15[%mul3A_4, %dma_wait3A_96] : memref<10000x144xf32, #tpu.memory_space<vmem_shared>> -> memref<65x144xf32, #tpu.memory_space<vmem_shared>>
    %dma_wait3A_98 = arith.constant 0 : i32
    %dma_wait3A_99 = arith.constant 0 : i32
    %dma_wait3A_100 = tpu.memref_slice %arg9[%dma_wait3A_98, %dma_wait3A_99] : memref<80x144xf32, #tpu.memory_space<vmem>> -> memref<65x144xf32, #tpu.memory_space<vmem>>
    tpu.wait_dma2 semaphore(%arg25 : memref<!tpu.dma_semaphore, #tpu.memory_space<semaphore_mem>>) src(%dma_wait3A_100 : memref<65x144xf32, #tpu.memory_space<vmem>>) dst(%dma_wait3A_97 : memref<65x144xf32, #tpu.memory_space<vmem_shared>>)
    %barrier3A = arith.constant 0 : index
    tpu.barrier barrier_id(%barrier3A)
    %iota3A = tpu.iota {dimensions = array<i32: 0>} : vector<16xi32>
    %lt3A = arith.constant 8 : i32
    %lt3A_101 = vector.broadcast %lt3A : i32 to vector<16xi32>
    %lt3A_102 = arith.cmpi slt, %iota3A, %lt3A_101 : vector<16xi32>
    %add3A_103 = arith.constant 0 : i32
    %add3A_104 = arith.addi %mul3A_2, %add3A_103 : i32
    %dma_start3A_105 = arith.constant 0 : i32
    %dma_start3A_106 = tpu.memref_slice %arg4[%dma_start3A_105, %add3A_104] : memref<2x320000xi32, #tpu.memory_space<hbm>> -> memref<2x80xi32, #tpu.memory_space<hbm>>
    %dma_start3A_107 = arith.constant 0 : i32
    %dma_start3A_108 = tpu.memref_slice %arg4[%dma_start3A_107, %add3A_104] : memref<2x320000xi32, #tpu.memory_space<hbm>> -> memref<2x80xi32, #tpu.memory_space<hbm>>
    tpu.enqueue_dma source(%dma_start3A_108 : memref<2x80xi32, #tpu.memory_space<hbm>>) target(%arg6 : memref<2x80xi32, #tpu.memory_space<vmem>>) target_semaphore(%arg16 : memref<!tpu.dma_semaphore, #tpu.memory_space<semaphore_mem>>)
    %add3A_109 = arith.constant 80 : i32
    %add3A_110 = arith.addi %mul3A_2, %add3A_109 : i32
    %dma_start3A_111 = arith.constant 0 : i32
    %dma_start3A_112 = tpu.memref_slice %arg4[%dma_start3A_111, %add3A_110] : memref<2x320000xi32, #tpu.memory_space<hbm>> -> memref<2x80xi32, #tpu.memory_space<hbm>>
    %dma_start3A_113 = arith.constant 0 : i32
    %dma_start3A_114 = tpu.memref_slice %arg4[%dma_start3A_113, %add3A_110] : memref<2x320000xi32, #tpu.memory_space<hbm>> -> memref<2x80xi32, #tpu.memory_space<hbm>>
    tpu.enqueue_dma source(%dma_start3A_114 : memref<2x80xi32, #tpu.memory_space<hbm>>) target(%arg7 : memref<2x80xi32, #tpu.memory_space<vmem>>) target_semaphore(%arg17 : memref<!tpu.dma_semaphore, #tpu.memory_space<semaphore_mem>>)
    %dma_wait3A_115 = arith.constant 0 : i32
    %dma_wait3A_116 = arith.constant 0 : i32
    %dma_wait3A_117 = tpu.memref_slice %arg4[%dma_wait3A_115, %dma_wait3A_116] : memref<2x320000xi32, #tpu.memory_space<hbm>> -> memref<2x80xi32, #tpu.memory_space<hbm>>
    %dma_wait3A_118 = arith.constant 0 : i32
    %dma_wait3A_119 = arith.constant 0 : i32
    %dma_wait3A_120 = tpu.memref_slice %arg4[%dma_wait3A_118, %dma_wait3A_119] : memref<2x320000xi32, #tpu.memory_space<hbm>> -> memref<2x80xi32, #tpu.memory_space<hbm>>
    tpu.wait_dma2 semaphore(%arg16 : memref<!tpu.dma_semaphore, #tpu.memory_space<semaphore_mem>>) src(%dma_wait3A_120 : memref<2x80xi32, #tpu.memory_space<hbm>>) dst(%arg6 : memref<2x80xi32, #tpu.memory_space<vmem>>)
    %dma_start3A_121 = arith.constant 0 : i32
    %dma_start3A_122 = arith.constant 0 : i32
    %dma_start3A_123 = tpu.memref_slice %arg6[%dma_start3A_121, %dma_start3A_122] : memref<2x80xi32, #tpu.memory_space<vmem>> -> memref<1x80xi32, #tpu.memory_space<vmem>>
    %dma_start3A_124 = tpu.memref_squeeze %dma_start3A_123 : memref<1x80xi32, #tpu.memory_space<vmem>> -> memref<80xi32, #tpu.memory_space<vmem>>
    %dma_start3A_125 = arith.constant 0 : i32
    %dma_start3A_126 = arith.constant 0 : i32
    %dma_start3A_127 = tpu.memref_slice %arg2[%dma_start3A_125, %dma_start3A_126] : memref<10000x144xf32, #tpu.memory_space<hbm>> -> memref<10000x144xf32, #tpu.memory_space<hbm>>
    tpu.enqueue_indirect_dma source(%dma_start3A_127 : memref<10000x144xf32, #tpu.memory_space<hbm>>) target(%arg9 : memref<80x144xf32, #tpu.memory_space<vmem>>) offsets(%dma_start3A_124 : memref<80xi32, #tpu.memory_space<vmem>>) semaphore(%arg19 : memref<!tpu.dma_semaphore, #tpu.memory_space<semaphore_mem>>)
    %dma_start3A_128 = arith.constant 1 : i32
    %dma_start3A_129 = arith.constant 0 : i32
    %dma_start3A_130 = tpu.memref_slice %arg6[%dma_start3A_128, %dma_start3A_129] : memref<2x80xi32, #tpu.memory_space<vmem>> -> memref<1x80xi32, #tpu.memory_space<vmem>>
    %dma_start3A_131 = tpu.memref_squeeze %dma_start3A_130 : memref<1x80xi32, #tpu.memory_space<vmem>> -> memref<80xi32, #tpu.memory_space<vmem>>
    %dma_start3A_132 = arith.constant 0 : i32
    %dma_start3A_133 = arith.constant 0 : i32
    %dma_start3A_134 = tpu.memref_slice %arg3[%dma_start3A_132, %dma_start3A_133] : memref<10000x16xf32, #tpu.memory_space<hbm>> -> memref<10000x16xf32, #tpu.memory_space<hbm>>
    tpu.enqueue_indirect_dma source(%dma_start3A_134 : memref<10000x16xf32, #tpu.memory_space<hbm>>) target(%arg12 : memref<80x16xf32, #tpu.memory_space<vmem>>) offsets(%dma_start3A_131 : memref<80xi32, #tpu.memory_space<vmem>>) semaphore(%arg22 : memref<!tpu.dma_semaphore, #tpu.memory_space<semaphore_mem>>)
    %scan3A_135 = arith.constant 0 : i32
    %scan3A_136 = arith.constant 0 : i32
    %scan3A_137 = arith.constant 41 : i32
    %scan3A_138 = arith.addi %scan3A_136, %scan3A_137 : i32
    %scan3A_139 = arith.constant 1 : i32
    scf.for %scan3A_242 = %scan3A_136 to %scan3A_138 step %scan3A_139  : i32 {
      %mul3A_243 = arith.constant 3 : i32
      %mul3A_244 = arith.muli %scan3A_242, %mul3A_243 : i32
      %add3A_245 = arith.constant 0 : i32
      %add3A_246 = arith.addi %mul3A_244, %add3A_245 : i32
      %dma_wait3A_247 = arith.constant 0 : i32
      %dma_wait3A_248 = arith.constant 0 : i32
      %dma_wait3A_249 = tpu.memref_slice %arg6[%dma_wait3A_247, %dma_wait3A_248] : memref<2x80xi32, #tpu.memory_space<vmem>> -> memref<1x80xi32, #tpu.memory_space<vmem>>
      %dma_wait3A_250 = tpu.memref_squeeze %dma_wait3A_249 : memref<1x80xi32, #tpu.memory_space<vmem>> -> memref<80xi32, #tpu.memory_space<vmem>>
      %dma_wait3A_251 = arith.constant 0 : i32
      %dma_wait3A_252 = arith.constant 0 : i32
      %dma_wait3A_253 = tpu.memref_slice %arg2[%dma_wait3A_251, %dma_wait3A_252] : memref<10000x144xf32, #tpu.memory_space<hbm>> -> memref<10000x144xf32, #tpu.memory_space<hbm>>
      tpu.wait_indirect_dma semaphore(%arg19 : memref<!tpu.dma_semaphore, #tpu.memory_space<semaphore_mem>>) src(%dma_wait3A_253 : memref<10000x144xf32, #tpu.memory_space<hbm>>) dst(%arg9 : memref<80x144xf32, #tpu.memory_space<vmem>>)
      %dma_wait3A_254 = arith.constant 1 : i32
      %dma_wait3A_255 = arith.constant 0 : i32
      %dma_wait3A_256 = tpu.memref_slice %arg6[%dma_wait3A_254, %dma_wait3A_255] : memref<2x80xi32, #tpu.memory_space<vmem>> -> memref<1x80xi32, #tpu.memory_space<vmem>>
      %dma_wait3A_257 = tpu.memref_squeeze %dma_wait3A_256 : memref<1x80xi32, #tpu.memory_space<vmem>> -> memref<80xi32, #tpu.memory_space<vmem>>
      %dma_wait3A_258 = arith.constant 0 : i32
      %dma_wait3A_259 = arith.constant 0 : i32
      %dma_wait3A_260 = tpu.memref_slice %arg3[%dma_wait3A_258, %dma_wait3A_259] : memref<10000x16xf32, #tpu.memory_space<hbm>> -> memref<10000x16xf32, #tpu.memory_space<hbm>>
      tpu.wait_indirect_dma semaphore(%arg22 : memref<!tpu.dma_semaphore, #tpu.memory_space<semaphore_mem>>) src(%dma_wait3A_260 : memref<10000x16xf32, #tpu.memory_space<hbm>>) dst(%arg12 : memref<80x16xf32, #tpu.memory_space<vmem>>)
      %add3A_261 = arith.constant 2 : i32
      %add3A_262 = arith.addi %add3A_246, %add3A_261 : i32
      %lt3A_263 = arith.constant 125 : i32
      %lt3A_264 = arith.cmpi slt, %add3A_262, %lt3A_263 : i32
      %convert_element_type3A_265 = arith.extui %lt3A_264 : i1 to i32
      %cond3A_266 = arith.constant 0 : i32
      %cond3A_267 = arith.cmpi ne, %convert_element_type3A_265, %cond3A_266 : i32
      scf.if %cond3A_267 {
        %ge3A = arith.constant 1 : i32
        %ge3A_369 = arith.cmpi sge, %add3A_246, %ge3A : i32
        %convert_element_type3A_370 = arith.extui %ge3A_369 : i1 to i32
        %cond3A_371 = arith.constant 0 : i32
        %cond3A_372 = arith.cmpi ne, %convert_element_type3A_370, %cond3A_371 : i32
        scf.if %cond3A_372 {
          %dma_wait3A_382 = arith.constant 1 : i32
          %dma_wait3A_383 = arith.constant 0 : i32
          %dma_wait3A_384 = tpu.memref_slice %arg8[%dma_wait3A_382, %dma_wait3A_383] : memref<2x80xi32, #tpu.memory_space<vmem>> -> memref<1x80xi32, #tpu.memory_space<vmem>>
          %dma_wait3A_385 = tpu.memref_squeeze %dma_wait3A_384 : memref<1x80xi32, #tpu.memory_space<vmem>> -> memref<80xi32, #tpu.memory_space<vmem>>
          %dma_wait3A_386 = arith.constant 0 : i32
          %dma_wait3A_387 = arith.constant 0 : i32
          %dma_wait3A_388 = tpu.memref_slice %arg15[%dma_wait3A_386, %dma_wait3A_387] : memref<10000x144xf32, #tpu.memory_space<vmem_shared>> -> memref<10000x144xf32, #tpu.memory_space<vmem_shared>>
          tpu.wait_indirect_dma semaphore(%arg27 : memref<!tpu.dma_semaphore, #tpu.memory_space<semaphore_mem>>) src(%arg11 : memref<80x144xf32, #tpu.memory_space<vmem>>) dst(%dma_wait3A_388 : memref<10000x144xf32, #tpu.memory_space<vmem_shared>>)
        } else {
        }
        %add3A_373 = arith.constant 2 : i32
        %add3A_374 = arith.addi %add3A_246, %add3A_373 : i32
        %mul3A_375 = arith.constant 80 : i32
        %mul3A_376 = arith.muli %add3A_374, %mul3A_375 : i32
        %add3A_377 = arith.addi %mul3A_2, %mul3A_376 : i32
        %dma_start3A_378 = arith.constant 0 : i32
        %dma_start3A_379 = tpu.memref_slice %arg4[%dma_start3A_378, %add3A_377] : memref<2x320000xi32, #tpu.memory_space<hbm>> -> memref<2x80xi32, #tpu.memory_space<hbm>>
        %dma_start3A_380 = arith.constant 0 : i32
        %dma_start3A_381 = tpu.memref_slice %arg4[%dma_start3A_380, %add3A_377] : memref<2x320000xi32, #tpu.memory_space<hbm>> -> memref<2x80xi32, #tpu.memory_space<hbm>>
        tpu.enqueue_dma source(%dma_start3A_381 : memref<2x80xi32, #tpu.memory_space<hbm>>) target(%arg8 : memref<2x80xi32, #tpu.memory_space<vmem>>) target_semaphore(%arg18 : memref<!tpu.dma_semaphore, #tpu.memory_space<semaphore_mem>>)
      } else {
      }
      %add3A_268 = arith.constant 1 : i32
      %add3A_269 = arith.addi %add3A_246, %add3A_268 : i32
      %lt3A_270 = arith.constant 125 : i32
      %lt3A_271 = arith.cmpi slt, %add3A_269, %lt3A_270 : i32
      %convert_element_type3A_272 = arith.extui %lt3A_271 : i1 to i32
      %cond3A_273 = arith.constant 0 : i32
      %cond3A_274 = arith.cmpi ne, %convert_element_type3A_272, %cond3A_273 : i32
      scf.if %cond3A_274 {
        %dma_wait3A_369 = arith.constant 0 : i32
        %dma_wait3A_370 = arith.constant 0 : i32
        %dma_wait3A_371 = tpu.memref_slice %arg4[%dma_wait3A_369, %dma_wait3A_370] : memref<2x320000xi32, #tpu.memory_space<hbm>> -> memref<2x80xi32, #tpu.memory_space<hbm>>
        %dma_wait3A_372 = arith.constant 0 : i32
        %dma_wait3A_373 = arith.constant 0 : i32
        %dma_wait3A_374 = tpu.memref_slice %arg4[%dma_wait3A_372, %dma_wait3A_373] : memref<2x320000xi32, #tpu.memory_space<hbm>> -> memref<2x80xi32, #tpu.memory_space<hbm>>
        tpu.wait_dma2 semaphore(%arg17 : memref<!tpu.dma_semaphore, #tpu.memory_space<semaphore_mem>>) src(%dma_wait3A_374 : memref<2x80xi32, #tpu.memory_space<hbm>>) dst(%arg7 : memref<2x80xi32, #tpu.memory_space<vmem>>)
        %dma_start3A_375 = arith.constant 0 : i32
        %dma_start3A_376 = arith.constant 0 : i32
        %dma_start3A_377 = tpu.memref_slice %arg7[%dma_start3A_375, %dma_start3A_376] : memref<2x80xi32, #tpu.memory_space<vmem>> -> memref<1x80xi32, #tpu.memory_space<vmem>>
        %dma_start3A_378 = tpu.memref_squeeze %dma_start3A_377 : memref<1x80xi32, #tpu.memory_space<vmem>> -> memref<80xi32, #tpu.memory_space<vmem>>
        %dma_start3A_379 = arith.constant 0 : i32
        %dma_start3A_380 = arith.constant 0 : i32
        %dma_start3A_381 = tpu.memref_slice %arg2[%dma_start3A_379, %dma_start3A_380] : memref<10000x144xf32, #tpu.memory_space<hbm>> -> memref<10000x144xf32, #tpu.memory_space<hbm>>
        tpu.enqueue_indirect_dma source(%dma_start3A_381 : memref<10000x144xf32, #tpu.memory_space<hbm>>) target(%arg10 : memref<80x144xf32, #tpu.memory_space<vmem>>) offsets(%dma_start3A_378 : memref<80xi32, #tpu.memory_space<vmem>>) semaphore(%arg20 : memref<!tpu.dma_semaphore, #tpu.memory_space<semaphore_mem>>)
        %dma_start3A_382 = arith.constant 1 : i32
        %dma_start3A_383 = arith.constant 0 : i32
        %dma_start3A_384 = tpu.memref_slice %arg7[%dma_start3A_382, %dma_start3A_383] : memref<2x80xi32, #tpu.memory_space<vmem>> -> memref<1x80xi32, #tpu.memory_space<vmem>>
        %dma_start3A_385 = tpu.memref_squeeze %dma_start3A_384 : memref<1x80xi32, #tpu.memory_space<vmem>> -> memref<80xi32, #tpu.memory_space<vmem>>
        %dma_start3A_386 = arith.constant 0 : i32
        %dma_start3A_387 = arith.constant 0 : i32
        %dma_start3A_388 = tpu.memref_slice %arg3[%dma_start3A_386, %dma_start3A_387] : memref<10000x16xf32, #tpu.memory_space<hbm>> -> memref<10000x16xf32, #tpu.memory_space<hbm>>
        tpu.enqueue_indirect_dma source(%dma_start3A_388 : memref<10000x16xf32, #tpu.memory_space<hbm>>) target(%arg13 : memref<80x16xf32, #tpu.memory_space<vmem>>) offsets(%dma_start3A_385 : memref<80xi32, #tpu.memory_space<vmem>>) semaphore(%arg23 : memref<!tpu.dma_semaphore, #tpu.memory_space<semaphore_mem>>)
      } else {
      }
      %parallel_loop3A_275 = arith.constant 0 : i32
      %parallel_loop3A_276 = arith.constant 80 : i32
      %parallel_loop3A_277 = arith.constant 1 : i32
      scf.for %parallel_loop3A_369 = %parallel_loop3A_275 to %parallel_loop3A_276 step %parallel_loop3A_277  : i32 {
        %parallel_loop3A_370 = arith.index_cast %parallel_loop3A_369 : i32 to index
        %parallel_loop3A_371 = arith.constant 128 : index
        %parallel_loop3A_372 = tpu.vector_load %arg9[%parallel_loop3A_370, %parallel_loop3A_371] {strides = array<i32>} : memref<80x144xf32, #tpu.memory_space<vmem>>, vector<1x16xf32>,
        %parallel_loop3A_373 = vector.shape_cast %parallel_loop3A_372 : vector<1x16xf32> to vector<16xf32>
        %parallel_loop3A_374 = arith.index_cast %parallel_loop3A_369 : i32 to index
        %parallel_loop3A_375 = arith.constant 0 : index
        %parallel_loop3A_376 = tpu.vector_load %arg12[%parallel_loop3A_374, %parallel_loop3A_375] {strides = array<i32>} : memref<80x16xf32, #tpu.memory_space<vmem>>, vector<1x16xf32>,
        %parallel_loop3A_377 = vector.shape_cast %parallel_loop3A_376 : vector<1x16xf32> to vector<16xf32>
        %parallel_loop3A_378 = arith.addf %parallel_loop3A_373, %parallel_loop3A_377 : vector<16xf32>
        %parallel_loop3A_379 = arith.constant 0.000000e+00 : f32
        %parallel_loop3A_380 = vector.broadcast %parallel_loop3A_379 : f32 to vector<16xf32>
        %parallel_loop3A_381 = arith.cmpf ogt, %parallel_loop3A_378, %parallel_loop3A_380 : vector<16xf32>
        %parallel_loop3A_382 = arith.constant 2.000000e-01 : f32
        %parallel_loop3A_383 = vector.broadcast %parallel_loop3A_382 : f32 to vector<16xf32>
        %parallel_loop3A_384 = arith.mulf %parallel_loop3A_378, %parallel_loop3A_383 : vector<16xf32>
        %parallel_loop3A_385 = arith.select %parallel_loop3A_381, %parallel_loop3A_378, %parallel_loop3A_384 : vector<16xi1>, vector<16xf32>
        %parallel_loop3A_386 = math.exp %parallel_loop3A_385 : vector<16xf32>
        %parallel_loop3A_387 = arith.constant 0.000000e+00 : f32
        %parallel_loop3A_388 = vector.broadcast %parallel_loop3A_387 : f32 to vector<16xf32>
        %parallel_loop3A_389 = arith.select %lt3A_102, %parallel_loop3A_386, %parallel_loop3A_388 : vector<16xi1>, vector<16xf32>
        %parallel_loop3A_390 = arith.index_cast %parallel_loop3A_369 : i32 to index
        %parallel_loop3A_391 = arith.constant 128 : index
        %parallel_loop3A_392 = tpu.vector_load %arg9[%parallel_loop3A_390, %parallel_loop3A_391] {strides = array<i32>} : memref<80x144xf32, #tpu.memory_space<vmem>>, vector<1x16xf32>,
        %parallel_loop3A_393 = vector.shape_cast %parallel_loop3A_392 : vector<1x16xf32> to vector<16xf32>
        %parallel_loop3A_394 = vector.shape_cast %parallel_loop3A_389 : vector<16xf32> to vector<1x16xf32>
        tpu.vector_store %arg9[%parallel_loop3A_390, %parallel_loop3A_391], %parallel_loop3A_394 {strides = array<i32>} : memref<80x144xf32, #tpu.memory_space<vmem>>, vector<1x16xf32>,
        %parallel_loop3A_395 = arith.index_cast %parallel_loop3A_369 : i32 to index
        %parallel_loop3A_396 = arith.constant 0 : index
        %parallel_loop3A_397 = tpu.vector_load %arg9[%parallel_loop3A_395, %parallel_loop3A_396] {strides = array<i32>} : memref<80x144xf32, #tpu.memory_space<vmem>>, vector<1x16xf32>,
        %parallel_loop3A_398 = vector.shape_cast %parallel_loop3A_397 : vector<1x16xf32> to vector<16xf32>
        %parallel_loop3A_399 = arith.mulf %parallel_loop3A_398, %parallel_loop3A_386 : vector<16xf32>
        %parallel_loop3A_400 = arith.index_cast %parallel_loop3A_369 : i32 to index
        %parallel_loop3A_401 = arith.constant 0 : index
        %parallel_loop3A_402 = tpu.vector_load %arg9[%parallel_loop3A_400, %parallel_loop3A_401] {strides = array<i32>} : memref<80x144xf32, #tpu.memory_space<vmem>>, vector<1x16xf32>,
        %parallel_loop3A_403 = vector.shape_cast %parallel_loop3A_402 : vector<1x16xf32> to vector<16xf32>
        %parallel_loop3A_404 = vector.shape_cast %parallel_loop3A_399 : vector<16xf32> to vector<1x16xf32>
        tpu.vector_store %arg9[%parallel_loop3A_400, %parallel_loop3A_401], %parallel_loop3A_404 {strides = array<i32>} : memref<80x144xf32, #tpu.memory_space<vmem>>, vector<1x16xf32>,
        %parallel_loop3A_405 = arith.index_cast %parallel_loop3A_369 : i32 to index
        %parallel_loop3A_406 = arith.constant 16 : index
        %parallel_loop3A_407 = tpu.vector_load %arg9[%parallel_loop3A_405, %parallel_loop3A_406] {strides = array<i32>} : memref<80x144xf32, #tpu.memory_space<vmem>>, vector<1x16xf32>,
        %parallel_loop3A_408 = vector.shape_cast %parallel_loop3A_407 : vector<1x16xf32> to vector<16xf32>
        %parallel_loop3A_409 = arith.mulf %parallel_loop3A_408, %parallel_loop3A_386 : vector<16xf32>
        %parallel_loop3A_410 = arith.index_cast %parallel_loop3A_369 : i32 to index
        %parallel_loop3A_411 = arith.constant 16 : index
        %parallel_loop3A_412 = tpu.vector_load %arg9[%parallel_loop3A_410, %parallel_loop3A_411] {strides = array<i32>} : memref<80x144xf32, #tpu.memory_space<vmem>>, vector<1x16xf32>,
        %parallel_loop3A_413 = vector.shape_cast %parallel_loop3A_412 : vector<1x16xf32> to vector<16xf32>
        %parallel_loop3A_414 = vector.shape_cast %parallel_loop3A_409 : vector<16xf32> to vector<1x16xf32>
        tpu.vector_store %arg9[%parallel_loop3A_410, %parallel_loop3A_411], %parallel_loop3A_414 {strides = array<i32>} : memref<80x144xf32, #tpu.memory_space<vmem>>, vector<1x16xf32>,
        %parallel_loop3A_415 = arith.index_cast %parallel_loop3A_369 : i32 to index
        %parallel_loop3A_416 = arith.constant 32 : index
        %parallel_loop3A_417 = tpu.vector_load %arg9[%parallel_loop3A_415, %parallel_loop3A_416] {strides = array<i32>} : memref<80x144xf32, #tpu.memory_space<vmem>>, vector<1x16xf32>,
        %parallel_loop3A_418 = vector.shape_cast %parallel_loop3A_417 : vector<1x16xf32> to vector<16xf32>
        %parallel_loop3A_419 = arith.mulf %parallel_loop3A_418, %parallel_loop3A_386 : vector<16xf32>
        %parallel_loop3A_420 = arith.index_cast %parallel_loop3A_369 : i32 to index
        %parallel_loop3A_421 = arith.constant 32 : index
        %parallel_loop3A_422 = tpu.vector_load %arg9[%parallel_loop3A_420, %parallel_loop3A_421] {strides = array<i32>} : memref<80x144xf32, #tpu.memory_space<vmem>>, vector<1x16xf32>,
        %parallel_loop3A_423 = vector.shape_cast %parallel_loop3A_422 : vector<1x16xf32> to vector<16xf32>
        %parallel_loop3A_424 = vector.shape_cast %parallel_loop3A_419 : vector<16xf32> to vector<1x16xf32>
        tpu.vector_store %arg9[%parallel_loop3A_420, %parallel_loop3A_421], %parallel_loop3A_424 {strides = array<i32>} : memref<80x144xf32, #tpu.memory_space<vmem>>, vector<1x16xf32>,
        %parallel_loop3A_425 = arith.index_cast %parallel_loop3A_369 : i32 to index
        %parallel_loop3A_426 = arith.constant 48 : index
        %parallel_loop3A_427 = tpu.vector_load %arg9[%parallel_loop3A_425, %parallel_loop3A_426] {strides = array<i32>} : memref<80x144xf32, #tpu.memory_space<vmem>>, vector<1x16xf32>,
        %parallel_loop3A_428 = vector.shape_cast %parallel_loop3A_427 : vector<1x16xf32> to vector<16xf32>
        %parallel_loop3A_429 = arith.mulf %parallel_loop3A_428, %parallel_loop3A_386 : vector<16xf32>
        %parallel_loop3A_430 = arith.index_cast %parallel_loop3A_369 : i32 to index
        %parallel_loop3A_431 = arith.constant 48 : index
        %parallel_loop3A_432 = tpu.vector_load %arg9[%parallel_loop3A_430, %parallel_loop3A_431] {strides = array<i32>} : memref<80x144xf32, #tpu.memory_space<vmem>>, vector<1x16xf32>,
        %parallel_loop3A_433 = vector.shape_cast %parallel_loop3A_432 : vector<1x16xf32> to vector<16xf32>
        %parallel_loop3A_434 = vector.shape_cast %parallel_loop3A_429 : vector<16xf32> to vector<1x16xf32>
        tpu.vector_store %arg9[%parallel_loop3A_430, %parallel_loop3A_431], %parallel_loop3A_434 {strides = array<i32>} : memref<80x144xf32, #tpu.memory_space<vmem>>, vector<1x16xf32>,
        %parallel_loop3A_435 = arith.index_cast %parallel_loop3A_369 : i32 to index
        %parallel_loop3A_436 = arith.constant 64 : index
        %parallel_loop3A_437 = tpu.vector_load %arg9[%parallel_loop3A_435, %parallel_loop3A_436] {strides = array<i32>} : memref<80x144xf32, #tpu.memory_space<vmem>>, vector<1x16xf32>,
        %parallel_loop3A_438 = vector.shape_cast %parallel_loop3A_437 : vector<1x16xf32> to vector<16xf32>
        %parallel_loop3A_439 = arith.mulf %parallel_loop3A_438, %parallel_loop3A_386 : vector<16xf32>
        %parallel_loop3A_440 = arith.index_cast %parallel_loop3A_369 : i32 to index
        %parallel_loop3A_441 = arith.constant 64 : index
        %parallel_loop3A_442 = tpu.vector_load %arg9[%parallel_loop3A_440, %parallel_loop3A_441] {strides = array<i32>} : memref<80x144xf32, #tpu.memory_space<vmem>>, vector<1x16xf32>,
        %parallel_loop3A_443 = vector.shape_cast %parallel_loop3A_442 : vector<1x16xf32> to vector<16xf32>
        %parallel_loop3A_444 = vector.shape_cast %parallel_loop3A_439 : vector<16xf32> to vector<1x16xf32>
        tpu.vector_store %arg9[%parallel_loop3A_440, %parallel_loop3A_441], %parallel_loop3A_444 {strides = array<i32>} : memref<80x144xf32, #tpu.memory_space<vmem>>, vector<1x16xf32>,
        %parallel_loop3A_445 = arith.index_cast %parallel_loop3A_369 : i32 to index
        %parallel_loop3A_446 = arith.constant 80 : index
        %parallel_loop3A_447 = tpu.vector_load %arg9[%parallel_loop3A_445, %parallel_loop3A_446] {strides = array<i32>} : memref<80x144xf32, #tpu.memory_space<vmem>>, vector<1x16xf32>,
        %parallel_loop3A_448 = vector.shape_cast %parallel_loop3A_447 : vector<1x16xf32> to vector<16xf32>
        %parallel_loop3A_449 = arith.mulf %parallel_loop3A_448, %parallel_loop3A_386 : vector<16xf32>
        %parallel_loop3A_450 = arith.index_cast %parallel_loop3A_369 : i32 to index
        %parallel_loop3A_451 = arith.constant 80 : index
        %parallel_loop3A_452 = tpu.vector_load %arg9[%parallel_loop3A_450, %parallel_loop3A_451] {strides = array<i32>} : memref<80x144xf32, #tpu.memory_space<vmem>>, vector<1x16xf32>,
        %parallel_loop3A_453 = vector.shape_cast %parallel_loop3A_452 : vector<1x16xf32> to vector<16xf32>
        %parallel_loop3A_454 = vector.shape_cast %parallel_loop3A_449 : vector<16xf32> to vector<1x16xf32>
        tpu.vector_store %arg9[%parallel_loop3A_450, %parallel_loop3A_451], %parallel_loop3A_454 {strides = array<i32>} : memref<80x144xf32, #tpu.memory_space<vmem>>, vector<1x16xf32>,
        %parallel_loop3A_455 = arith.index_cast %parallel_loop3A_369 : i32 to index
        %parallel_loop3A_456 = arith.constant 96 : index
        %parallel_loop3A_457 = tpu.vector_load %arg9[%parallel_loop3A_455, %parallel_loop3A_456] {strides = array<i32>} : memref<80x144xf32, #tpu.memory_space<vmem>>, vector<1x16xf32>,
        %parallel_loop3A_458 = vector.shape_cast %parallel_loop3A_457 : vector<1x16xf32> to vector<16xf32>
        %parallel_loop3A_459 = arith.mulf %parallel_loop3A_458, %parallel_loop3A_386 : vector<16xf32>
        %parallel_loop3A_460 = arith.index_cast %parallel_loop3A_369 : i32 to index
        %parallel_loop3A_461 = arith.constant 96 : index
        %parallel_loop3A_462 = tpu.vector_load %arg9[%parallel_loop3A_460, %parallel_loop3A_461] {strides = array<i32>} : memref<80x144xf32, #tpu.memory_space<vmem>>, vector<1x16xf32>,
        %parallel_loop3A_463 = vector.shape_cast %parallel_loop3A_462 : vector<1x16xf32> to vector<16xf32>
        %parallel_loop3A_464 = vector.shape_cast %parallel_loop3A_459 : vector<16xf32> to vector<1x16xf32>
        tpu.vector_store %arg9[%parallel_loop3A_460, %parallel_loop3A_461], %parallel_loop3A_464 {strides = array<i32>} : memref<80x144xf32, #tpu.memory_space<vmem>>, vector<1x16xf32>,
        %parallel_loop3A_465 = arith.index_cast %parallel_loop3A_369 : i32 to index
        %parallel_loop3A_466 = arith.constant 112 : index
        %parallel_loop3A_467 = tpu.vector_load %arg9[%parallel_loop3A_465, %parallel_loop3A_466] {strides = array<i32>} : memref<80x144xf32, #tpu.memory_space<vmem>>, vector<1x16xf32>,
        %parallel_loop3A_468 = vector.shape_cast %parallel_loop3A_467 : vector<1x16xf32> to vector<16xf32>
        %parallel_loop3A_469 = arith.mulf %parallel_loop3A_468, %parallel_loop3A_386 : vector<16xf32>
        %parallel_loop3A_470 = arith.index_cast %parallel_loop3A_369 : i32 to index
        %parallel_loop3A_471 = arith.constant 112 : index
        %parallel_loop3A_472 = tpu.vector_load %arg9[%parallel_loop3A_470, %parallel_loop3A_471] {strides = array<i32>} : memref<80x144xf32, #tpu.memory_space<vmem>>, vector<1x16xf32>,
        %parallel_loop3A_473 = vector.shape_cast %parallel_loop3A_472 : vector<1x16xf32> to vector<16xf32>
        %parallel_loop3A_474 = vector.shape_cast %parallel_loop3A_469 : vector<16xf32> to vector<1x16xf32>
        tpu.vector_store %arg9[%parallel_loop3A_470, %parallel_loop3A_471], %parallel_loop3A_474 {strides = array<i32>} : memref<80x144xf32, #tpu.memory_space<vmem>>, vector<1x16xf32>,
      } {sc.loop_unroll_factor = 4 : i64, sc.parallel_access}
      %dma_start3A_278 = arith.constant 1 : i32
      %dma_start3A_279 = arith.constant 0 : i32
      %dma_start3A_280 = tpu.memref_slice %arg6[%dma_start3A_278, %dma_start3A_279] : memref<2x80xi32, #tpu.memory_space<vmem>> -> memref<1x80xi32, #tpu.memory_space<vmem>>
      %dma_start3A_281 = tpu.memref_squeeze %dma_start3A_280 : memref<1x80xi32, #tpu.memory_space<vmem>> -> memref<80xi32, #tpu.memory_space<vmem>>
      %dma_start3A_282 = arith.constant 0 : i32
      %dma_start3A_283 = arith.constant 0 : i32
      %dma_start3A_284 = tpu.memref_slice %arg15[%dma_start3A_282, %dma_start3A_283] : memref<10000x144xf32, #tpu.memory_space<vmem_shared>> -> memref<10000x144xf32, #tpu.memory_space<vmem_shared>>
      tpu.enqueue_indirect_dma source(%arg9 : memref<80x144xf32, #tpu.memory_space<vmem>>) target(%dma_start3A_284 : memref<10000x144xf32, #tpu.memory_space<vmem_shared>>) offsets(%dma_start3A_281 : memref<80xi32, #tpu.memory_space<vmem>>) semaphore(%arg25 : memref<!tpu.dma_semaphore, #tpu.memory_space<semaphore_mem>>) {add = true}
      %mul3A_285 = arith.constant 3 : i32
      %mul3A_286 = arith.muli %scan3A_242, %mul3A_285 : i32
      %add3A_287 = arith.constant 1 : i32
      %add3A_288 = arith.addi %mul3A_286, %add3A_287 : i32
      %dma_wait3A_289 = arith.constant 0 : i32
      %dma_wait3A_290 = arith.constant 0 : i32
      %dma_wait3A_291 = tpu.memref_slice %arg7[%dma_wait3A_289, %dma_wait3A_290] : memref<2x80xi32, #tpu.memory_space<vmem>> -> memref<1x80xi32, #tpu.memory_space<vmem>>
      %dma_wait3A_292 = tpu.memref_squeeze %dma_wait3A_291 : memref<1x80xi32, #tpu.memory_space<vmem>> -> memref<80xi32, #tpu.memory_space<vmem>>
      %dma_wait3A_293 = arith.constant 0 : i32
      %dma_wait3A_294 = arith.constant 0 : i32
      %dma_wait3A_295 = tpu.memref_slice %arg2[%dma_wait3A_293, %dma_wait3A_294] : memref<10000x144xf32, #tpu.memory_space<hbm>> -> memref<10000x144xf32, #tpu.memory_space<hbm>>
      tpu.wait_indirect_dma semaphore(%arg20 : memref<!tpu.dma_semaphore, #tpu.memory_space<semaphore_mem>>) src(%dma_wait3A_295 : memref<10000x144xf32, #tpu.memory_space<hbm>>) dst(%arg10 : memref<80x144xf32, #tpu.memory_space<vmem>>)
      %dma_wait3A_296 = arith.constant 1 : i32
      %dma_wait3A_297 = arith.constant 0 : i32
      %dma_wait3A_298 = tpu.memref_slice %arg7[%dma_wait3A_296, %dma_wait3A_297] : memref<2x80xi32, #tpu.memory_space<vmem>> -> memref<1x80xi32, #tpu.memory_space<vmem>>
      %dma_wait3A_299 = tpu.memref_squeeze %dma_wait3A_298 : memref<1x80xi32, #tpu.memory_space<vmem>> -> memref<80xi32, #tpu.memory_space<vmem>>
      %dma_wait3A_300 = arith.constant 0 : i32
      %dma_wait3A_301 = arith.constant 0 : i32
      %dma_wait3A_302 = tpu.memref_slice %arg3[%dma_wait3A_300, %dma_wait3A_301] : memref<10000x16xf32, #tpu.memory_space<hbm>> -> memref<10000x16xf32, #tpu.memory_space<hbm>>
      tpu.wait_indirect_dma semaphore(%arg23 : memref<!tpu.dma_semaphore, #tpu.memory_space<semaphore_mem>>) src(%dma_wait3A_302 : memref<10000x16xf32, #tpu.memory_space<hbm>>) dst(%arg13 : memref<80x16xf32, #tpu.memory_space<vmem>>)
      %add3A_303 = arith.constant 2 : i32
      %add3A_304 = arith.addi %add3A_288, %add3A_303 : i32
      %lt3A_305 = arith.constant 125 : i32
      %lt3A_306 = arith.cmpi slt, %add3A_304, %lt3A_305 : i32
      %convert_element_type3A_307 = arith.extui %lt3A_306 : i1 to i32
      %cond3A_308 = arith.constant 0 : i32
      %cond3A_309 = arith.cmpi ne, %convert_element_type3A_307, %cond3A_308 : i32
      scf.if %cond3A_309 {
        %ge3A = arith.constant 1 : i32
        %ge3A_369 = arith.cmpi sge, %add3A_288, %ge3A : i32
        %convert_element_type3A_370 = arith.extui %ge3A_369 : i1 to i32
        %cond3A_371 = arith.constant 0 : i32
        %cond3A_372 = arith.cmpi ne, %convert_element_type3A_370, %cond3A_371 : i32
        scf.if %cond3A_372 {
          %dma_wait3A_382 = arith.constant 1 : i32
          %dma_wait3A_383 = arith.constant 0 : i32
          %dma_wait3A_384 = tpu.memref_slice %arg6[%dma_wait3A_382, %dma_wait3A_383] : memref<2x80xi32, #tpu.memory_space<vmem>> -> memref<1x80xi32, #tpu.memory_space<vmem>>
          %dma_wait3A_385 = tpu.memref_squeeze %dma_wait3A_384 : memref<1x80xi32, #tpu.memory_space<vmem>> -> memref<80xi32, #tpu.memory_space<vmem>>
          %dma_wait3A_386 = arith.constant 0 : i32
          %dma_wait3A_387 = arith.constant 0 : i32
          %dma_wait3A_388 = tpu.memref_slice %arg15[%dma_wait3A_386, %dma_wait3A_387] : memref<10000x144xf32, #tpu.memory_space<vmem_shared>> -> memref<10000x144xf32, #tpu.memory_space<vmem_shared>>
          tpu.wait_indirect_dma semaphore(%arg25 : memref<!tpu.dma_semaphore, #tpu.memory_space<semaphore_mem>>) src(%arg9 : memref<80x144xf32, #tpu.memory_space<vmem>>) dst(%dma_wait3A_388 : memref<10000x144xf32, #tpu.memory_space<vmem_shared>>)
        } else {
        }
        %add3A_373 = arith.constant 2 : i32
        %add3A_374 = arith.addi %add3A_288, %add3A_373 : i32
        %mul3A_375 = arith.constant 80 : i32
        %mul3A_376 = arith.muli %add3A_374, %mul3A_375 : i32
        %add3A_377 = arith.addi %mul3A_2, %mul3A_376 : i32
        %dma_start3A_378 = arith.constant 0 : i32
        %dma_start3A_379 = tpu.memref_slice %arg4[%dma_start3A_378, %add3A_377] : memref<2x320000xi32, #tpu.memory_space<hbm>> -> memref<2x80xi32, #tpu.memory_space<hbm>>
        %dma_start3A_380 = arith.constant 0 : i32
        %dma_start3A_381 = tpu.memref_slice %arg4[%dma_start3A_380, %add3A_377] : memref<2x320000xi32, #tpu.memory_space<hbm>> -> memref<2x80xi32, #tpu.memory_space<hbm>>
        tpu.enqueue_dma source(%dma_start3A_381 : memref<2x80xi32, #tpu.memory_space<hbm>>) target(%arg6 : memref<2x80xi32, #tpu.memory_space<vmem>>) target_semaphore(%arg16 : memref<!tpu.dma_semaphore, #tpu.memory_space<semaphore_mem>>)
      } else {
      }
      %add3A_310 = arith.constant 1 : i32
      %add3A_311 = arith.addi %add3A_288, %add3A_310 : i32
      %lt3A_312 = arith.constant 125 : i32
      %lt3A_313 = arith.cmpi slt, %add3A_311, %lt3A_312 : i32
      %convert_element_type3A_314 = arith.extui %lt3A_313 : i1 to i32
      %cond3A_315 = arith.constant 0 : i32
      %cond3A_316 = arith.cmpi ne, %convert_element_type3A_314, %cond3A_315 : i32
      scf.if %cond3A_316 {
        %dma_wait3A_369 = arith.constant 0 : i32
        %dma_wait3A_370 = arith.constant 0 : i32
        %dma_wait3A_371 = tpu.memref_slice %arg4[%dma_wait3A_369, %dma_wait3A_370] : memref<2x320000xi32, #tpu.memory_space<hbm>> -> memref<2x80xi32, #tpu.memory_space<hbm>>
        %dma_wait3A_372 = arith.constant 0 : i32
        %dma_wait3A_373 = arith.constant 0 : i32
        %dma_wait3A_374 = tpu.memref_slice %arg4[%dma_wait3A_372, %dma_wait3A_373] : memref<2x320000xi32, #tpu.memory_space<hbm>> -> memref<2x80xi32, #tpu.memory_space<hbm>>
        tpu.wait_dma2 semaphore(%arg18 : memref<!tpu.dma_semaphore, #tpu.memory_space<semaphore_mem>>) src(%dma_wait3A_374 : memref<2x80xi32, #tpu.memory_space<hbm>>) dst(%arg8 : memref<2x80xi32, #tpu.memory_space<vmem>>)
        %dma_start3A_375 = arith.constant 0 : i32
        %dma_start3A_376 = arith.constant 0 : i32
        %dma_start3A_377 = tpu.memref_slice %arg8[%dma_start3A_375, %dma_start3A_376] : memref<2x80xi32, #tpu.memory_space<vmem>> -> memref<1x80xi32, #tpu.memory_space<vmem>>
        %dma_start3A_378 = tpu.memref_squeeze %dma_start3A_377 : memref<1x80xi32, #tpu.memory_space<vmem>> -> memref<80xi32, #tpu.memory_space<vmem>>
        %dma_start3A_379 = arith.constant 0 : i32
        %dma_start3A_380 = arith.constant 0 : i32
        %dma_start3A_381 = tpu.memref_slice %arg2[%dma_start3A_379, %dma_start3A_380] : memref<10000x144xf32, #tpu.memory_space<hbm>> -> memref<10000x144xf32, #tpu.memory_space<hbm>>
        tpu.enqueue_indirect_dma source(%dma_start3A_381 : memref<10000x144xf32, #tpu.memory_space<hbm>>) target(%arg11 : memref<80x144xf32, #tpu.memory_space<vmem>>) offsets(%dma_start3A_378 : memref<80xi32, #tpu.memory_space<vmem>>) semaphore(%arg21 : memref<!tpu.dma_semaphore, #tpu.memory_space<semaphore_mem>>)
        %dma_start3A_382 = arith.constant 1 : i32
        %dma_start3A_383 = arith.constant 0 : i32
        %dma_start3A_384 = tpu.memref_slice %arg8[%dma_start3A_382, %dma_start3A_383] : memref<2x80xi32, #tpu.memory_space<vmem>> -> memref<1x80xi32, #tpu.memory_space<vmem>>
        %dma_start3A_385 = tpu.memref_squeeze %dma_start3A_384 : memref<1x80xi32, #tpu.memory_space<vmem>> -> memref<80xi32, #tpu.memory_space<vmem>>
        %dma_start3A_386 = arith.constant 0 : i32
        %dma_start3A_387 = arith.constant 0 : i32
        %dma_start3A_388 = tpu.memref_slice %arg3[%dma_start3A_386, %dma_start3A_387] : memref<10000x16xf32, #tpu.memory_space<hbm>> -> memref<10000x16xf32, #tpu.memory_space<hbm>>
        tpu.enqueue_indirect_dma source(%dma_start3A_388 : memref<10000x16xf32, #tpu.memory_space<hbm>>) target(%arg14 : memref<80x16xf32, #tpu.memory_space<vmem>>) offsets(%dma_start3A_385 : memref<80xi32, #tpu.memory_space<vmem>>) semaphore(%arg24 : memref<!tpu.dma_semaphore, #tpu.memory_space<semaphore_mem>>)
      } else {
      }
      %parallel_loop3A_317 = arith.constant 0 : i32
      %parallel_loop3A_318 = arith.constant 80 : i32
      %parallel_loop3A_319 = arith.constant 1 : i32
      scf.for %parallel_loop3A_369 = %parallel_loop3A_317 to %parallel_loop3A_318 step %parallel_loop3A_319  : i32 {
        %parallel_loop3A_370 = arith.index_cast %parallel_loop3A_369 : i32 to index
        %parallel_loop3A_371 = arith.constant 128 : index
        %parallel_loop3A_372 = tpu.vector_load %arg10[%parallel_loop3A_370, %parallel_loop3A_371] {strides = array<i32>} : memref<80x144xf32, #tpu.memory_space<vmem>>, vector<1x16xf32>,
        %parallel_loop3A_373 = vector.shape_cast %parallel_loop3A_372 : vector<1x16xf32> to vector<16xf32>
        %parallel_loop3A_374 = arith.index_cast %parallel_loop3A_369 : i32 to index
        %parallel_loop3A_375 = arith.constant 0 : index
        %parallel_loop3A_376 = tpu.vector_load %arg13[%parallel_loop3A_374, %parallel_loop3A_375] {strides = array<i32>} : memref<80x16xf32, #tpu.memory_space<vmem>>, vector<1x16xf32>,
        %parallel_loop3A_377 = vector.shape_cast %parallel_loop3A_376 : vector<1x16xf32> to vector<16xf32>
        %parallel_loop3A_378 = arith.addf %parallel_loop3A_373, %parallel_loop3A_377 : vector<16xf32>
        %parallel_loop3A_379 = arith.constant 0.000000e+00 : f32
        %parallel_loop3A_380 = vector.broadcast %parallel_loop3A_379 : f32 to vector<16xf32>
        %parallel_loop3A_381 = arith.cmpf ogt, %parallel_loop3A_378, %parallel_loop3A_380 : vector<16xf32>
        %parallel_loop3A_382 = arith.constant 2.000000e-01 : f32
        %parallel_loop3A_383 = vector.broadcast %parallel_loop3A_382 : f32 to vector<16xf32>
        %parallel_loop3A_384 = arith.mulf %parallel_loop3A_378, %parallel_loop3A_383 : vector<16xf32>
        %parallel_loop3A_385 = arith.select %parallel_loop3A_381, %parallel_loop3A_378, %parallel_loop3A_384 : vector<16xi1>, vector<16xf32>
        %parallel_loop3A_386 = math.exp %parallel_loop3A_385 : vector<16xf32>
        %parallel_loop3A_387 = arith.constant 0.000000e+00 : f32
        %parallel_loop3A_388 = vector.broadcast %parallel_loop3A_387 : f32 to vector<16xf32>
        %parallel_loop3A_389 = arith.select %lt3A_102, %parallel_loop3A_386, %parallel_loop3A_388 : vector<16xi1>, vector<16xf32>
        %parallel_loop3A_390 = arith.index_cast %parallel_loop3A_369 : i32 to index
        %parallel_loop3A_391 = arith.constant 128 : index
        %parallel_loop3A_392 = tpu.vector_load %arg10[%parallel_loop3A_390, %parallel_loop3A_391] {strides = array<i32>} : memref<80x144xf32, #tpu.memory_space<vmem>>, vector<1x16xf32>,
        %parallel_loop3A_393 = vector.shape_cast %parallel_loop3A_392 : vector<1x16xf32> to vector<16xf32>
        %parallel_loop3A_394 = vector.shape_cast %parallel_loop3A_389 : vector<16xf32> to vector<1x16xf32>
        tpu.vector_store %arg10[%parallel_loop3A_390, %parallel_loop3A_391], %parallel_loop3A_394 {strides = array<i32>} : memref<80x144xf32, #tpu.memory_space<vmem>>, vector<1x16xf32>,
        %parallel_loop3A_395 = arith.index_cast %parallel_loop3A_369 : i32 to index
        %parallel_loop3A_396 = arith.constant 0 : index
        %parallel_loop3A_397 = tpu.vector_load %arg10[%parallel_loop3A_395, %parallel_loop3A_396] {strides = array<i32>} : memref<80x144xf32, #tpu.memory_space<vmem>>, vector<1x16xf32>,
        %parallel_loop3A_398 = vector.shape_cast %parallel_loop3A_397 : vector<1x16xf32> to vector<16xf32>
        %parallel_loop3A_399 = arith.mulf %parallel_loop3A_398, %parallel_loop3A_386 : vector<16xf32>
        %parallel_loop3A_400 = arith.index_cast %parallel_loop3A_369 : i32 to index
        %parallel_loop3A_401 = arith.constant 0 : index
        %parallel_loop3A_402 = tpu.vector_load %arg10[%parallel_loop3A_400, %parallel_loop3A_401] {strides = array<i32>} : memref<80x144xf32, #tpu.memory_space<vmem>>, vector<1x16xf32>,
        %parallel_loop3A_403 = vector.shape_cast %parallel_loop3A_402 : vector<1x16xf32> to vector<16xf32>
        %parallel_loop3A_404 = vector.shape_cast %parallel_loop3A_399 : vector<16xf32> to vector<1x16xf32>
        tpu.vector_store %arg10[%parallel_loop3A_400, %parallel_loop3A_401], %parallel_loop3A_404 {strides = array<i32>} : memref<80x144xf32, #tpu.memory_space<vmem>>, vector<1x16xf32>,
        %parallel_loop3A_405 = arith.index_cast %parallel_loop3A_369 : i32 to index
        %parallel_loop3A_406 = arith.constant 16 : index
        %parallel_loop3A_407 = tpu.vector_load %arg10[%parallel_loop3A_405, %parallel_loop3A_406] {strides = array<i32>} : memref<80x144xf32, #tpu.memory_space<vmem>>, vector<1x16xf32>,
        %parallel_loop3A_408 = vector.shape_cast %parallel_loop3A_407 : vector<1x16xf32> to vector<16xf32>
        %parallel_loop3A_409 = arith.mulf %parallel_loop3A_408, %parallel_loop3A_386 : vector<16xf32>
        %parallel_loop3A_410 = arith.index_cast %parallel_loop3A_369 : i32 to index
        %parallel_loop3A_411 = arith.constant 16 : index
        %parallel_loop3A_412 = tpu.vector_load %arg10[%parallel_loop3A_410, %parallel_loop3A_411] {strides = array<i32>} : memref<80x144xf32, #tpu.memory_space<vmem>>, vector<1x16xf32>,
        %parallel_loop3A_413 = vector.shape_cast %parallel_loop3A_412 : vector<1x16xf32> to vector<16xf32>
        %parallel_loop3A_414 = vector.shape_cast %parallel_loop3A_409 : vector<16xf32> to vector<1x16xf32>
        tpu.vector_store %arg10[%parallel_loop3A_410, %parallel_loop3A_411], %parallel_loop3A_414 {strides = array<i32>} : memref<80x144xf32, #tpu.memory_space<vmem>>, vector<1x16xf32>,
        %parallel_loop3A_415 = arith.index_cast %parallel_loop3A_369 : i32 to index
        %parallel_loop3A_416 = arith.constant 32 : index
        %parallel_loop3A_417 = tpu.vector_load %arg10[%parallel_loop3A_415, %parallel_loop3A_416] {strides = array<i32>} : memref<80x144xf32, #tpu.memory_space<vmem>>, vector<1x16xf32>,
        %parallel_loop3A_418 = vector.shape_cast %parallel_loop3A_417 : vector<1x16xf32> to vector<16xf32>
        %parallel_loop3A_419 = arith.mulf %parallel_loop3A_418, %parallel_loop3A_386 : vector<16xf32>
        %parallel_loop3A_420 = arith.index_cast %parallel_loop3A_369 : i32 to index
        %parallel_loop3A_421 = arith.constant 32 : index
        %parallel_loop3A_422 = tpu.vector_load %arg10[%parallel_loop3A_420, %parallel_loop3A_421] {strides = array<i32>} : memref<80x144xf32, #tpu.memory_space<vmem>>, vector<1x16xf32>,
        %parallel_loop3A_423 = vector.shape_cast %parallel_loop3A_422 : vector<1x16xf32> to vector<16xf32>
        %parallel_loop3A_424 = vector.shape_cast %parallel_loop3A_419 : vector<16xf32> to vector<1x16xf32>
        tpu.vector_store %arg10[%parallel_loop3A_420, %parallel_loop3A_421], %parallel_loop3A_424 {strides = array<i32>} : memref<80x144xf32, #tpu.memory_space<vmem>>, vector<1x16xf32>,
        %parallel_loop3A_425 = arith.index_cast %parallel_loop3A_369 : i32 to index
        %parallel_loop3A_426 = arith.constant 48 : index
        %parallel_loop3A_427 = tpu.vector_load %arg10[%parallel_loop3A_425, %parallel_loop3A_426] {strides = array<i32>} : memref<80x144xf32, #tpu.memory_space<vmem>>, vector<1x16xf32>,
        %parallel_loop3A_428 = vector.shape_cast %parallel_loop3A_427 : vector<1x16xf32> to vector<16xf32>
        %parallel_loop3A_429 = arith.mulf %parallel_loop3A_428, %parallel_loop3A_386 : vector<16xf32>
        %parallel_loop3A_430 = arith.index_cast %parallel_loop3A_369 : i32 to index
        %parallel_loop3A_431 = arith.constant 48 : index
        %parallel_loop3A_432 = tpu.vector_load %arg10[%parallel_loop3A_430, %parallel_loop3A_431] {strides = array<i32>} : memref<80x144xf32, #tpu.memory_space<vmem>>, vector<1x16xf32>,
        %parallel_loop3A_433 = vector.shape_cast %parallel_loop3A_432 : vector<1x16xf32> to vector<16xf32>
        %parallel_loop3A_434 = vector.shape_cast %parallel_loop3A_429 : vector<16xf32> to vector<1x16xf32>
        tpu.vector_store %arg10[%parallel_loop3A_430, %parallel_loop3A_431], %parallel_loop3A_434 {strides = array<i32>} : memref<80x144xf32, #tpu.memory_space<vmem>>, vector<1x16xf32>,
        %parallel_loop3A_435 = arith.index_cast %parallel_loop3A_369 : i32 to index
        %parallel_loop3A_436 = arith.constant 64 : index
        %parallel_loop3A_437 = tpu.vector_load %arg10[%parallel_loop3A_435, %parallel_loop3A_436] {strides = array<i32>} : memref<80x144xf32, #tpu.memory_space<vmem>>, vector<1x16xf32>,
        %parallel_loop3A_438 = vector.shape_cast %parallel_loop3A_437 : vector<1x16xf32> to vector<16xf32>
        %parallel_loop3A_439 = arith.mulf %parallel_loop3A_438, %parallel_loop3A_386 : vector<16xf32>
        %parallel_loop3A_440 = arith.index_cast %parallel_loop3A_369 : i32 to index
        %parallel_loop3A_441 = arith.constant 64 : index
        %parallel_loop3A_442 = tpu.vector_load %arg10[%parallel_loop3A_440, %parallel_loop3A_441] {strides = array<i32>} : memref<80x144xf32, #tpu.memory_space<vmem>>, vector<1x16xf32>,
        %parallel_loop3A_443 = vector.shape_cast %parallel_loop3A_442 : vector<1x16xf32> to vector<16xf32>
        %parallel_loop3A_444 = vector.shape_cast %parallel_loop3A_439 : vector<16xf32> to vector<1x16xf32>
        tpu.vector_store %arg10[%parallel_loop3A_440, %parallel_loop3A_441], %parallel_loop3A_444 {strides = array<i32>} : memref<80x144xf32, #tpu.memory_space<vmem>>, vector<1x16xf32>,
        %parallel_loop3A_445 = arith.index_cast %parallel_loop3A_369 : i32 to index
        %parallel_loop3A_446 = arith.constant 80 : index
        %parallel_loop3A_447 = tpu.vector_load %arg10[%parallel_loop3A_445, %parallel_loop3A_446] {strides = array<i32>} : memref<80x144xf32, #tpu.memory_space<vmem>>, vector<1x16xf32>,
        %parallel_loop3A_448 = vector.shape_cast %parallel_loop3A_447 : vector<1x16xf32> to vector<16xf32>
        %parallel_loop3A_449 = arith.mulf %parallel_loop3A_448, %parallel_loop3A_386 : vector<16xf32>
        %parallel_loop3A_450 = arith.index_cast %parallel_loop3A_369 : i32 to index
        %parallel_loop3A_451 = arith.constant 80 : index
        %parallel_loop3A_452 = tpu.vector_load %arg10[%parallel_loop3A_450, %parallel_loop3A_451] {strides = array<i32>} : memref<80x144xf32, #tpu.memory_space<vmem>>, vector<1x16xf32>,
        %parallel_loop3A_453 = vector.shape_cast %parallel_loop3A_452 : vector<1x16xf32> to vector<16xf32>
        %parallel_loop3A_454 = vector.shape_cast %parallel_loop3A_449 : vector<16xf32> to vector<1x16xf32>
        tpu.vector_store %arg10[%parallel_loop3A_450, %parallel_loop3A_451], %parallel_loop3A_454 {strides = array<i32>} : memref<80x144xf32, #tpu.memory_space<vmem>>, vector<1x16xf32>,
        %parallel_loop3A_455 = arith.index_cast %parallel_loop3A_369 : i32 to index
        %parallel_loop3A_456 = arith.constant 96 : index
        %parallel_loop3A_457 = tpu.vector_load %arg10[%parallel_loop3A_455, %parallel_loop3A_456] {strides = array<i32>} : memref<80x144xf32, #tpu.memory_space<vmem>>, vector<1x16xf32>,
        %parallel_loop3A_458 = vector.shape_cast %parallel_loop3A_457 : vector<1x16xf32> to vector<16xf32>
        %parallel_loop3A_459 = arith.mulf %parallel_loop3A_458, %parallel_loop3A_386 : vector<16xf32>
        %parallel_loop3A_460 = arith.index_cast %parallel_loop3A_369 : i32 to index
        %parallel_loop3A_461 = arith.constant 96 : index
        %parallel_loop3A_462 = tpu.vector_load %arg10[%parallel_loop3A_460, %parallel_loop3A_461] {strides = array<i32>} : memref<80x144xf32, #tpu.memory_space<vmem>>, vector<1x16xf32>,
        %parallel_loop3A_463 = vector.shape_cast %parallel_loop3A_462 : vector<1x16xf32> to vector<16xf32>
        %parallel_loop3A_464 = vector.shape_cast %parallel_loop3A_459 : vector<16xf32> to vector<1x16xf32>
        tpu.vector_store %arg10[%parallel_loop3A_460, %parallel_loop3A_461], %parallel_loop3A_464 {strides = array<i32>} : memref<80x144xf32, #tpu.memory_space<vmem>>, vector<1x16xf32>,
        %parallel_loop3A_465 = arith.index_cast %parallel_loop3A_369 : i32 to index
        %parallel_loop3A_466 = arith.constant 112 : index
        %parallel_loop3A_467 = tpu.vector_load %arg10[%parallel_loop3A_465, %parallel_loop3A_466] {strides = array<i32>} : memref<80x144xf32, #tpu.memory_space<vmem>>, vector<1x16xf32>,
        %parallel_loop3A_468 = vector.shape_cast %parallel_loop3A_467 : vector<1x16xf32> to vector<16xf32>
        %parallel_loop3A_469 = arith.mulf %parallel_loop3A_468, %parallel_loop3A_386 : vector<16xf32>
        %parallel_loop3A_470 = arith.index_cast %parallel_loop3A_369 : i32 to index
        %parallel_loop3A_471 = arith.constant 112 : index
        %parallel_loop3A_472 = tpu.vector_load %arg10[%parallel_loop3A_470, %parallel_loop3A_471] {strides = array<i32>} : memref<80x144xf32, #tpu.memory_space<vmem>>, vector<1x16xf32>,
        %parallel_loop3A_473 = vector.shape_cast %parallel_loop3A_472 : vector<1x16xf32> to vector<16xf32>
        %parallel_loop3A_474 = vector.shape_cast %parallel_loop3A_469 : vector<16xf32> to vector<1x16xf32>
        tpu.vector_store %arg10[%parallel_loop3A_470, %parallel_loop3A_471], %parallel_loop3A_474 {strides = array<i32>} : memref<80x144xf32, #tpu.memory_space<vmem>>, vector<1x16xf32>,
      } {sc.loop_unroll_factor = 4 : i64, sc.parallel_access}
      %dma_start3A_320 = arith.constant 1 : i32
      %dma_start3A_321 = arith.constant 0 : i32
      %dma_start3A_322 = tpu.memref_slice %arg7[%dma_start3A_320, %dma_start3A_321] : memref<2x80xi32, #tpu.memory_space<vmem>> -> memref<1x80xi32, #tpu.memory_space<vmem>>
      %dma_start3A_323 = tpu.memref_squeeze %dma_start3A_322 : memref<1x80xi32, #tpu.memory_space<vmem>> -> memref<80xi32, #tpu.memory_space<vmem>>
      %dma_start3A_324 = arith.constant 0 : i32
      %dma_start3A_325 = arith.constant 0 : i32
      %dma_start3A_326 = tpu.memref_slice %arg15[%dma_start3A_324, %dma_start3A_325] : memref<10000x144xf32, #tpu.memory_space<vmem_shared>> -> memref<10000x144xf32, #tpu.memory_space<vmem_shared>>
      tpu.enqueue_indirect_dma source(%arg10 : memref<80x144xf32, #tpu.memory_space<vmem>>) target(%dma_start3A_326 : memref<10000x144xf32, #tpu.memory_space<vmem_shared>>) offsets(%dma_start3A_323 : memref<80xi32, #tpu.memory_space<vmem>>) semaphore(%arg26 : memref<!tpu.dma_semaphore, #tpu.memory_space<semaphore_mem>>) {add = true}
      %mul3A_327 = arith.constant 3 : i32
      %mul3A_328 = arith.muli %scan3A_242, %mul3A_327 : i32
      %add3A_329 = arith.constant 2 : i32
      %add3A_330 = arith.addi %mul3A_328, %add3A_329 : i32
      %dma_wait3A_331 = arith.constant 0 : i32
      %dma_wait3A_332 = arith.constant 0 : i32
      %dma_wait3A_333 = tpu.memref_slice %arg8[%dma_wait3A_331, %dma_wait3A_332] : memref<2x80xi32, #tpu.memory_space<vmem>> -> memref<1x80xi32, #tpu.memory_space<vmem>>
      %dma_wait3A_334 = tpu.memref_squeeze %dma_wait3A_333 : memref<1x80xi32, #tpu.memory_space<vmem>> -> memref<80xi32, #tpu.memory_space<vmem>>
      %dma_wait3A_335 = arith.constant 0 : i32
      %dma_wait3A_336 = arith.constant 0 : i32
      %dma_wait3A_337 = tpu.memref_slice %arg2[%dma_wait3A_335, %dma_wait3A_336] : memref<10000x144xf32, #tpu.memory_space<hbm>> -> memref<10000x144xf32, #tpu.memory_space<hbm>>
      tpu.wait_indirect_dma semaphore(%arg21 : memref<!tpu.dma_semaphore, #tpu.memory_space<semaphore_mem>>) src(%dma_wait3A_337 : memref<10000x144xf32, #tpu.memory_space<hbm>>) dst(%arg11 : memref<80x144xf32, #tpu.memory_space<vmem>>)
      %dma_wait3A_338 = arith.constant 1 : i32
      %dma_wait3A_339 = arith.constant 0 : i32
      %dma_wait3A_340 = tpu.memref_slice %arg8[%dma_wait3A_338, %dma_wait3A_339] : memref<2x80xi32, #tpu.memory_space<vmem>> -> memref<1x80xi32, #tpu.memory_space<vmem>>
      %dma_wait3A_341 = tpu.memref_squeeze %dma_wait3A_340 : memref<1x80xi32, #tpu.memory_space<vmem>> -> memref<80xi32, #tpu.memory_space<vmem>>
      %dma_wait3A_342 = arith.constant 0 : i32
      %dma_wait3A_343 = arith.constant 0 : i32
      %dma_wait3A_344 = tpu.memref_slice %arg3[%dma_wait3A_342, %dma_wait3A_343] : memref<10000x16xf32, #tpu.memory_space<hbm>> -> memref<10000x16xf32, #tpu.memory_space<hbm>>
      tpu.wait_indirect_dma semaphore(%arg24 : memref<!tpu.dma_semaphore, #tpu.memory_space<semaphore_mem>>) src(%dma_wait3A_344 : memref<10000x16xf32, #tpu.memory_space<hbm>>) dst(%arg14 : memref<80x16xf32, #tpu.memory_space<vmem>>)
      %add3A_345 = arith.constant 2 : i32
      %add3A_346 = arith.addi %add3A_330, %add3A_345 : i32
      %lt3A_347 = arith.constant 125 : i32
      %lt3A_348 = arith.cmpi slt, %add3A_346, %lt3A_347 : i32
      %convert_element_type3A_349 = arith.extui %lt3A_348 : i1 to i32
      %cond3A_350 = arith.constant 0 : i32
      %cond3A_351 = arith.cmpi ne, %convert_element_type3A_349, %cond3A_350 : i32
      scf.if %cond3A_351 {
        %ge3A = arith.constant 1 : i32
        %ge3A_369 = arith.cmpi sge, %add3A_330, %ge3A : i32
        %convert_element_type3A_370 = arith.extui %ge3A_369 : i1 to i32
        %cond3A_371 = arith.constant 0 : i32
        %cond3A_372 = arith.cmpi ne, %convert_element_type3A_370, %cond3A_371 : i32
        scf.if %cond3A_372 {
          %dma_wait3A_382 = arith.constant 1 : i32
          %dma_wait3A_383 = arith.constant 0 : i32
          %dma_wait3A_384 = tpu.memref_slice %arg7[%dma_wait3A_382, %dma_wait3A_383] : memref<2x80xi32, #tpu.memory_space<vmem>> -> memref<1x80xi32, #tpu.memory_space<vmem>>
          %dma_wait3A_385 = tpu.memref_squeeze %dma_wait3A_384 : memref<1x80xi32, #tpu.memory_space<vmem>> -> memref<80xi32, #tpu.memory_space<vmem>>
          %dma_wait3A_386 = arith.constant 0 : i32
          %dma_wait3A_387 = arith.constant 0 : i32
          %dma_wait3A_388 = tpu.memref_slice %arg15[%dma_wait3A_386, %dma_wait3A_387] : memref<10000x144xf32, #tpu.memory_space<vmem_shared>> -> memref<10000x144xf32, #tpu.memory_space<vmem_shared>>
          tpu.wait_indirect_dma semaphore(%arg26 : memref<!tpu.dma_semaphore, #tpu.memory_space<semaphore_mem>>) src(%arg10 : memref<80x144xf32, #tpu.memory_space<vmem>>) dst(%dma_wait3A_388 : memref<10000x144xf32, #tpu.memory_space<vmem_shared>>)
        } else {
        }
        %add3A_373 = arith.constant 2 : i32
        %add3A_374 = arith.addi %add3A_330, %add3A_373 : i32
        %mul3A_375 = arith.constant 80 : i32
        %mul3A_376 = arith.muli %add3A_374, %mul3A_375 : i32
        %add3A_377 = arith.addi %mul3A_2, %mul3A_376 : i32
        %dma_start3A_378 = arith.constant 0 : i32
        %dma_start3A_379 = tpu.memref_slice %arg4[%dma_start3A_378, %add3A_377] : memref<2x320000xi32, #tpu.memory_space<hbm>> -> memref<2x80xi32, #tpu.memory_space<hbm>>
        %dma_start3A_380 = arith.constant 0 : i32
        %dma_start3A_381 = tpu.memref_slice %arg4[%dma_start3A_380, %add3A_377] : memref<2x320000xi32, #tpu.memory_space<hbm>> -> memref<2x80xi32, #tpu.memory_space<hbm>>
        tpu.enqueue_dma source(%dma_start3A_381 : memref<2x80xi32, #tpu.memory_space<hbm>>) target(%arg7 : memref<2x80xi32, #tpu.memory_space<vmem>>) target_semaphore(%arg17 : memref<!tpu.dma_semaphore, #tpu.memory_space<semaphore_mem>>)
      } else {
      }
      %add3A_352 = arith.constant 1 : i32
      %add3A_353 = arith.addi %add3A_330, %add3A_352 : i32
      %lt3A_354 = arith.constant 125 : i32
      %lt3A_355 = arith.cmpi slt, %add3A_353, %lt3A_354 : i32
      %convert_element_type3A_356 = arith.extui %lt3A_355 : i1 to i32
      %cond3A_357 = arith.constant 0 : i32
      %cond3A_358 = arith.cmpi ne, %convert_element_type3A_356, %cond3A_357 : i32
      scf.if %cond3A_358 {
        %dma_wait3A_369 = arith.constant 0 : i32
        %dma_wait3A_370 = arith.constant 0 : i32
        %dma_wait3A_371 = tpu.memref_slice %arg4[%dma_wait3A_369, %dma_wait3A_370] : memref<2x320000xi32, #tpu.memory_space<hbm>> -> memref<2x80xi32, #tpu.memory_space<hbm>>
        %dma_wait3A_372 = arith.constant 0 : i32
        %dma_wait3A_373 = arith.constant 0 : i32
        %dma_wait3A_374 = tpu.memref_slice %arg4[%dma_wait3A_372, %dma_wait3A_373] : memref<2x320000xi32, #tpu.memory_space<hbm>> -> memref<2x80xi32, #tpu.memory_space<hbm>>
        tpu.wait_dma2 semaphore(%arg16 : memref<!tpu.dma_semaphore, #tpu.memory_space<semaphore_mem>>) src(%dma_wait3A_374 : memref<2x80xi32, #tpu.memory_space<hbm>>) dst(%arg6 : memref<2x80xi32, #tpu.memory_space<vmem>>)
        %dma_start3A_375 = arith.constant 0 : i32
        %dma_start3A_376 = arith.constant 0 : i32
        %dma_start3A_377 = tpu.memref_slice %arg6[%dma_start3A_375, %dma_start3A_376] : memref<2x80xi32, #tpu.memory_space<vmem>> -> memref<1x80xi32, #tpu.memory_space<vmem>>
        %dma_start3A_378 = tpu.memref_squeeze %dma_start3A_377 : memref<1x80xi32, #tpu.memory_space<vmem>> -> memref<80xi32, #tpu.memory_space<vmem>>
        %dma_start3A_379 = arith.constant 0 : i32
        %dma_start3A_380 = arith.constant 0 : i32
        %dma_start3A_381 = tpu.memref_slice %arg2[%dma_start3A_379, %dma_start3A_380] : memref<10000x144xf32, #tpu.memory_space<hbm>> -> memref<10000x144xf32, #tpu.memory_space<hbm>>
        tpu.enqueue_indirect_dma source(%dma_start3A_381 : memref<10000x144xf32, #tpu.memory_space<hbm>>) target(%arg9 : memref<80x144xf32, #tpu.memory_space<vmem>>) offsets(%dma_start3A_378 : memref<80xi32, #tpu.memory_space<vmem>>) semaphore(%arg19 : memref<!tpu.dma_semaphore, #tpu.memory_space<semaphore_mem>>)
        %dma_start3A_382 = arith.constant 1 : i32
        %dma_start3A_383 = arith.constant 0 : i32
        %dma_start3A_384 = tpu.memref_slice %arg6[%dma_start3A_382, %dma_start3A_383] : memref<2x80xi32, #tpu.memory_space<vmem>> -> memref<1x80xi32, #tpu.memory_space<vmem>>
        %dma_start3A_385 = tpu.memref_squeeze %dma_start3A_384 : memref<1x80xi32, #tpu.memory_space<vmem>> -> memref<80xi32, #tpu.memory_space<vmem>>
        %dma_start3A_386 = arith.constant 0 : i32
        %dma_start3A_387 = arith.constant 0 : i32
        %dma_start3A_388 = tpu.memref_slice %arg3[%dma_start3A_386, %dma_start3A_387] : memref<10000x16xf32, #tpu.memory_space<hbm>> -> memref<10000x16xf32, #tpu.memory_space<hbm>>
        tpu.enqueue_indirect_dma source(%dma_start3A_388 : memref<10000x16xf32, #tpu.memory_space<hbm>>) target(%arg12 : memref<80x16xf32, #tpu.memory_space<vmem>>) offsets(%dma_start3A_385 : memref<80xi32, #tpu.memory_space<vmem>>) semaphore(%arg22 : memref<!tpu.dma_semaphore, #tpu.memory_space<semaphore_mem>>)
      } else {
      }
      %parallel_loop3A_359 = arith.constant 0 : i32
      %parallel_loop3A_360 = arith.constant 80 : i32
      %parallel_loop3A_361 = arith.constant 1 : i32
      scf.for %parallel_loop3A_369 = %parallel_loop3A_359 to %parallel_loop3A_360 step %parallel_loop3A_361  : i32 {
        %parallel_loop3A_370 = arith.index_cast %parallel_loop3A_369 : i32 to index
        %parallel_loop3A_371 = arith.constant 128 : index
        %parallel_loop3A_372 = tpu.vector_load %arg11[%parallel_loop3A_370, %parallel_loop3A_371] {strides = array<i32>} : memref<80x144xf32, #tpu.memory_space<vmem>>, vector<1x16xf32>,
        %parallel_loop3A_373 = vector.shape_cast %parallel_loop3A_372 : vector<1x16xf32> to vector<16xf32>
        %parallel_loop3A_374 = arith.index_cast %parallel_loop3A_369 : i32 to index
        %parallel_loop3A_375 = arith.constant 0 : index
        %parallel_loop3A_376 = tpu.vector_load %arg14[%parallel_loop3A_374, %parallel_loop3A_375] {strides = array<i32>} : memref<80x16xf32, #tpu.memory_space<vmem>>, vector<1x16xf32>,
        %parallel_loop3A_377 = vector.shape_cast %parallel_loop3A_376 : vector<1x16xf32> to vector<16xf32>
        %parallel_loop3A_378 = arith.addf %parallel_loop3A_373, %parallel_loop3A_377 : vector<16xf32>
        %parallel_loop3A_379 = arith.constant 0.000000e+00 : f32
        %parallel_loop3A_380 = vector.broadcast %parallel_loop3A_379 : f32 to vector<16xf32>
        %parallel_loop3A_381 = arith.cmpf ogt, %parallel_loop3A_378, %parallel_loop3A_380 : vector<16xf32>
        %parallel_loop3A_382 = arith.constant 2.000000e-01 : f32
        %parallel_loop3A_383 = vector.broadcast %parallel_loop3A_382 : f32 to vector<16xf32>
        %parallel_loop3A_384 = arith.mulf %parallel_loop3A_378, %parallel_loop3A_383 : vector<16xf32>
        %parallel_loop3A_385 = arith.select %parallel_loop3A_381, %parallel_loop3A_378, %parallel_loop3A_384 : vector<16xi1>, vector<16xf32>
        %parallel_loop3A_386 = math.exp %parallel_loop3A_385 : vector<16xf32>
        %parallel_loop3A_387 = arith.constant 0.000000e+00 : f32
        %parallel_loop3A_388 = vector.broadcast %parallel_loop3A_387 : f32 to vector<16xf32>
        %parallel_loop3A_389 = arith.select %lt3A_102, %parallel_loop3A_386, %parallel_loop3A_388 : vector<16xi1>, vector<16xf32>
        %parallel_loop3A_390 = arith.index_cast %parallel_loop3A_369 : i32 to index
        %parallel_loop3A_391 = arith.constant 128 : index
        %parallel_loop3A_392 = tpu.vector_load %arg11[%parallel_loop3A_390, %parallel_loop3A_391] {strides = array<i32>} : memref<80x144xf32, #tpu.memory_space<vmem>>, vector<1x16xf32>,
        %parallel_loop3A_393 = vector.shape_cast %parallel_loop3A_392 : vector<1x16xf32> to vector<16xf32>
        %parallel_loop3A_394 = vector.shape_cast %parallel_loop3A_389 : vector<16xf32> to vector<1x16xf32>
        tpu.vector_store %arg11[%parallel_loop3A_390, %parallel_loop3A_391], %parallel_loop3A_394 {strides = array<i32>} : memref<80x144xf32, #tpu.memory_space<vmem>>, vector<1x16xf32>,
        %parallel_loop3A_395 = arith.index_cast %parallel_loop3A_369 : i32 to index
        %parallel_loop3A_396 = arith.constant 0 : index
        %parallel_loop3A_397 = tpu.vector_load %arg11[%parallel_loop3A_395, %parallel_loop3A_396] {strides = array<i32>} : memref<80x144xf32, #tpu.memory_space<vmem>>, vector<1x16xf32>,
        %parallel_loop3A_398 = vector.shape_cast %parallel_loop3A_397 : vector<1x16xf32> to vector<16xf32>
        %parallel_loop3A_399 = arith.mulf %parallel_loop3A_398, %parallel_loop3A_386 : vector<16xf32>
        %parallel_loop3A_400 = arith.index_cast %parallel_loop3A_369 : i32 to index
        %parallel_loop3A_401 = arith.constant 0 : index
        %parallel_loop3A_402 = tpu.vector_load %arg11[%parallel_loop3A_400, %parallel_loop3A_401] {strides = array<i32>} : memref<80x144xf32, #tpu.memory_space<vmem>>, vector<1x16xf32>,
        %parallel_loop3A_403 = vector.shape_cast %parallel_loop3A_402 : vector<1x16xf32> to vector<16xf32>
        %parallel_loop3A_404 = vector.shape_cast %parallel_loop3A_399 : vector<16xf32> to vector<1x16xf32>
        tpu.vector_store %arg11[%parallel_loop3A_400, %parallel_loop3A_401], %parallel_loop3A_404 {strides = array<i32>} : memref<80x144xf32, #tpu.memory_space<vmem>>, vector<1x16xf32>,
        %parallel_loop3A_405 = arith.index_cast %parallel_loop3A_369 : i32 to index
        %parallel_loop3A_406 = arith.constant 16 : index
        %parallel_loop3A_407 = tpu.vector_load %arg11[%parallel_loop3A_405, %parallel_loop3A_406] {strides = array<i32>} : memref<80x144xf32, #tpu.memory_space<vmem>>, vector<1x16xf32>,
        %parallel_loop3A_408 = vector.shape_cast %parallel_loop3A_407 : vector<1x16xf32> to vector<16xf32>
        %parallel_loop3A_409 = arith.mulf %parallel_loop3A_408, %parallel_loop3A_386 : vector<16xf32>
        %parallel_loop3A_410 = arith.index_cast %parallel_loop3A_369 : i32 to index
        %parallel_loop3A_411 = arith.constant 16 : index
        %parallel_loop3A_412 = tpu.vector_load %arg11[%parallel_loop3A_410, %parallel_loop3A_411] {strides = array<i32>} : memref<80x144xf32, #tpu.memory_space<vmem>>, vector<1x16xf32>,
        %parallel_loop3A_413 = vector.shape_cast %parallel_loop3A_412 : vector<1x16xf32> to vector<16xf32>
        %parallel_loop3A_414 = vector.shape_cast %parallel_loop3A_409 : vector<16xf32> to vector<1x16xf32>
        tpu.vector_store %arg11[%parallel_loop3A_410, %parallel_loop3A_411], %parallel_loop3A_414 {strides = array<i32>} : memref<80x144xf32, #tpu.memory_space<vmem>>, vector<1x16xf32>,
        %parallel_loop3A_415 = arith.index_cast %parallel_loop3A_369 : i32 to index
        %parallel_loop3A_416 = arith.constant 32 : index
        %parallel_loop3A_417 = tpu.vector_load %arg11[%parallel_loop3A_415, %parallel_loop3A_416] {strides = array<i32>} : memref<80x144xf32, #tpu.memory_space<vmem>>, vector<1x16xf32>,
        %parallel_loop3A_418 = vector.shape_cast %parallel_loop3A_417 : vector<1x16xf32> to vector<16xf32>
        %parallel_loop3A_419 = arith.mulf %parallel_loop3A_418, %parallel_loop3A_386 : vector<16xf32>
        %parallel_loop3A_420 = arith.index_cast %parallel_loop3A_369 : i32 to index
        %parallel_loop3A_421 = arith.constant 32 : index
        %parallel_loop3A_422 = tpu.vector_load %arg11[%parallel_loop3A_420, %parallel_loop3A_421] {strides = array<i32>} : memref<80x144xf32, #tpu.memory_space<vmem>>, vector<1x16xf32>,
        %parallel_loop3A_423 = vector.shape_cast %parallel_loop3A_422 : vector<1x16xf32> to vector<16xf32>
        %parallel_loop3A_424 = vector.shape_cast %parallel_loop3A_419 : vector<16xf32> to vector<1x16xf32>
        tpu.vector_store %arg11[%parallel_loop3A_420, %parallel_loop3A_421], %parallel_loop3A_424 {strides = array<i32>} : memref<80x144xf32, #tpu.memory_space<vmem>>, vector<1x16xf32>,
        %parallel_loop3A_425 = arith.index_cast %parallel_loop3A_369 : i32 to index
        %parallel_loop3A_426 = arith.constant 48 : index
        %parallel_loop3A_427 = tpu.vector_load %arg11[%parallel_loop3A_425, %parallel_loop3A_426] {strides = array<i32>} : memref<80x144xf32, #tpu.memory_space<vmem>>, vector<1x16xf32>,
        %parallel_loop3A_428 = vector.shape_cast %parallel_loop3A_427 : vector<1x16xf32> to vector<16xf32>
        %parallel_loop3A_429 = arith.mulf %parallel_loop3A_428, %parallel_loop3A_386 : vector<16xf32>
        %parallel_loop3A_430 = arith.index_cast %parallel_loop3A_369 : i32 to index
        %parallel_loop3A_431 = arith.constant 48 : index
        %parallel_loop3A_432 = tpu.vector_load %arg11[%parallel_loop3A_430, %parallel_loop3A_431] {strides = array<i32>} : memref<80x144xf32, #tpu.memory_space<vmem>>, vector<1x16xf32>,
        %parallel_loop3A_433 = vector.shape_cast %parallel_loop3A_432 : vector<1x16xf32> to vector<16xf32>
        %parallel_loop3A_434 = vector.shape_cast %parallel_loop3A_429 : vector<16xf32> to vector<1x16xf32>
        tpu.vector_store %arg11[%parallel_loop3A_430, %parallel_loop3A_431], %parallel_loop3A_434 {strides = array<i32>} : memref<80x144xf32, #tpu.memory_space<vmem>>, vector<1x16xf32>,
        %parallel_loop3A_435 = arith.index_cast %parallel_loop3A_369 : i32 to index
        %parallel_loop3A_436 = arith.constant 64 : index
        %parallel_loop3A_437 = tpu.vector_load %arg11[%parallel_loop3A_435, %parallel_loop3A_436] {strides = array<i32>} : memref<80x144xf32, #tpu.memory_space<vmem>>, vector<1x16xf32>,
        %parallel_loop3A_438 = vector.shape_cast %parallel_loop3A_437 : vector<1x16xf32> to vector<16xf32>
        %parallel_loop3A_439 = arith.mulf %parallel_loop3A_438, %parallel_loop3A_386 : vector<16xf32>
        %parallel_loop3A_440 = arith.index_cast %parallel_loop3A_369 : i32 to index
        %parallel_loop3A_441 = arith.constant 64 : index
        %parallel_loop3A_442 = tpu.vector_load %arg11[%parallel_loop3A_440, %parallel_loop3A_441] {strides = array<i32>} : memref<80x144xf32, #tpu.memory_space<vmem>>, vector<1x16xf32>,
        %parallel_loop3A_443 = vector.shape_cast %parallel_loop3A_442 : vector<1x16xf32> to vector<16xf32>
        %parallel_loop3A_444 = vector.shape_cast %parallel_loop3A_439 : vector<16xf32> to vector<1x16xf32>
        tpu.vector_store %arg11[%parallel_loop3A_440, %parallel_loop3A_441], %parallel_loop3A_444 {strides = array<i32>} : memref<80x144xf32, #tpu.memory_space<vmem>>, vector<1x16xf32>,
        %parallel_loop3A_445 = arith.index_cast %parallel_loop3A_369 : i32 to index
        %parallel_loop3A_446 = arith.constant 80 : index
        %parallel_loop3A_447 = tpu.vector_load %arg11[%parallel_loop3A_445, %parallel_loop3A_446] {strides = array<i32>} : memref<80x144xf32, #tpu.memory_space<vmem>>, vector<1x16xf32>,
        %parallel_loop3A_448 = vector.shape_cast %parallel_loop3A_447 : vector<1x16xf32> to vector<16xf32>
        %parallel_loop3A_449 = arith.mulf %parallel_loop3A_448, %parallel_loop3A_386 : vector<16xf32>
        %parallel_loop3A_450 = arith.index_cast %parallel_loop3A_369 : i32 to index
        %parallel_loop3A_451 = arith.constant 80 : index
        %parallel_loop3A_452 = tpu.vector_load %arg11[%parallel_loop3A_450, %parallel_loop3A_451] {strides = array<i32>} : memref<80x144xf32, #tpu.memory_space<vmem>>, vector<1x16xf32>,
        %parallel_loop3A_453 = vector.shape_cast %parallel_loop3A_452 : vector<1x16xf32> to vector<16xf32>
        %parallel_loop3A_454 = vector.shape_cast %parallel_loop3A_449 : vector<16xf32> to vector<1x16xf32>
        tpu.vector_store %arg11[%parallel_loop3A_450, %parallel_loop3A_451], %parallel_loop3A_454 {strides = array<i32>} : memref<80x144xf32, #tpu.memory_space<vmem>>, vector<1x16xf32>,
        %parallel_loop3A_455 = arith.index_cast %parallel_loop3A_369 : i32 to index
        %parallel_loop3A_456 = arith.constant 96 : index
        %parallel_loop3A_457 = tpu.vector_load %arg11[%parallel_loop3A_455, %parallel_loop3A_456] {strides = array<i32>} : memref<80x144xf32, #tpu.memory_space<vmem>>, vector<1x16xf32>,
        %parallel_loop3A_458 = vector.shape_cast %parallel_loop3A_457 : vector<1x16xf32> to vector<16xf32>
        %parallel_loop3A_459 = arith.mulf %parallel_loop3A_458, %parallel_loop3A_386 : vector<16xf32>
        %parallel_loop3A_460 = arith.index_cast %parallel_loop3A_369 : i32 to index
        %parallel_loop3A_461 = arith.constant 96 : index
        %parallel_loop3A_462 = tpu.vector_load %arg11[%parallel_loop3A_460, %parallel_loop3A_461] {strides = array<i32>} : memref<80x144xf32, #tpu.memory_space<vmem>>, vector<1x16xf32>,
        %parallel_loop3A_463 = vector.shape_cast %parallel_loop3A_462 : vector<1x16xf32> to vector<16xf32>
        %parallel_loop3A_464 = vector.shape_cast %parallel_loop3A_459 : vector<16xf32> to vector<1x16xf32>
        tpu.vector_store %arg11[%parallel_loop3A_460, %parallel_loop3A_461], %parallel_loop3A_464 {strides = array<i32>} : memref<80x144xf32, #tpu.memory_space<vmem>>, vector<1x16xf32>,
        %parallel_loop3A_465 = arith.index_cast %parallel_loop3A_369 : i32 to index
        %parallel_loop3A_466 = arith.constant 112 : index
        %parallel_loop3A_467 = tpu.vector_load %arg11[%parallel_loop3A_465, %parallel_loop3A_466] {strides = array<i32>} : memref<80x144xf32, #tpu.memory_space<vmem>>, vector<1x16xf32>,
        %parallel_loop3A_468 = vector.shape_cast %parallel_loop3A_467 : vector<1x16xf32> to vector<16xf32>
        %parallel_loop3A_469 = arith.mulf %parallel_loop3A_468, %parallel_loop3A_386 : vector<16xf32>
        %parallel_loop3A_470 = arith.index_cast %parallel_loop3A_369 : i32 to index
        %parallel_loop3A_471 = arith.constant 112 : index
        %parallel_loop3A_472 = tpu.vector_load %arg11[%parallel_loop3A_470, %parallel_loop3A_471] {strides = array<i32>} : memref<80x144xf32, #tpu.memory_space<vmem>>, vector<1x16xf32>,
        %parallel_loop3A_473 = vector.shape_cast %parallel_loop3A_472 : vector<1x16xf32> to vector<16xf32>
        %parallel_loop3A_474 = vector.shape_cast %parallel_loop3A_469 : vector<16xf32> to vector<1x16xf32>
        tpu.vector_store %arg11[%parallel_loop3A_470, %parallel_loop3A_471], %parallel_loop3A_474 {strides = array<i32>} : memref<80x144xf32, #tpu.memory_space<vmem>>, vector<1x16xf32>,
      } {sc.loop_unroll_factor = 4 : i64, sc.parallel_access}
      %dma_start3A_362 = arith.constant 1 : i32
      %dma_start3A_363 = arith.constant 0 : i32
      %dma_start3A_364 = tpu.memref_slice %arg8[%dma_start3A_362, %dma_start3A_363] : memref<2x80xi32, #tpu.memory_space<vmem>> -> memref<1x80xi32, #tpu.memory_space<vmem>>
      %dma_start3A_365 = tpu.memref_squeeze %dma_start3A_364 : memref<1x80xi32, #tpu.memory_space<vmem>> -> memref<80xi32, #tpu.memory_space<vmem>>
      %dma_start3A_366 = arith.constant 0 : i32
      %dma_start3A_367 = arith.constant 0 : i32
      %dma_start3A_368 = tpu.memref_slice %arg15[%dma_start3A_366, %dma_start3A_367] : memref<10000x144xf32, #tpu.memory_space<vmem_shared>> -> memref<10000x144xf32, #tpu.memory_space<vmem_shared>>
      tpu.enqueue_indirect_dma source(%arg11 : memref<80x144xf32, #tpu.memory_space<vmem>>) target(%dma_start3A_368 : memref<10000x144xf32, #tpu.memory_space<vmem_shared>>) offsets(%dma_start3A_365 : memref<80xi32, #tpu.memory_space<vmem>>) semaphore(%arg27 : memref<!tpu.dma_semaphore, #tpu.memory_space<semaphore_mem>>) {add = true}
    }
    %scan3A_140 = arith.constant 41 : i32
    %dma_wait3A_141 = arith.constant 0 : i32
    %dma_wait3A_142 = arith.constant 0 : i32
    %dma_wait3A_143 = tpu.memref_slice %arg6[%dma_wait3A_141, %dma_wait3A_142] : memref<2x80xi32, #tpu.memory_space<vmem>> -> memref<1x80xi32, #tpu.memory_space<vmem>>
    %dma_wait3A_144 = tpu.memref_squeeze %dma_wait3A_143 : memref<1x80xi32, #tpu.memory_space<vmem>> -> memref<80xi32, #tpu.memory_space<vmem>>
    %dma_wait3A_145 = arith.constant 0 : i32
    %dma_wait3A_146 = arith.constant 0 : i32
    %dma_wait3A_147 = tpu.memref_slice %arg2[%dma_wait3A_145, %dma_wait3A_146] : memref<10000x144xf32, #tpu.memory_space<hbm>> -> memref<10000x144xf32, #tpu.memory_space<hbm>>
    tpu.wait_indirect_dma semaphore(%arg19 : memref<!tpu.dma_semaphore, #tpu.memory_space<semaphore_mem>>) src(%dma_wait3A_147 : memref<10000x144xf32, #tpu.memory_space<hbm>>) dst(%arg9 : memref<80x144xf32, #tpu.memory_space<vmem>>)
    %dma_wait3A_148 = arith.constant 1 : i32
    %dma_wait3A_149 = arith.constant 0 : i32
    %dma_wait3A_150 = tpu.memref_slice %arg6[%dma_wait3A_148, %dma_wait3A_149] : memref<2x80xi32, #tpu.memory_space<vmem>> -> memref<1x80xi32, #tpu.memory_space<vmem>>
    %dma_wait3A_151 = tpu.memref_squeeze %dma_wait3A_150 : memref<1x80xi32, #tpu.memory_space<vmem>> -> memref<80xi32, #tpu.memory_space<vmem>>
    %dma_wait3A_152 = arith.constant 0 : i32
    %dma_wait3A_153 = arith.constant 0 : i32
    %dma_wait3A_154 = tpu.memref_slice %arg3[%dma_wait3A_152, %dma_wait3A_153] : memref<10000x16xf32, #tpu.memory_space<hbm>> -> memref<10000x16xf32, #tpu.memory_space<hbm>>
    tpu.wait_indirect_dma semaphore(%arg22 : memref<!tpu.dma_semaphore, #tpu.memory_space<semaphore_mem>>) src(%dma_wait3A_154 : memref<10000x16xf32, #tpu.memory_space<hbm>>) dst(%arg12 : memref<80x16xf32, #tpu.memory_space<vmem>>)
    %add3A_155 = arith.constant 123 : i32
    %add3A_156 = arith.constant 2 : i32
    %add3A_157 = arith.addi %add3A_155, %add3A_156 : i32
    %lt3A_158 = arith.constant 125 : i32
    %lt3A_159 = arith.cmpi slt, %add3A_157, %lt3A_158 : i32
    %convert_element_type3A = arith.extui %lt3A_159 : i1 to i32
    %cond3A = arith.constant 123 : i32
    %cond3A_160 = arith.constant 0 : i32
    %cond3A_161 = arith.cmpi ne, %convert_element_type3A, %cond3A_160 : i32
    scf.if %cond3A_161 {
      %ge3A = arith.constant 1 : i32
      %ge3A_242 = arith.cmpi sge, %cond3A, %ge3A : i32
      %convert_element_type3A_243 = arith.extui %ge3A_242 : i1 to i32
      %cond3A_244 = arith.constant 0 : i32
      %cond3A_245 = arith.cmpi ne, %convert_element_type3A_243, %cond3A_244 : i32
      scf.if %cond3A_245 {
        %dma_wait3A_255 = arith.constant 1 : i32
        %dma_wait3A_256 = arith.constant 0 : i32
        %dma_wait3A_257 = tpu.memref_slice %arg8[%dma_wait3A_255, %dma_wait3A_256] : memref<2x80xi32, #tpu.memory_space<vmem>> -> memref<1x80xi32, #tpu.memory_space<vmem>>
        %dma_wait3A_258 = tpu.memref_squeeze %dma_wait3A_257 : memref<1x80xi32, #tpu.memory_space<vmem>> -> memref<80xi32, #tpu.memory_space<vmem>>
        %dma_wait3A_259 = arith.constant 0 : i32
        %dma_wait3A_260 = arith.constant 0 : i32
        %dma_wait3A_261 = tpu.memref_slice %arg15[%dma_wait3A_259, %dma_wait3A_260] : memref<10000x144xf32, #tpu.memory_space<vmem_shared>> -> memref<10000x144xf32, #tpu.memory_space<vmem_shared>>
        tpu.wait_indirect_dma semaphore(%arg27 : memref<!tpu.dma_semaphore, #tpu.memory_space<semaphore_mem>>) src(%arg11 : memref<80x144xf32, #tpu.memory_space<vmem>>) dst(%dma_wait3A_261 : memref<10000x144xf32, #tpu.memory_space<vmem_shared>>)
      } else {
      }
      %add3A_246 = arith.constant 2 : i32
      %add3A_247 = arith.addi %cond3A, %add3A_246 : i32
      %mul3A_248 = arith.constant 80 : i32
      %mul3A_249 = arith.muli %add3A_247, %mul3A_248 : i32
      %add3A_250 = arith.addi %mul3A_2, %mul3A_249 : i32
      %dma_start3A_251 = arith.constant 0 : i32
      %dma_start3A_252 = tpu.memref_slice %arg4[%dma_start3A_251, %add3A_250] : memref<2x320000xi32, #tpu.memory_space<hbm>> -> memref<2x80xi32, #tpu.memory_space<hbm>>
      %dma_start3A_253 = arith.constant 0 : i32
      %dma_start3A_254 = tpu.memref_slice %arg4[%dma_start3A_253, %add3A_250] : memref<2x320000xi32, #tpu.memory_space<hbm>> -> memref<2x80xi32, #tpu.memory_space<hbm>>
      tpu.enqueue_dma source(%dma_start3A_254 : memref<2x80xi32, #tpu.memory_space<hbm>>) target(%arg8 : memref<2x80xi32, #tpu.memory_space<vmem>>) target_semaphore(%arg18 : memref<!tpu.dma_semaphore, #tpu.memory_space<semaphore_mem>>)
    } else {
    }
    %add3A_162 = arith.constant 123 : i32
    %add3A_163 = arith.constant 1 : i32
    %add3A_164 = arith.addi %add3A_162, %add3A_163 : i32
    %lt3A_165 = arith.constant 125 : i32
    %lt3A_166 = arith.cmpi slt, %add3A_164, %lt3A_165 : i32
    %convert_element_type3A_167 = arith.extui %lt3A_166 : i1 to i32
    %cond3A_168 = arith.constant 0 : i32
    %cond3A_169 = arith.cmpi ne, %convert_element_type3A_167, %cond3A_168 : i32
    scf.if %cond3A_169 {
      %dma_wait3A_242 = arith.constant 0 : i32
      %dma_wait3A_243 = arith.constant 0 : i32
      %dma_wait3A_244 = tpu.memref_slice %arg4[%dma_wait3A_242, %dma_wait3A_243] : memref<2x320000xi32, #tpu.memory_space<hbm>> -> memref<2x80xi32, #tpu.memory_space<hbm>>
      %dma_wait3A_245 = arith.constant 0 : i32
      %dma_wait3A_246 = arith.constant 0 : i32
      %dma_wait3A_247 = tpu.memref_slice %arg4[%dma_wait3A_245, %dma_wait3A_246] : memref<2x320000xi32, #tpu.memory_space<hbm>> -> memref<2x80xi32, #tpu.memory_space<hbm>>
      tpu.wait_dma2 semaphore(%arg17 : memref<!tpu.dma_semaphore, #tpu.memory_space<semaphore_mem>>) src(%dma_wait3A_247 : memref<2x80xi32, #tpu.memory_space<hbm>>) dst(%arg7 : memref<2x80xi32, #tpu.memory_space<vmem>>)
      %dma_start3A_248 = arith.constant 0 : i32
      %dma_start3A_249 = arith.constant 0 : i32
      %dma_start3A_250 = tpu.memref_slice %arg7[%dma_start3A_248, %dma_start3A_249] : memref<2x80xi32, #tpu.memory_space<vmem>> -> memref<1x80xi32, #tpu.memory_space<vmem>>
      %dma_start3A_251 = tpu.memref_squeeze %dma_start3A_250 : memref<1x80xi32, #tpu.memory_space<vmem>> -> memref<80xi32, #tpu.memory_space<vmem>>
      %dma_start3A_252 = arith.constant 0 : i32
      %dma_start3A_253 = arith.constant 0 : i32
      %dma_start3A_254 = tpu.memref_slice %arg2[%dma_start3A_252, %dma_start3A_253] : memref<10000x144xf32, #tpu.memory_space<hbm>> -> memref<10000x144xf32, #tpu.memory_space<hbm>>
      tpu.enqueue_indirect_dma source(%dma_start3A_254 : memref<10000x144xf32, #tpu.memory_space<hbm>>) target(%arg10 : memref<80x144xf32, #tpu.memory_space<vmem>>) offsets(%dma_start3A_251 : memref<80xi32, #tpu.memory_space<vmem>>) semaphore(%arg20 : memref<!tpu.dma_semaphore, #tpu.memory_space<semaphore_mem>>)
      %dma_start3A_255 = arith.constant 1 : i32
      %dma_start3A_256 = arith.constant 0 : i32
      %dma_start3A_257 = tpu.memref_slice %arg7[%dma_start3A_255, %dma_start3A_256] : memref<2x80xi32, #tpu.memory_space<vmem>> -> memref<1x80xi32, #tpu.memory_space<vmem>>
      %dma_start3A_258 = tpu.memref_squeeze %dma_start3A_257 : memref<1x80xi32, #tpu.memory_space<vmem>> -> memref<80xi32, #tpu.memory_space<vmem>>
      %dma_start3A_259 = arith.constant 0 : i32
      %dma_start3A_260 = arith.constant 0 : i32
      %dma_start3A_261 = tpu.memref_slice %arg3[%dma_start3A_259, %dma_start3A_260] : memref<10000x16xf32, #tpu.memory_space<hbm>> -> memref<10000x16xf32, #tpu.memory_space<hbm>>
      tpu.enqueue_indirect_dma source(%dma_start3A_261 : memref<10000x16xf32, #tpu.memory_space<hbm>>) target(%arg13 : memref<80x16xf32, #tpu.memory_space<vmem>>) offsets(%dma_start3A_258 : memref<80xi32, #tpu.memory_space<vmem>>) semaphore(%arg23 : memref<!tpu.dma_semaphore, #tpu.memory_space<semaphore_mem>>)
    } else {
    }
    %parallel_loop3A = arith.constant 0 : i32
    %parallel_loop3A_170 = arith.constant 80 : i32
    %parallel_loop3A_171 = arith.constant 1 : i32
    scf.for %parallel_loop3A_242 = %parallel_loop3A to %parallel_loop3A_170 step %parallel_loop3A_171  : i32 {
      %parallel_loop3A_243 = arith.index_cast %parallel_loop3A_242 : i32 to index
      %parallel_loop3A_244 = arith.constant 128 : index
      %parallel_loop3A_245 = tpu.vector_load %arg9[%parallel_loop3A_243, %parallel_loop3A_244] {strides = array<i32>} : memref<80x144xf32, #tpu.memory_space<vmem>>, vector<1x16xf32>,
      %parallel_loop3A_246 = vector.shape_cast %parallel_loop3A_245 : vector<1x16xf32> to vector<16xf32>
      %parallel_loop3A_247 = arith.index_cast %parallel_loop3A_242 : i32 to index
      %parallel_loop3A_248 = arith.constant 0 : index
      %parallel_loop3A_249 = tpu.vector_load %arg12[%parallel_loop3A_247, %parallel_loop3A_248] {strides = array<i32>} : memref<80x16xf32, #tpu.memory_space<vmem>>, vector<1x16xf32>,
      %parallel_loop3A_250 = vector.shape_cast %parallel_loop3A_249 : vector<1x16xf32> to vector<16xf32>
      %parallel_loop3A_251 = arith.addf %parallel_loop3A_246, %parallel_loop3A_250 : vector<16xf32>
      %parallel_loop3A_252 = arith.constant 0.000000e+00 : f32
      %parallel_loop3A_253 = vector.broadcast %parallel_loop3A_252 : f32 to vector<16xf32>
      %parallel_loop3A_254 = arith.cmpf ogt, %parallel_loop3A_251, %parallel_loop3A_253 : vector<16xf32>
      %parallel_loop3A_255 = arith.constant 2.000000e-01 : f32
      %parallel_loop3A_256 = vector.broadcast %parallel_loop3A_255 : f32 to vector<16xf32>
      %parallel_loop3A_257 = arith.mulf %parallel_loop3A_251, %parallel_loop3A_256 : vector<16xf32>
      %parallel_loop3A_258 = arith.select %parallel_loop3A_254, %parallel_loop3A_251, %parallel_loop3A_257 : vector<16xi1>, vector<16xf32>
      %parallel_loop3A_259 = math.exp %parallel_loop3A_258 : vector<16xf32>
      %parallel_loop3A_260 = arith.constant 0.000000e+00 : f32
      %parallel_loop3A_261 = vector.broadcast %parallel_loop3A_260 : f32 to vector<16xf32>
      %parallel_loop3A_262 = arith.select %lt3A_102, %parallel_loop3A_259, %parallel_loop3A_261 : vector<16xi1>, vector<16xf32>
      %parallel_loop3A_263 = arith.index_cast %parallel_loop3A_242 : i32 to index
      %parallel_loop3A_264 = arith.constant 128 : index
      %parallel_loop3A_265 = tpu.vector_load %arg9[%parallel_loop3A_263, %parallel_loop3A_264] {strides = array<i32>} : memref<80x144xf32, #tpu.memory_space<vmem>>, vector<1x16xf32>,
      %parallel_loop3A_266 = vector.shape_cast %parallel_loop3A_265 : vector<1x16xf32> to vector<16xf32>
      %parallel_loop3A_267 = vector.shape_cast %parallel_loop3A_262 : vector<16xf32> to vector<1x16xf32>
      tpu.vector_store %arg9[%parallel_loop3A_263, %parallel_loop3A_264], %parallel_loop3A_267 {strides = array<i32>} : memref<80x144xf32, #tpu.memory_space<vmem>>, vector<1x16xf32>,
      %parallel_loop3A_268 = arith.index_cast %parallel_loop3A_242 : i32 to index
      %parallel_loop3A_269 = arith.constant 0 : index
      %parallel_loop3A_270 = tpu.vector_load %arg9[%parallel_loop3A_268, %parallel_loop3A_269] {strides = array<i32>} : memref<80x144xf32, #tpu.memory_space<vmem>>, vector<1x16xf32>,
      %parallel_loop3A_271 = vector.shape_cast %parallel_loop3A_270 : vector<1x16xf32> to vector<16xf32>
      %parallel_loop3A_272 = arith.mulf %parallel_loop3A_271, %parallel_loop3A_259 : vector<16xf32>
      %parallel_loop3A_273 = arith.index_cast %parallel_loop3A_242 : i32 to index
      %parallel_loop3A_274 = arith.constant 0 : index
      %parallel_loop3A_275 = tpu.vector_load %arg9[%parallel_loop3A_273, %parallel_loop3A_274] {strides = array<i32>} : memref<80x144xf32, #tpu.memory_space<vmem>>, vector<1x16xf32>,
      %parallel_loop3A_276 = vector.shape_cast %parallel_loop3A_275 : vector<1x16xf32> to vector<16xf32>
      %parallel_loop3A_277 = vector.shape_cast %parallel_loop3A_272 : vector<16xf32> to vector<1x16xf32>
      tpu.vector_store %arg9[%parallel_loop3A_273, %parallel_loop3A_274], %parallel_loop3A_277 {strides = array<i32>} : memref<80x144xf32, #tpu.memory_space<vmem>>, vector<1x16xf32>,
      %parallel_loop3A_278 = arith.index_cast %parallel_loop3A_242 : i32 to index
      %parallel_loop3A_279 = arith.constant 16 : index
      %parallel_loop3A_280 = tpu.vector_load %arg9[%parallel_loop3A_278, %parallel_loop3A_279] {strides = array<i32>} : memref<80x144xf32, #tpu.memory_space<vmem>>, vector<1x16xf32>,
      %parallel_loop3A_281 = vector.shape_cast %parallel_loop3A_280 : vector<1x16xf32> to vector<16xf32>
      %parallel_loop3A_282 = arith.mulf %parallel_loop3A_281, %parallel_loop3A_259 : vector<16xf32>
      %parallel_loop3A_283 = arith.index_cast %parallel_loop3A_242 : i32 to index
      %parallel_loop3A_284 = arith.constant 16 : index
      %parallel_loop3A_285 = tpu.vector_load %arg9[%parallel_loop3A_283, %parallel_loop3A_284] {strides = array<i32>} : memref<80x144xf32, #tpu.memory_space<vmem>>, vector<1x16xf32>,
      %parallel_loop3A_286 = vector.shape_cast %parallel_loop3A_285 : vector<1x16xf32> to vector<16xf32>
      %parallel_loop3A_287 = vector.shape_cast %parallel_loop3A_282 : vector<16xf32> to vector<1x16xf32>
      tpu.vector_store %arg9[%parallel_loop3A_283, %parallel_loop3A_284], %parallel_loop3A_287 {strides = array<i32>} : memref<80x144xf32, #tpu.memory_space<vmem>>, vector<1x16xf32>,
      %parallel_loop3A_288 = arith.index_cast %parallel_loop3A_242 : i32 to index
      %parallel_loop3A_289 = arith.constant 32 : index
      %parallel_loop3A_290 = tpu.vector_load %arg9[%parallel_loop3A_288, %parallel_loop3A_289] {strides = array<i32>} : memref<80x144xf32, #tpu.memory_space<vmem>>, vector<1x16xf32>,
      %parallel_loop3A_291 = vector.shape_cast %parallel_loop3A_290 : vector<1x16xf32> to vector<16xf32>
      %parallel_loop3A_292 = arith.mulf %parallel_loop3A_291, %parallel_loop3A_259 : vector<16xf32>
      %parallel_loop3A_293 = arith.index_cast %parallel_loop3A_242 : i32 to index
      %parallel_loop3A_294 = arith.constant 32 : index
      %parallel_loop3A_295 = tpu.vector_load %arg9[%parallel_loop3A_293, %parallel_loop3A_294] {strides = array<i32>} : memref<80x144xf32, #tpu.memory_space<vmem>>, vector<1x16xf32>,
      %parallel_loop3A_296 = vector.shape_cast %parallel_loop3A_295 : vector<1x16xf32> to vector<16xf32>
      %parallel_loop3A_297 = vector.shape_cast %parallel_loop3A_292 : vector<16xf32> to vector<1x16xf32>
      tpu.vector_store %arg9[%parallel_loop3A_293, %parallel_loop3A_294], %parallel_loop3A_297 {strides = array<i32>} : memref<80x144xf32, #tpu.memory_space<vmem>>, vector<1x16xf32>,
      %parallel_loop3A_298 = arith.index_cast %parallel_loop3A_242 : i32 to index
      %parallel_loop3A_299 = arith.constant 48 : index
      %parallel_loop3A_300 = tpu.vector_load %arg9[%parallel_loop3A_298, %parallel_loop3A_299] {strides = array<i32>} : memref<80x144xf32, #tpu.memory_space<vmem>>, vector<1x16xf32>,
      %parallel_loop3A_301 = vector.shape_cast %parallel_loop3A_300 : vector<1x16xf32> to vector<16xf32>
      %parallel_loop3A_302 = arith.mulf %parallel_loop3A_301, %parallel_loop3A_259 : vector<16xf32>
      %parallel_loop3A_303 = arith.index_cast %parallel_loop3A_242 : i32 to index
      %parallel_loop3A_304 = arith.constant 48 : index
      %parallel_loop3A_305 = tpu.vector_load %arg9[%parallel_loop3A_303, %parallel_loop3A_304] {strides = array<i32>} : memref<80x144xf32, #tpu.memory_space<vmem>>, vector<1x16xf32>,
      %parallel_loop3A_306 = vector.shape_cast %parallel_loop3A_305 : vector<1x16xf32> to vector<16xf32>
      %parallel_loop3A_307 = vector.shape_cast %parallel_loop3A_302 : vector<16xf32> to vector<1x16xf32>
      tpu.vector_store %arg9[%parallel_loop3A_303, %parallel_loop3A_304], %parallel_loop3A_307 {strides = array<i32>} : memref<80x144xf32, #tpu.memory_space<vmem>>, vector<1x16xf32>,
      %parallel_loop3A_308 = arith.index_cast %parallel_loop3A_242 : i32 to index
      %parallel_loop3A_309 = arith.constant 64 : index
      %parallel_loop3A_310 = tpu.vector_load %arg9[%parallel_loop3A_308, %parallel_loop3A_309] {strides = array<i32>} : memref<80x144xf32, #tpu.memory_space<vmem>>, vector<1x16xf32>,
      %parallel_loop3A_311 = vector.shape_cast %parallel_loop3A_310 : vector<1x16xf32> to vector<16xf32>
      %parallel_loop3A_312 = arith.mulf %parallel_loop3A_311, %parallel_loop3A_259 : vector<16xf32>
      %parallel_loop3A_313 = arith.index_cast %parallel_loop3A_242 : i32 to index
      %parallel_loop3A_314 = arith.constant 64 : index
      %parallel_loop3A_315 = tpu.vector_load %arg9[%parallel_loop3A_313, %parallel_loop3A_314] {strides = array<i32>} : memref<80x144xf32, #tpu.memory_space<vmem>>, vector<1x16xf32>,
      %parallel_loop3A_316 = vector.shape_cast %parallel_loop3A_315 : vector<1x16xf32> to vector<16xf32>
      %parallel_loop3A_317 = vector.shape_cast %parallel_loop3A_312 : vector<16xf32> to vector<1x16xf32>
      tpu.vector_store %arg9[%parallel_loop3A_313, %parallel_loop3A_314], %parallel_loop3A_317 {strides = array<i32>} : memref<80x144xf32, #tpu.memory_space<vmem>>, vector<1x16xf32>,
      %parallel_loop3A_318 = arith.index_cast %parallel_loop3A_242 : i32 to index
      %parallel_loop3A_319 = arith.constant 80 : index
      %parallel_loop3A_320 = tpu.vector_load %arg9[%parallel_loop3A_318, %parallel_loop3A_319] {strides = array<i32>} : memref<80x144xf32, #tpu.memory_space<vmem>>, vector<1x16xf32>,
      %parallel_loop3A_321 = vector.shape_cast %parallel_loop3A_320 : vector<1x16xf32> to vector<16xf32>
      %parallel_loop3A_322 = arith.mulf %parallel_loop3A_321, %parallel_loop3A_259 : vector<16xf32>
      %parallel_loop3A_323 = arith.index_cast %parallel_loop3A_242 : i32 to index
      %parallel_loop3A_324 = arith.constant 80 : index
      %parallel_loop3A_325 = tpu.vector_load %arg9[%parallel_loop3A_323, %parallel_loop3A_324] {strides = array<i32>} : memref<80x144xf32, #tpu.memory_space<vmem>>, vector<1x16xf32>,
      %parallel_loop3A_326 = vector.shape_cast %parallel_loop3A_325 : vector<1x16xf32> to vector<16xf32>
      %parallel_loop3A_327 = vector.shape_cast %parallel_loop3A_322 : vector<16xf32> to vector<1x16xf32>
      tpu.vector_store %arg9[%parallel_loop3A_323, %parallel_loop3A_324], %parallel_loop3A_327 {strides = array<i32>} : memref<80x144xf32, #tpu.memory_space<vmem>>, vector<1x16xf32>,
      %parallel_loop3A_328 = arith.index_cast %parallel_loop3A_242 : i32 to index
      %parallel_loop3A_329 = arith.constant 96 : index
      %parallel_loop3A_330 = tpu.vector_load %arg9[%parallel_loop3A_328, %parallel_loop3A_329] {strides = array<i32>} : memref<80x144xf32, #tpu.memory_space<vmem>>, vector<1x16xf32>,
      %parallel_loop3A_331 = vector.shape_cast %parallel_loop3A_330 : vector<1x16xf32> to vector<16xf32>
      %parallel_loop3A_332 = arith.mulf %parallel_loop3A_331, %parallel_loop3A_259 : vector<16xf32>
      %parallel_loop3A_333 = arith.index_cast %parallel_loop3A_242 : i32 to index
      %parallel_loop3A_334 = arith.constant 96 : index
      %parallel_loop3A_335 = tpu.vector_load %arg9[%parallel_loop3A_333, %parallel_loop3A_334] {strides = array<i32>} : memref<80x144xf32, #tpu.memory_space<vmem>>, vector<1x16xf32>,
      %parallel_loop3A_336 = vector.shape_cast %parallel_loop3A_335 : vector<1x16xf32> to vector<16xf32>
      %parallel_loop3A_337 = vector.shape_cast %parallel_loop3A_332 : vector<16xf32> to vector<1x16xf32>
      tpu.vector_store %arg9[%parallel_loop3A_333, %parallel_loop3A_334], %parallel_loop3A_337 {strides = array<i32>} : memref<80x144xf32, #tpu.memory_space<vmem>>, vector<1x16xf32>,
      %parallel_loop3A_338 = arith.index_cast %parallel_loop3A_242 : i32 to index
      %parallel_loop3A_339 = arith.constant 112 : index
      %parallel_loop3A_340 = tpu.vector_load %arg9[%parallel_loop3A_338, %parallel_loop3A_339] {strides = array<i32>} : memref<80x144xf32, #tpu.memory_space<vmem>>, vector<1x16xf32>,
      %parallel_loop3A_341 = vector.shape_cast %parallel_loop3A_340 : vector<1x16xf32> to vector<16xf32>
      %parallel_loop3A_342 = arith.mulf %parallel_loop3A_341, %parallel_loop3A_259 : vector<16xf32>
      %parallel_loop3A_343 = arith.index_cast %parallel_loop3A_242 : i32 to index
      %parallel_loop3A_344 = arith.constant 112 : index
      %parallel_loop3A_345 = tpu.vector_load %arg9[%parallel_loop3A_343, %parallel_loop3A_344] {strides = array<i32>} : memref<80x144xf32, #tpu.memory_space<vmem>>, vector<1x16xf32>,
      %parallel_loop3A_346 = vector.shape_cast %parallel_loop3A_345 : vector<1x16xf32> to vector<16xf32>
      %parallel_loop3A_347 = vector.shape_cast %parallel_loop3A_342 : vector<16xf32> to vector<1x16xf32>
      tpu.vector_store %arg9[%parallel_loop3A_343, %parallel_loop3A_344], %parallel_loop3A_347 {strides = array<i32>} : memref<80x144xf32, #tpu.memory_space<vmem>>, vector<1x16xf32>,
    } {sc.loop_unroll_factor = 4 : i64, sc.parallel_access}
    %dma_start3A_172 = arith.constant 1 : i32
    %dma_start3A_173 = arith.constant 0 : i32
    %dma_start3A_174 = tpu.memref_slice %arg6[%dma_start3A_172, %dma_start3A_173] : memref<2x80xi32, #tpu.memory_space<vmem>> -> memref<1x80xi32, #tpu.memory_space<vmem>>
    %dma_start3A_175 = tpu.memref_squeeze %dma_start3A_174 : memref<1x80xi32, #tpu.memory_space<vmem>> -> memref<80xi32, #tpu.memory_space<vmem>>
    %dma_start3A_176 = arith.constant 0 : i32
    %dma_start3A_177 = arith.constant 0 : i32
    %dma_start3A_178 = tpu.memref_slice %arg15[%dma_start3A_176, %dma_start3A_177] : memref<10000x144xf32, #tpu.memory_space<vmem_shared>> -> memref<10000x144xf32, #tpu.memory_space<vmem_shared>>
    tpu.enqueue_indirect_dma source(%arg9 : memref<80x144xf32, #tpu.memory_space<vmem>>) target(%dma_start3A_178 : memref<10000x144xf32, #tpu.memory_space<vmem_shared>>) offsets(%dma_start3A_175 : memref<80xi32, #tpu.memory_space<vmem>>) semaphore(%arg25 : memref<!tpu.dma_semaphore, #tpu.memory_space<semaphore_mem>>) {add = true}
    %dma_wait3A_179 = arith.constant 0 : i32
    %dma_wait3A_180 = arith.constant 0 : i32
    %dma_wait3A_181 = tpu.memref_slice %arg7[%dma_wait3A_179, %dma_wait3A_180] : memref<2x80xi32, #tpu.memory_space<vmem>> -> memref<1x80xi32, #tpu.memory_space<vmem>>
    %dma_wait3A_182 = tpu.memref_squeeze %dma_wait3A_181 : memref<1x80xi32, #tpu.memory_space<vmem>> -> memref<80xi32, #tpu.memory_space<vmem>>
    %dma_wait3A_183 = arith.constant 0 : i32
    %dma_wait3A_184 = arith.constant 0 : i32
    %dma_wait3A_185 = tpu.memref_slice %arg2[%dma_wait3A_183, %dma_wait3A_184] : memref<10000x144xf32, #tpu.memory_space<hbm>> -> memref<10000x144xf32, #tpu.memory_space<hbm>>
    tpu.wait_indirect_dma semaphore(%arg20 : memref<!tpu.dma_semaphore, #tpu.memory_space<semaphore_mem>>) src(%dma_wait3A_185 : memref<10000x144xf32, #tpu.memory_space<hbm>>) dst(%arg10 : memref<80x144xf32, #tpu.memory_space<vmem>>)
    %dma_wait3A_186 = arith.constant 1 : i32
    %dma_wait3A_187 = arith.constant 0 : i32
    %dma_wait3A_188 = tpu.memref_slice %arg7[%dma_wait3A_186, %dma_wait3A_187] : memref<2x80xi32, #tpu.memory_space<vmem>> -> memref<1x80xi32, #tpu.memory_space<vmem>>
    %dma_wait3A_189 = tpu.memref_squeeze %dma_wait3A_188 : memref<1x80xi32, #tpu.memory_space<vmem>> -> memref<80xi32, #tpu.memory_space<vmem>>
    %dma_wait3A_190 = arith.constant 0 : i32
    %dma_wait3A_191 = arith.constant 0 : i32
    %dma_wait3A_192 = tpu.memref_slice %arg3[%dma_wait3A_190, %dma_wait3A_191] : memref<10000x16xf32, #tpu.memory_space<hbm>> -> memref<10000x16xf32, #tpu.memory_space<hbm>>
    tpu.wait_indirect_dma semaphore(%arg23 : memref<!tpu.dma_semaphore, #tpu.memory_space<semaphore_mem>>) src(%dma_wait3A_192 : memref<10000x16xf32, #tpu.memory_space<hbm>>) dst(%arg13 : memref<80x16xf32, #tpu.memory_space<vmem>>)
    %add3A_193 = arith.constant 124 : i32
    %add3A_194 = arith.constant 2 : i32
    %add3A_195 = arith.addi %add3A_193, %add3A_194 : i32
    %lt3A_196 = arith.constant 125 : i32
    %lt3A_197 = arith.cmpi slt, %add3A_195, %lt3A_196 : i32
    %convert_element_type3A_198 = arith.extui %lt3A_197 : i1 to i32
    %cond3A_199 = arith.constant 124 : i32
    %cond3A_200 = arith.constant 0 : i32
    %cond3A_201 = arith.cmpi ne, %convert_element_type3A_198, %cond3A_200 : i32
    scf.if %cond3A_201 {
      %ge3A = arith.constant 1 : i32
      %ge3A_242 = arith.cmpi sge, %cond3A_199, %ge3A : i32
      %convert_element_type3A_243 = arith.extui %ge3A_242 : i1 to i32
      %cond3A_244 = arith.constant 0 : i32
      %cond3A_245 = arith.cmpi ne, %convert_element_type3A_243, %cond3A_244 : i32
      scf.if %cond3A_245 {
        %dma_wait3A_255 = arith.constant 1 : i32
        %dma_wait3A_256 = arith.constant 0 : i32
        %dma_wait3A_257 = tpu.memref_slice %arg6[%dma_wait3A_255, %dma_wait3A_256] : memref<2x80xi32, #tpu.memory_space<vmem>> -> memref<1x80xi32, #tpu.memory_space<vmem>>
        %dma_wait3A_258 = tpu.memref_squeeze %dma_wait3A_257 : memref<1x80xi32, #tpu.memory_space<vmem>> -> memref<80xi32, #tpu.memory_space<vmem>>
        %dma_wait3A_259 = arith.constant 0 : i32
        %dma_wait3A_260 = arith.constant 0 : i32
        %dma_wait3A_261 = tpu.memref_slice %arg15[%dma_wait3A_259, %dma_wait3A_260] : memref<10000x144xf32, #tpu.memory_space<vmem_shared>> -> memref<10000x144xf32, #tpu.memory_space<vmem_shared>>
        tpu.wait_indirect_dma semaphore(%arg25 : memref<!tpu.dma_semaphore, #tpu.memory_space<semaphore_mem>>) src(%arg9 : memref<80x144xf32, #tpu.memory_space<vmem>>) dst(%dma_wait3A_261 : memref<10000x144xf32, #tpu.memory_space<vmem_shared>>)
      } else {
      }
      %add3A_246 = arith.constant 2 : i32
      %add3A_247 = arith.addi %cond3A_199, %add3A_246 : i32
      %mul3A_248 = arith.constant 80 : i32
      %mul3A_249 = arith.muli %add3A_247, %mul3A_248 : i32
      %add3A_250 = arith.addi %mul3A_2, %mul3A_249 : i32
      %dma_start3A_251 = arith.constant 0 : i32
      %dma_start3A_252 = tpu.memref_slice %arg4[%dma_start3A_251, %add3A_250] : memref<2x320000xi32, #tpu.memory_space<hbm>> -> memref<2x80xi32, #tpu.memory_space<hbm>>
      %dma_start3A_253 = arith.constant 0 : i32
      %dma_start3A_254 = tpu.memref_slice %arg4[%dma_start3A_253, %add3A_250] : memref<2x320000xi32, #tpu.memory_space<hbm>> -> memref<2x80xi32, #tpu.memory_space<hbm>>
      tpu.enqueue_dma source(%dma_start3A_254 : memref<2x80xi32, #tpu.memory_space<hbm>>) target(%arg6 : memref<2x80xi32, #tpu.memory_space<vmem>>) target_semaphore(%arg16 : memref<!tpu.dma_semaphore, #tpu.memory_space<semaphore_mem>>)
    } else {
    }
    %add3A_202 = arith.constant 124 : i32
    %add3A_203 = arith.constant 1 : i32
    %add3A_204 = arith.addi %add3A_202, %add3A_203 : i32
    %lt3A_205 = arith.constant 125 : i32
    %lt3A_206 = arith.cmpi slt, %add3A_204, %lt3A_205 : i32
    %convert_element_type3A_207 = arith.extui %lt3A_206 : i1 to i32
    %cond3A_208 = arith.constant 0 : i32
    %cond3A_209 = arith.cmpi ne, %convert_element_type3A_207, %cond3A_208 : i32
    scf.if %cond3A_209 {
      %dma_wait3A_242 = arith.constant 0 : i32
      %dma_wait3A_243 = arith.constant 0 : i32
      %dma_wait3A_244 = tpu.memref_slice %arg4[%dma_wait3A_242, %dma_wait3A_243] : memref<2x320000xi32, #tpu.memory_space<hbm>> -> memref<2x80xi32, #tpu.memory_space<hbm>>
      %dma_wait3A_245 = arith.constant 0 : i32
      %dma_wait3A_246 = arith.constant 0 : i32
      %dma_wait3A_247 = tpu.memref_slice %arg4[%dma_wait3A_245, %dma_wait3A_246] : memref<2x320000xi32, #tpu.memory_space<hbm>> -> memref<2x80xi32, #tpu.memory_space<hbm>>
      tpu.wait_dma2 semaphore(%arg18 : memref<!tpu.dma_semaphore, #tpu.memory_space<semaphore_mem>>) src(%dma_wait3A_247 : memref<2x80xi32, #tpu.memory_space<hbm>>) dst(%arg8 : memref<2x80xi32, #tpu.memory_space<vmem>>)
      %dma_start3A_248 = arith.constant 0 : i32
      %dma_start3A_249 = arith.constant 0 : i32
      %dma_start3A_250 = tpu.memref_slice %arg8[%dma_start3A_248, %dma_start3A_249] : memref<2x80xi32, #tpu.memory_space<vmem>> -> memref<1x80xi32, #tpu.memory_space<vmem>>
      %dma_start3A_251 = tpu.memref_squeeze %dma_start3A_250 : memref<1x80xi32, #tpu.memory_space<vmem>> -> memref<80xi32, #tpu.memory_space<vmem>>
      %dma_start3A_252 = arith.constant 0 : i32
      %dma_start3A_253 = arith.constant 0 : i32
      %dma_start3A_254 = tpu.memref_slice %arg2[%dma_start3A_252, %dma_start3A_253] : memref<10000x144xf32, #tpu.memory_space<hbm>> -> memref<10000x144xf32, #tpu.memory_space<hbm>>
      tpu.enqueue_indirect_dma source(%dma_start3A_254 : memref<10000x144xf32, #tpu.memory_space<hbm>>) target(%arg11 : memref<80x144xf32, #tpu.memory_space<vmem>>) offsets(%dma_start3A_251 : memref<80xi32, #tpu.memory_space<vmem>>) semaphore(%arg21 : memref<!tpu.dma_semaphore, #tpu.memory_space<semaphore_mem>>)
      %dma_start3A_255 = arith.constant 1 : i32
      %dma_start3A_256 = arith.constant 0 : i32
      %dma_start3A_257 = tpu.memref_slice %arg8[%dma_start3A_255, %dma_start3A_256] : memref<2x80xi32, #tpu.memory_space<vmem>> -> memref<1x80xi32, #tpu.memory_space<vmem>>
      %dma_start3A_258 = tpu.memref_squeeze %dma_start3A_257 : memref<1x80xi32, #tpu.memory_space<vmem>> -> memref<80xi32, #tpu.memory_space<vmem>>
      %dma_start3A_259 = arith.constant 0 : i32
      %dma_start3A_260 = arith.constant 0 : i32
      %dma_start3A_261 = tpu.memref_slice %arg3[%dma_start3A_259, %dma_start3A_260] : memref<10000x16xf32, #tpu.memory_space<hbm>> -> memref<10000x16xf32, #tpu.memory_space<hbm>>
      tpu.enqueue_indirect_dma source(%dma_start3A_261 : memref<10000x16xf32, #tpu.memory_space<hbm>>) target(%arg14 : memref<80x16xf32, #tpu.memory_space<vmem>>) offsets(%dma_start3A_258 : memref<80xi32, #tpu.memory_space<vmem>>) semaphore(%arg24 : memref<!tpu.dma_semaphore, #tpu.memory_space<semaphore_mem>>)
    } else {
    }
    %parallel_loop3A_210 = arith.constant 0 : i32
    %parallel_loop3A_211 = arith.constant 80 : i32
    %parallel_loop3A_212 = arith.constant 1 : i32
    scf.for %parallel_loop3A_242 = %parallel_loop3A_210 to %parallel_loop3A_211 step %parallel_loop3A_212  : i32 {
      %parallel_loop3A_243 = arith.index_cast %parallel_loop3A_242 : i32 to index
      %parallel_loop3A_244 = arith.constant 128 : index
      %parallel_loop3A_245 = tpu.vector_load %arg10[%parallel_loop3A_243, %parallel_loop3A_244] {strides = array<i32>} : memref<80x144xf32, #tpu.memory_space<vmem>>, vector<1x16xf32>,
      %parallel_loop3A_246 = vector.shape_cast %parallel_loop3A_245 : vector<1x16xf32> to vector<16xf32>
      %parallel_loop3A_247 = arith.index_cast %parallel_loop3A_242 : i32 to index
      %parallel_loop3A_248 = arith.constant 0 : index
      %parallel_loop3A_249 = tpu.vector_load %arg13[%parallel_loop3A_247, %parallel_loop3A_248] {strides = array<i32>} : memref<80x16xf32, #tpu.memory_space<vmem>>, vector<1x16xf32>,
      %parallel_loop3A_250 = vector.shape_cast %parallel_loop3A_249 : vector<1x16xf32> to vector<16xf32>
      %parallel_loop3A_251 = arith.addf %parallel_loop3A_246, %parallel_loop3A_250 : vector<16xf32>
      %parallel_loop3A_252 = arith.constant 0.000000e+00 : f32
      %parallel_loop3A_253 = vector.broadcast %parallel_loop3A_252 : f32 to vector<16xf32>
      %parallel_loop3A_254 = arith.cmpf ogt, %parallel_loop3A_251, %parallel_loop3A_253 : vector<16xf32>
      %parallel_loop3A_255 = arith.constant 2.000000e-01 : f32
      %parallel_loop3A_256 = vector.broadcast %parallel_loop3A_255 : f32 to vector<16xf32>
      %parallel_loop3A_257 = arith.mulf %parallel_loop3A_251, %parallel_loop3A_256 : vector<16xf32>
      %parallel_loop3A_258 = arith.select %parallel_loop3A_254, %parallel_loop3A_251, %parallel_loop3A_257 : vector<16xi1>, vector<16xf32>
      %parallel_loop3A_259 = math.exp %parallel_loop3A_258 : vector<16xf32>
      %parallel_loop3A_260 = arith.constant 0.000000e+00 : f32
      %parallel_loop3A_261 = vector.broadcast %parallel_loop3A_260 : f32 to vector<16xf32>
      %parallel_loop3A_262 = arith.select %lt3A_102, %parallel_loop3A_259, %parallel_loop3A_261 : vector<16xi1>, vector<16xf32>
      %parallel_loop3A_263 = arith.index_cast %parallel_loop3A_242 : i32 to index
      %parallel_loop3A_264 = arith.constant 128 : index
      %parallel_loop3A_265 = tpu.vector_load %arg10[%parallel_loop3A_263, %parallel_loop3A_264] {strides = array<i32>} : memref<80x144xf32, #tpu.memory_space<vmem>>, vector<1x16xf32>,
      %parallel_loop3A_266 = vector.shape_cast %parallel_loop3A_265 : vector<1x16xf32> to vector<16xf32>
      %parallel_loop3A_267 = vector.shape_cast %parallel_loop3A_262 : vector<16xf32> to vector<1x16xf32>
      tpu.vector_store %arg10[%parallel_loop3A_263, %parallel_loop3A_264], %parallel_loop3A_267 {strides = array<i32>} : memref<80x144xf32, #tpu.memory_space<vmem>>, vector<1x16xf32>,
      %parallel_loop3A_268 = arith.index_cast %parallel_loop3A_242 : i32 to index
      %parallel_loop3A_269 = arith.constant 0 : index
      %parallel_loop3A_270 = tpu.vector_load %arg10[%parallel_loop3A_268, %parallel_loop3A_269] {strides = array<i32>} : memref<80x144xf32, #tpu.memory_space<vmem>>, vector<1x16xf32>,
      %parallel_loop3A_271 = vector.shape_cast %parallel_loop3A_270 : vector<1x16xf32> to vector<16xf32>
      %parallel_loop3A_272 = arith.mulf %parallel_loop3A_271, %parallel_loop3A_259 : vector<16xf32>
      %parallel_loop3A_273 = arith.index_cast %parallel_loop3A_242 : i32 to index
      %parallel_loop3A_274 = arith.constant 0 : index
      %parallel_loop3A_275 = tpu.vector_load %arg10[%parallel_loop3A_273, %parallel_loop3A_274] {strides = array<i32>} : memref<80x144xf32, #tpu.memory_space<vmem>>, vector<1x16xf32>,
      %parallel_loop3A_276 = vector.shape_cast %parallel_loop3A_275 : vector<1x16xf32> to vector<16xf32>
      %parallel_loop3A_277 = vector.shape_cast %parallel_loop3A_272 : vector<16xf32> to vector<1x16xf32>
      tpu.vector_store %arg10[%parallel_loop3A_273, %parallel_loop3A_274], %parallel_loop3A_277 {strides = array<i32>} : memref<80x144xf32, #tpu.memory_space<vmem>>, vector<1x16xf32>,
      %parallel_loop3A_278 = arith.index_cast %parallel_loop3A_242 : i32 to index
      %parallel_loop3A_279 = arith.constant 16 : index
      %parallel_loop3A_280 = tpu.vector_load %arg10[%parallel_loop3A_278, %parallel_loop3A_279] {strides = array<i32>} : memref<80x144xf32, #tpu.memory_space<vmem>>, vector<1x16xf32>,
      %parallel_loop3A_281 = vector.shape_cast %parallel_loop3A_280 : vector<1x16xf32> to vector<16xf32>
      %parallel_loop3A_282 = arith.mulf %parallel_loop3A_281, %parallel_loop3A_259 : vector<16xf32>
      %parallel_loop3A_283 = arith.index_cast %parallel_loop3A_242 : i32 to index
      %parallel_loop3A_284 = arith.constant 16 : index
      %parallel_loop3A_285 = tpu.vector_load %arg10[%parallel_loop3A_283, %parallel_loop3A_284] {strides = array<i32>} : memref<80x144xf32, #tpu.memory_space<vmem>>, vector<1x16xf32>,
      %parallel_loop3A_286 = vector.shape_cast %parallel_loop3A_285 : vector<1x16xf32> to vector<16xf32>
      %parallel_loop3A_287 = vector.shape_cast %parallel_loop3A_282 : vector<16xf32> to vector<1x16xf32>
      tpu.vector_store %arg10[%parallel_loop3A_283, %parallel_loop3A_284], %parallel_loop3A_287 {strides = array<i32>} : memref<80x144xf32, #tpu.memory_space<vmem>>, vector<1x16xf32>,
      %parallel_loop3A_288 = arith.index_cast %parallel_loop3A_242 : i32 to index
      %parallel_loop3A_289 = arith.constant 32 : index
      %parallel_loop3A_290 = tpu.vector_load %arg10[%parallel_loop3A_288, %parallel_loop3A_289] {strides = array<i32>} : memref<80x144xf32, #tpu.memory_space<vmem>>, vector<1x16xf32>,
      %parallel_loop3A_291 = vector.shape_cast %parallel_loop3A_290 : vector<1x16xf32> to vector<16xf32>
      %parallel_loop3A_292 = arith.mulf %parallel_loop3A_291, %parallel_loop3A_259 : vector<16xf32>
      %parallel_loop3A_293 = arith.index_cast %parallel_loop3A_242 : i32 to index
      %parallel_loop3A_294 = arith.constant 32 : index
      %parallel_loop3A_295 = tpu.vector_load %arg10[%parallel_loop3A_293, %parallel_loop3A_294] {strides = array<i32>} : memref<80x144xf32, #tpu.memory_space<vmem>>, vector<1x16xf32>,
      %parallel_loop3A_296 = vector.shape_cast %parallel_loop3A_295 : vector<1x16xf32> to vector<16xf32>
      %parallel_loop3A_297 = vector.shape_cast %parallel_loop3A_292 : vector<16xf32> to vector<1x16xf32>
      tpu.vector_store %arg10[%parallel_loop3A_293, %parallel_loop3A_294], %parallel_loop3A_297 {strides = array<i32>} : memref<80x144xf32, #tpu.memory_space<vmem>>, vector<1x16xf32>,
      %parallel_loop3A_298 = arith.index_cast %parallel_loop3A_242 : i32 to index
      %parallel_loop3A_299 = arith.constant 48 : index
      %parallel_loop3A_300 = tpu.vector_load %arg10[%parallel_loop3A_298, %parallel_loop3A_299] {strides = array<i32>} : memref<80x144xf32, #tpu.memory_space<vmem>>, vector<1x16xf32>,
      %parallel_loop3A_301 = vector.shape_cast %parallel_loop3A_300 : vector<1x16xf32> to vector<16xf32>
      %parallel_loop3A_302 = arith.mulf %parallel_loop3A_301, %parallel_loop3A_259 : vector<16xf32>
      %parallel_loop3A_303 = arith.index_cast %parallel_loop3A_242 : i32 to index
      %parallel_loop3A_304 = arith.constant 48 : index
      %parallel_loop3A_305 = tpu.vector_load %arg10[%parallel_loop3A_303, %parallel_loop3A_304] {strides = array<i32>} : memref<80x144xf32, #tpu.memory_space<vmem>>, vector<1x16xf32>,
      %parallel_loop3A_306 = vector.shape_cast %parallel_loop3A_305 : vector<1x16xf32> to vector<16xf32>
      %parallel_loop3A_307 = vector.shape_cast %parallel_loop3A_302 : vector<16xf32> to vector<1x16xf32>
      tpu.vector_store %arg10[%parallel_loop3A_303, %parallel_loop3A_304], %parallel_loop3A_307 {strides = array<i32>} : memref<80x144xf32, #tpu.memory_space<vmem>>, vector<1x16xf32>,
      %parallel_loop3A_308 = arith.index_cast %parallel_loop3A_242 : i32 to index
      %parallel_loop3A_309 = arith.constant 64 : index
      %parallel_loop3A_310 = tpu.vector_load %arg10[%parallel_loop3A_308, %parallel_loop3A_309] {strides = array<i32>} : memref<80x144xf32, #tpu.memory_space<vmem>>, vector<1x16xf32>,
      %parallel_loop3A_311 = vector.shape_cast %parallel_loop3A_310 : vector<1x16xf32> to vector<16xf32>
      %parallel_loop3A_312 = arith.mulf %parallel_loop3A_311, %parallel_loop3A_259 : vector<16xf32>
      %parallel_loop3A_313 = arith.index_cast %parallel_loop3A_242 : i32 to index
      %parallel_loop3A_314 = arith.constant 64 : index
      %parallel_loop3A_315 = tpu.vector_load %arg10[%parallel_loop3A_313, %parallel_loop3A_314] {strides = array<i32>} : memref<80x144xf32, #tpu.memory_space<vmem>>, vector<1x16xf32>,
      %parallel_loop3A_316 = vector.shape_cast %parallel_loop3A_315 : vector<1x16xf32> to vector<16xf32>
      %parallel_loop3A_317 = vector.shape_cast %parallel_loop3A_312 : vector<16xf32> to vector<1x16xf32>
      tpu.vector_store %arg10[%parallel_loop3A_313, %parallel_loop3A_314], %parallel_loop3A_317 {strides = array<i32>} : memref<80x144xf32, #tpu.memory_space<vmem>>, vector<1x16xf32>,
      %parallel_loop3A_318 = arith.index_cast %parallel_loop3A_242 : i32 to index
      %parallel_loop3A_319 = arith.constant 80 : index
      %parallel_loop3A_320 = tpu.vector_load %arg10[%parallel_loop3A_318, %parallel_loop3A_319] {strides = array<i32>} : memref<80x144xf32, #tpu.memory_space<vmem>>, vector<1x16xf32>,
      %parallel_loop3A_321 = vector.shape_cast %parallel_loop3A_320 : vector<1x16xf32> to vector<16xf32>
      %parallel_loop3A_322 = arith.mulf %parallel_loop3A_321, %parallel_loop3A_259 : vector<16xf32>
      %parallel_loop3A_323 = arith.index_cast %parallel_loop3A_242 : i32 to index
      %parallel_loop3A_324 = arith.constant 80 : index
      %parallel_loop3A_325 = tpu.vector_load %arg10[%parallel_loop3A_323, %parallel_loop3A_324] {strides = array<i32>} : memref<80x144xf32, #tpu.memory_space<vmem>>, vector<1x16xf32>,
      %parallel_loop3A_326 = vector.shape_cast %parallel_loop3A_325 : vector<1x16xf32> to vector<16xf32>
      %parallel_loop3A_327 = vector.shape_cast %parallel_loop3A_322 : vector<16xf32> to vector<1x16xf32>
      tpu.vector_store %arg10[%parallel_loop3A_323, %parallel_loop3A_324], %parallel_loop3A_327 {strides = array<i32>} : memref<80x144xf32, #tpu.memory_space<vmem>>, vector<1x16xf32>,
      %parallel_loop3A_328 = arith.index_cast %parallel_loop3A_242 : i32 to index
      %parallel_loop3A_329 = arith.constant 96 : index
      %parallel_loop3A_330 = tpu.vector_load %arg10[%parallel_loop3A_328, %parallel_loop3A_329] {strides = array<i32>} : memref<80x144xf32, #tpu.memory_space<vmem>>, vector<1x16xf32>,
      %parallel_loop3A_331 = vector.shape_cast %parallel_loop3A_330 : vector<1x16xf32> to vector<16xf32>
      %parallel_loop3A_332 = arith.mulf %parallel_loop3A_331, %parallel_loop3A_259 : vector<16xf32>
      %parallel_loop3A_333 = arith.index_cast %parallel_loop3A_242 : i32 to index
      %parallel_loop3A_334 = arith.constant 96 : index
      %parallel_loop3A_335 = tpu.vector_load %arg10[%parallel_loop3A_333, %parallel_loop3A_334] {strides = array<i32>} : memref<80x144xf32, #tpu.memory_space<vmem>>, vector<1x16xf32>,
      %parallel_loop3A_336 = vector.shape_cast %parallel_loop3A_335 : vector<1x16xf32> to vector<16xf32>
      %parallel_loop3A_337 = vector.shape_cast %parallel_loop3A_332 : vector<16xf32> to vector<1x16xf32>
      tpu.vector_store %arg10[%parallel_loop3A_333, %parallel_loop3A_334], %parallel_loop3A_337 {strides = array<i32>} : memref<80x144xf32, #tpu.memory_space<vmem>>, vector<1x16xf32>,
      %parallel_loop3A_338 = arith.index_cast %parallel_loop3A_242 : i32 to index
      %parallel_loop3A_339 = arith.constant 112 : index
      %parallel_loop3A_340 = tpu.vector_load %arg10[%parallel_loop3A_338, %parallel_loop3A_339] {strides = array<i32>} : memref<80x144xf32, #tpu.memory_space<vmem>>, vector<1x16xf32>,
      %parallel_loop3A_341 = vector.shape_cast %parallel_loop3A_340 : vector<1x16xf32> to vector<16xf32>
      %parallel_loop3A_342 = arith.mulf %parallel_loop3A_341, %parallel_loop3A_259 : vector<16xf32>
      %parallel_loop3A_343 = arith.index_cast %parallel_loop3A_242 : i32 to index
      %parallel_loop3A_344 = arith.constant 112 : index
      %parallel_loop3A_345 = tpu.vector_load %arg10[%parallel_loop3A_343, %parallel_loop3A_344] {strides = array<i32>} : memref<80x144xf32, #tpu.memory_space<vmem>>, vector<1x16xf32>,
      %parallel_loop3A_346 = vector.shape_cast %parallel_loop3A_345 : vector<1x16xf32> to vector<16xf32>
      %parallel_loop3A_347 = vector.shape_cast %parallel_loop3A_342 : vector<16xf32> to vector<1x16xf32>
      tpu.vector_store %arg10[%parallel_loop3A_343, %parallel_loop3A_344], %parallel_loop3A_347 {strides = array<i32>} : memref<80x144xf32, #tpu.memory_space<vmem>>, vector<1x16xf32>,
    } {sc.loop_unroll_factor = 4 : i64, sc.parallel_access}
    %dma_start3A_213 = arith.constant 1 : i32
    %dma_start3A_214 = arith.constant 0 : i32
    %dma_start3A_215 = tpu.memref_slice %arg7[%dma_start3A_213, %dma_start3A_214] : memref<2x80xi32, #tpu.memory_space<vmem>> -> memref<1x80xi32, #tpu.memory_space<vmem>>
    %dma_start3A_216 = tpu.memref_squeeze %dma_start3A_215 : memref<1x80xi32, #tpu.memory_space<vmem>> -> memref<80xi32, #tpu.memory_space<vmem>>
    %dma_start3A_217 = arith.constant 0 : i32
    %dma_start3A_218 = arith.constant 0 : i32
    %dma_start3A_219 = tpu.memref_slice %arg15[%dma_start3A_217, %dma_start3A_218] : memref<10000x144xf32, #tpu.memory_space<vmem_shared>> -> memref<10000x144xf32, #tpu.memory_space<vmem_shared>>
    tpu.enqueue_indirect_dma source(%arg10 : memref<80x144xf32, #tpu.memory_space<vmem>>) target(%dma_start3A_219 : memref<10000x144xf32, #tpu.memory_space<vmem_shared>>) offsets(%dma_start3A_216 : memref<80xi32, #tpu.memory_space<vmem>>) semaphore(%arg26 : memref<!tpu.dma_semaphore, #tpu.memory_space<semaphore_mem>>) {add = true}
    %dma_wait3A_220 = arith.constant 1 : i32
    %dma_wait3A_221 = arith.constant 0 : i32
    %dma_wait3A_222 = tpu.memref_slice %arg6[%dma_wait3A_220, %dma_wait3A_221] : memref<2x80xi32, #tpu.memory_space<vmem>> -> memref<1x80xi32, #tpu.memory_space<vmem>>
    %dma_wait3A_223 = tpu.memref_squeeze %dma_wait3A_222 : memref<1x80xi32, #tpu.memory_space<vmem>> -> memref<80xi32, #tpu.memory_space<vmem>>
    %dma_wait3A_224 = arith.constant 0 : i32
    %dma_wait3A_225 = arith.constant 0 : i32
    %dma_wait3A_226 = tpu.memref_slice %arg15[%dma_wait3A_224, %dma_wait3A_225] : memref<10000x144xf32, #tpu.memory_space<vmem_shared>> -> memref<10000x144xf32, #tpu.memory_space<vmem_shared>>
    tpu.wait_indirect_dma semaphore(%arg25 : memref<!tpu.dma_semaphore, #tpu.memory_space<semaphore_mem>>) src(%arg9 : memref<80x144xf32, #tpu.memory_space<vmem>>) dst(%dma_wait3A_226 : memref<10000x144xf32, #tpu.memory_space<vmem_shared>>)
    %dma_wait3A_227 = arith.constant 1 : i32
    %dma_wait3A_228 = arith.constant 0 : i32
    %dma_wait3A_229 = tpu.memref_slice %arg7[%dma_wait3A_227, %dma_wait3A_228] : memref<2x80xi32, #tpu.memory_space<vmem>> -> memref<1x80xi32, #tpu.memory_space<vmem>>
    %dma_wait3A_230 = tpu.memref_squeeze %dma_wait3A_229 : memref<1x80xi32, #tpu.memory_space<vmem>> -> memref<80xi32, #tpu.memory_space<vmem>>
    %dma_wait3A_231 = arith.constant 0 : i32
    %dma_wait3A_232 = arith.constant 0 : i32
    %dma_wait3A_233 = tpu.memref_slice %arg15[%dma_wait3A_231, %dma_wait3A_232] : memref<10000x144xf32, #tpu.memory_space<vmem_shared>> -> memref<10000x144xf32, #tpu.memory_space<vmem_shared>>
    tpu.wait_indirect_dma semaphore(%arg26 : memref<!tpu.dma_semaphore, #tpu.memory_space<semaphore_mem>>) src(%arg10 : memref<80x144xf32, #tpu.memory_space<vmem>>) dst(%dma_wait3A_233 : memref<10000x144xf32, #tpu.memory_space<vmem_shared>>)
    %dma_wait3A_234 = arith.constant 1 : i32
    %dma_wait3A_235 = arith.constant 0 : i32
    %dma_wait3A_236 = tpu.memref_slice %arg8[%dma_wait3A_234, %dma_wait3A_235] : memref<2x80xi32, #tpu.memory_space<vmem>> -> memref<1x80xi32, #tpu.memory_space<vmem>>
    %dma_wait3A_237 = tpu.memref_squeeze %dma_wait3A_236 : memref<1x80xi32, #tpu.memory_space<vmem>> -> memref<80xi32, #tpu.memory_space<vmem>>
    %dma_wait3A_238 = arith.constant 0 : i32
    %dma_wait3A_239 = arith.constant 0 : i32
    %dma_wait3A_240 = tpu.memref_slice %arg15[%dma_wait3A_238, %dma_wait3A_239] : memref<10000x144xf32, #tpu.memory_space<vmem_shared>> -> memref<10000x144xf32, #tpu.memory_space<vmem_shared>>
    tpu.wait_indirect_dma semaphore(%arg27 : memref<!tpu.dma_semaphore, #tpu.memory_space<semaphore_mem>>) src(%arg11 : memref<80x144xf32, #tpu.memory_space<vmem>>) dst(%dma_wait3A_240 : memref<10000x144xf32, #tpu.memory_space<vmem_shared>>)
    %barrier3A_241 = arith.constant 0 : index
    tpu.barrier barrier_id(%barrier3A_241)
    "tpu.region"() ({
      %run_scoped3A = tpu.sem_alloc : memref<!tpu.dma_semaphore, #tpu.memory_space<semaphore_mem>>
      %dma_start3A_242 = arith.constant 0 : i32
      %dma_start3A_243 = tpu.memref_slice %arg5[%arg0, %mul3A_4, %dma_start3A_242] : memref<2x10000x144xf32, #tpu.memory_space<hbm>> -> memref<1x625x144xf32, #tpu.memory_space<hbm>>
      %dma_start3A_244 = tpu.memref_squeeze %dma_start3A_243 : memref<1x625x144xf32, #tpu.memory_space<hbm>> -> memref<625x144xf32, #tpu.memory_space<hbm>>
      %dma_start3A_245 = arith.constant 0 : i32
      %dma_start3A_246 = tpu.memref_slice %arg15[%mul3A_4, %dma_start3A_245] : memref<10000x144xf32, #tpu.memory_space<vmem_shared>> -> memref<625x144xf32, #tpu.memory_space<vmem_shared>>
      tpu.enqueue_dma source(%dma_start3A_246 : memref<625x144xf32, #tpu.memory_space<vmem_shared>>) target(%dma_start3A_244 : memref<625x144xf32, #tpu.memory_space<hbm>>) target_semaphore(%run_scoped3A : memref<!tpu.dma_semaphore, #tpu.memory_space<semaphore_mem>>)
      %dma_wait3A_247 = arith.constant 0 : i32
      %dma_wait3A_248 = tpu.memref_slice %arg5[%arg0, %mul3A_4, %dma_wait3A_247] : memref<2x10000x144xf32, #tpu.memory_space<hbm>> -> memref<1x625x144xf32, #tpu.memory_space<hbm>>
      %dma_wait3A_249 = tpu.memref_squeeze %dma_wait3A_248 : memref<1x625x144xf32, #tpu.memory_space<hbm>> -> memref<625x144xf32, #tpu.memory_space<hbm>>
      %dma_wait3A_250 = arith.constant 0 : i32
      %dma_wait3A_251 = tpu.memref_slice %arg15[%mul3A_4, %dma_wait3A_250] : memref<10000x144xf32, #tpu.memory_space<vmem_shared>> -> memref<625x144xf32, #tpu.memory_space<vmem_shared>>
      tpu.wait_dma2 semaphore(%run_scoped3A : memref<!tpu.dma_semaphore, #tpu.memory_space<semaphore_mem>>) src(%dma_wait3A_251 : memref<625x144xf32, #tpu.memory_space<vmem_shared>>) dst(%dma_wait3A_249 : memref<625x144xf32, #tpu.memory_space<hbm>>)
      tpu.yield
    }) : () -> ()
    return
  }
}

module attributes {stable_mosaic.version = 14 : i64} {
  func.func @_dense_proj_body(%arg0: i32, %arg1: memref<1000x128xf32, #tpu.memory_space<vmem>>, %arg2: memref<128x128xf32, #tpu.memory_space<vmem>>, %arg3: memref<128x16xf32, #tpu.memory_space<vmem>>, %arg4: memref<128x16xf32, #tpu.memory_space<vmem>>, %arg5: memref<1000x144xf32, #tpu.memory_space<vmem>>, %arg6: memref<1000x16xf32, #tpu.memory_space<vmem>>) attributes {dimension_semantics = [#tpu.dimension_semantics<arbitrary>], iteration_bounds = array<i64: 10>, scalar_prefetch = 0 : i64, scratch_operands = 0 : i64, tpu.core_type = #tpu.core_type<tc>, window_params = [{transform_indices = @transform_0, window_bounds = array<i64: 1000, 128>}, {pipeline_mode = #tpu.pipeline_mode<synchronous>, transform_indices = @transform_1, window_bounds = array<i64: 128, 128>}, {pipeline_mode = #tpu.pipeline_mode<synchronous>, transform_indices = @transform_2, window_bounds = array<i64: 128, 16>}, {pipeline_mode = #tpu.pipeline_mode<synchronous>, transform_indices = @transform_3, window_bounds = array<i64: 128, 16>}, {transform_indices = @transform_4, window_bounds = array<i64: 1000, 144>}, {transform_indices = @transform_5, window_bounds = array<i64: 1000, 16>}]} {
    %get3A = arith.constant 0 : index
    %get3A_0 = arith.constant 0 : index
    %get3A_1 = vector.load %arg1[%get3A, %get3A_0] : memref<1000x128xf32, #tpu.memory_space<vmem>>, vector<1000x128xf32>
    %get3A_2 = arith.constant 0 : index
    %get3A_3 = arith.constant 0 : index
    %get3A_4 = vector.load %arg2[%get3A_2, %get3A_3] : memref<128x128xf32, #tpu.memory_space<vmem>>, vector<128x128xf32>
    %dot_general3A = arith.constant dense<0.000000e+00> : vector<1000x128xf32>
    %dot_general3A_5 = tpu.matmul %get3A_1, %get3A_4, %dot_general3A {dimension_numbers = #tpu.dot_dimension_numbers<[1], [0], [0], [1], [0, 0, 1, 1], [], []>, transpose_lhs_hint = false} : vector<1000x128xf32>, vector<128x128xf32>, vector<1000x128xf32> -> vector<1000x128xf32>
    %get3A_6 = arith.constant 0 : index
    %get3A_7 = arith.constant 0 : index
    %get3A_8 = vector.load %arg3[%get3A_6, %get3A_7] : memref<128x16xf32, #tpu.memory_space<vmem>>, vector<128x16xf32>
    %dot_general3A_9 = arith.constant dense<0.000000e+00> : vector<1000x16xf32>
    %dot_general3A_10 = tpu.matmul %dot_general3A_5, %get3A_8, %dot_general3A_9 {dimension_numbers = #tpu.dot_dimension_numbers<[1], [0], [0], [1], [0, 0, 1, 1], [], []>, transpose_lhs_hint = false} : vector<1000x128xf32>, vector<128x16xf32>, vector<1000x16xf32> -> vector<1000x16xf32>
    %get3A_11 = arith.constant 0 : index
    %get3A_12 = arith.constant 0 : index
    %get3A_13 = vector.load %arg4[%get3A_11, %get3A_12] : memref<128x16xf32, #tpu.memory_space<vmem>>, vector<128x16xf32>
    %dot_general3A_14 = arith.constant dense<0.000000e+00> : vector<1000x16xf32>
    %dot_general3A_15 = tpu.matmul %dot_general3A_5, %get3A_13, %dot_general3A_14 {dimension_numbers = #tpu.dot_dimension_numbers<[1], [0], [0], [1], [0, 0, 1, 1], [], []>, transpose_lhs_hint = false} : vector<1000x128xf32>, vector<128x16xf32>, vector<1000x16xf32> -> vector<1000x16xf32>
    %swap3A = arith.constant 0 : index
    %swap3A_16 = arith.constant 0 : index
    %swap3A_17 = vector.load %arg5[%swap3A, %swap3A_16] : memref<1000x144xf32, #tpu.memory_space<vmem>>, vector<1000x128xf32>
    tpu.vector_store %arg5[%swap3A, %swap3A_16], %dot_general3A_5 {strides = array<i32>} : memref<1000x144xf32, #tpu.memory_space<vmem>>, vector<1000x128xf32>,
    %swap3A_18 = arith.constant 0 : index
    %swap3A_19 = arith.constant 128 : index
    %swap3A_20 = vector.load %arg5[%swap3A_18, %swap3A_19] : memref<1000x144xf32, #tpu.memory_space<vmem>>, vector<1000x16xf32>
    tpu.vector_store %arg5[%swap3A_18, %swap3A_19], %dot_general3A_10 {strides = array<i32>} : memref<1000x144xf32, #tpu.memory_space<vmem>>, vector<1000x16xf32>,
    %swap3A_21 = arith.constant 0 : index
    %swap3A_22 = arith.constant 0 : index
    %swap3A_23 = vector.load %arg6[%swap3A_21, %swap3A_22] : memref<1000x16xf32, #tpu.memory_space<vmem>>, vector<1000x16xf32>
    tpu.vector_store %arg6[%swap3A_21, %swap3A_22], %dot_general3A_15 {strides = array<i32>} : memref<1000x16xf32, #tpu.memory_space<vmem>>, vector<1000x16xf32>,
    return
  }
  func.func @transform_0(%arg0: i32) -> (i32, i32) {
    %c0_i32 = arith.constant 0 : i32
    %c0_i32_0 = arith.constant 0 : i32
    return %arg0, %c0_i32 : i32, i32
  }
  func.func @transform_1(%arg0: i32) -> (i32, i32) {
    %c0_i32 = arith.constant 0 : i32
    %c0_i32_0 = arith.constant 0 : i32
    %c0_i32_1 = arith.constant 0 : i32
    return %c0_i32, %c0_i32_0 : i32, i32
  }
  func.func @transform_2(%arg0: i32) -> (i32, i32) {
    %c0_i32 = arith.constant 0 : i32
    %c0_i32_0 = arith.constant 0 : i32
    %c0_i32_1 = arith.constant 0 : i32
    return %c0_i32, %c0_i32_0 : i32, i32
  }
  func.func @transform_3(%arg0: i32) -> (i32, i32) {
    %c0_i32 = arith.constant 0 : i32
    %c0_i32_0 = arith.constant 0 : i32
    %c0_i32_1 = arith.constant 0 : i32
    return %c0_i32, %c0_i32_0 : i32, i32
  }
  func.func @transform_4(%arg0: i32) -> (i32, i32) {
    %c0_i32 = arith.constant 0 : i32
    %c0_i32_0 = arith.constant 0 : i32
    return %arg0, %c0_i32 : i32, i32
  }
  func.func @transform_5(%arg0: i32) -> (i32, i32) {
    %c0_i32 = arith.constant 0 : i32
    %c0_i32_0 = arith.constant 0 : i32
    return %arg0, %c0_i32 : i32, i32
  }
}

module attributes {stable_mosaic.version = 14 : i64} {
  func.func @_norm_body(%arg0: i32, %arg1: memref<2x1000x144xf32, #tpu.memory_space<vmem>>, %arg2: memref<128x128xf32, #tpu.memory_space<vmem>>, %arg3: memref<8x128xf32, #tpu.memory_space<vmem>>, %arg4: memref<1x128xf32, #tpu.memory_space<vmem>>, %arg5: memref<1000x128xf32, #tpu.memory_space<vmem>>) attributes {dimension_semantics = [#tpu.dimension_semantics<arbitrary>], iteration_bounds = array<i64: 10>, scalar_prefetch = 0 : i64, scratch_operands = 0 : i64, tpu.core_type = #tpu.core_type<tc>, window_params = [{transform_indices = @transform_0, window_bounds = array<i64: 2, 1000, 144>}, {pipeline_mode = #tpu.pipeline_mode<synchronous>, transform_indices = @transform_1, window_bounds = array<i64: 128, 128>}, {pipeline_mode = #tpu.pipeline_mode<synchronous>, transform_indices = @transform_2, window_bounds = array<i64: 8, 128>}, {pipeline_mode = #tpu.pipeline_mode<synchronous>, transform_indices = @transform_3, window_bounds = array<i64: 1, 128>}, {transform_indices = @transform_4, window_bounds = array<i64: 1000, 128>}]} {
    %get3A = arith.constant 0 : index
    %get3A_0 = arith.constant 0 : index
    %get3A_1 = arith.constant 0 : index
    %get3A_2 = vector.load %arg1[%get3A, %get3A_0, %get3A_1] : memref<2x1000x144xf32, #tpu.memory_space<vmem>>, vector<1x1000x144xf32>
    %get3A_3 = vector.shape_cast %get3A_2 : vector<1x1000x144xf32> to vector<1000x144xf32>
    %get3A_4 = arith.constant 1 : index
    %get3A_5 = arith.constant 0 : index
    %get3A_6 = arith.constant 0 : index
    %get3A_7 = vector.load %arg1[%get3A_4, %get3A_5, %get3A_6] : memref<2x1000x144xf32, #tpu.memory_space<vmem>>, vector<1x1000x144xf32>
    %get3A_8 = vector.shape_cast %get3A_7 : vector<1x1000x144xf32> to vector<1000x144xf32>
    %add3A = arith.addf %get3A_3, %get3A_8 : vector<1000x144xf32>
    %slice3A = vector.extract_strided_slice %add3A {offsets = [0, 0], sizes = [1000, 128], strides = [1, 1]} : vector<1000x144xf32> to vector<1000x128xf32>
    %slice3A_9 = vector.extract_strided_slice %add3A {offsets = [0, 128], sizes = [1000, 8], strides = [1, 1]} : vector<1000x144xf32> to vector<1000x8xf32>
    %get3A_10 = arith.constant 0 : index
    %get3A_11 = arith.constant 0 : index
    %get3A_12 = vector.load %arg3[%get3A_10, %get3A_11] : memref<8x128xf32, #tpu.memory_space<vmem>>, vector<8x128xf32>
    %dot_general3A = arith.constant dense<0.000000e+00> : vector<1000x128xf32>
    %dot_general3A_13 = tpu.matmul %slice3A_9, %get3A_12, %dot_general3A {dimension_numbers = #tpu.dot_dimension_numbers<[1], [0], [0], [1], [0, 0, 1, 1], [], []>, transpose_lhs_hint = false} : vector<1000x8xf32>, vector<8x128xf32>, vector<1000x128xf32> -> vector<1000x128xf32>
    %get3A_14 = arith.constant 0 : index
    %get3A_15 = arith.constant 0 : index
    %get3A_16 = vector.load %arg2[%get3A_14, %get3A_15] : memref<128x128xf32, #tpu.memory_space<vmem>>, vector<128x128xf32>
    %dot_general3A_17 = arith.constant dense<0.000000e+00> : vector<1000x128xf32>
    %dot_general3A_18 = tpu.matmul %slice3A, %get3A_16, %dot_general3A_17 {dimension_numbers = #tpu.dot_dimension_numbers<[1], [0], [0], [1], [0, 0, 1, 1], [], []>, transpose_lhs_hint = false} : vector<1000x128xf32>, vector<128x128xf32>, vector<1000x128xf32> -> vector<1000x128xf32>
    %add3A_19 = arith.constant 1.000000e-16 : f32
    %add3A_20 = vector.broadcast %add3A_19 : f32 to vector<1000x128xf32>
    %add3A_21 = arith.addf %dot_general3A_13, %add3A_20 : vector<1000x128xf32>
    %div3A = arith.divf %dot_general3A_18, %add3A_21 : vector<1000x128xf32>
    %get3A_22 = arith.constant 0 : index
    %get3A_23 = arith.constant 0 : index
    %get3A_24 = vector.load %arg4[%get3A_22, %get3A_23] : memref<1x128xf32, #tpu.memory_space<vmem>>, vector<1x128xf32>
    %add3A_25 = vector.broadcast %get3A_24 : vector<1x128xf32> to vector<1000x128xf32>
    %add3A_26 = arith.addf %div3A, %add3A_25 : vector<1000x128xf32>
    %swap3A = arith.constant 0 : index
    %swap3A_27 = arith.constant 0 : index
    %swap3A_28 = vector.load %arg5[%swap3A, %swap3A_27] : memref<1000x128xf32, #tpu.memory_space<vmem>>, vector<1000x128xf32>
    tpu.vector_store %arg5[%swap3A, %swap3A_27], %add3A_26 {strides = array<i32>} : memref<1000x128xf32, #tpu.memory_space<vmem>>, vector<1000x128xf32>,
    return
  }
  func.func @transform_0(%arg0: i32) -> (i32, i32, i32) {
    %c0_i32 = arith.constant 0 : i32
    %c0_i32_0 = arith.constant 0 : i32
    %c0_i32_1 = arith.constant 0 : i32
    return %c0_i32, %arg0, %c0_i32_0 : i32, i32, i32
  }
  func.func @transform_1(%arg0: i32) -> (i32, i32) {
    %c0_i32 = arith.constant 0 : i32
    %c0_i32_0 = arith.constant 0 : i32
    %c0_i32_1 = arith.constant 0 : i32
    return %c0_i32, %c0_i32_0 : i32, i32
  }
  func.func @transform_2(%arg0: i32) -> (i32, i32) {
    %c0_i32 = arith.constant 0 : i32
    %c0_i32_0 = arith.constant 0 : i32
    %c0_i32_1 = arith.constant 0 : i32
    return %c0_i32, %c0_i32_0 : i32, i32
  }
  func.func @transform_3(%arg0: i32) -> (i32, i32) {
    %c0_i32 = arith.constant 0 : i32
    %c0_i32_0 = arith.constant 0 : i32
    %c0_i32_1 = arith.constant 0 : i32
    return %c0_i32, %c0_i32_0 : i32, i32
  }
  func.func @transform_4(%arg0: i32) -> (i32, i32) {
    %c0_i32 = arith.constant 0 : i32
    %c0_i32_0 = arith.constant 0 : i32
    return %arg0, %c0_i32 : i32, i32
  }
}

</mosaic_0001>

<sc_bundles>
// kernel: kernel.5.cloned.1.call-start
scs
__scs_entry_jumppad:
0x0: {  	(pc) =	sbr.rel $0x88, $3  }
0x1: {  	(tag) =	ssettag $0x0;
	lr =	simm.s32 $0x1  }
0x2: {  	[smem:$0x3F9B] =	sst lr;
	_ =	strace $0xD0000000  }
0x3: {  	_ = 	snop  }
0x4: {  	_ = 	snop  }
0x5: {  	_ = 	snop  }
0x6: {  	_ = 	snop  }
0x7: {  	_ = 	snop  }
__scs_overlays_trampoline_lowered:
0x8: {  	[smem:$0x3FAA] =	sst s0  }
0x9: {  	[smem:$0x3FAB] =	sst s1  }
0xa: {  	[smem:$0x3FAC] =	sst s2  }
0xb: {  	[smem:$0x3FAD] =	sst s3  }
0xc: {  	[smem:$0x3FAE] =	sst s4  }
0xd: {  	[smem:$0x3FAF] =	sst s5  }
0xe: {  	[smem:$0x3FB0] =	sst s6  }
0xf: {  	[smem:$0x3FB1] =	sst s7  }
0x10: {  	[smem:$0x3FB2] =	sst s8  }
0x11: {  	[smem:$0x3FB3] =	sst s9;
	s0 =	simm.s32 @!p0 $0x0  }
0x12: {  	s1 =	sld [smem:$0x3F99];
	s0 =	simm.s32 @p0 $0x1  }
0x13: {  	[smem:$0x3FB4] =	sst s0;
	s0 =	simm.s32 @!p1 $0x0  }
0x14: {  	s2 =	sld [smem:$0x3F98];
	s0 =	simm.s32 @p1 $0x1  }
0x15: {  	[smem:$0x3FB5] =	sst s0;
	s0 =	simm.s32 @!p2 $0x0  }
0x16: {  	s3 =	sld [smem:$0x3FDB];
	s0 =	simm.s32 @p2 $0x1  }
0x17: {  	s4 =	simm.s32 $0x1BF5;
	[smem:$0x3FB7] =	sst s0  }
0x18: {  	s0 =	sld [smem:$0x3F9A];
	_ =	swait.ge [sflag:s4], $0x0  }
0x19: {  	s7 =	sld [smem:$0x3F9B]  }
0x1a: {  	s8 =	sadd.s32 $0xFFFFE003, lr  }
0x1b: {  	s9 =	sadd.s32 $0xFFFFFEF7, lr;
	s5 =	simm.s32 $0xFFFFFFFF;
	p2 =	slt.u32 s8, $0xFFFFF086  }
0x1c: {  	p1 =	slt.u32 s9, $0xF7A;
	s5 =	simm.s32 @!p2 $0x0  }
0x1d: {  	s5 =	simm.s32 @p1 $0x1;
	p0 =	seq.s32 s7, s2  }
0x1e: {  	s7 =	smul.u32 @!p0 $0xF7A, s2;
	p2 =	seq.s32 @!p0 s5, $0x0  }
0x1f: {  	s9 =	smul.u32 $0xF7A, s1;
	s8 =	simm.s32 @!p0 $0x1BF5;
	p2 =	por !p2, p0  }
0x20: {  	[sflag:s8] =	ssyncset.s32 @!p0 $0xFFFFF086;
	s6 =	sadd.s32 @!p0 s3, s7;
	s7 =	simm.s32 @!p0 $0x108  }
0x21: {  	s3 =	sadd.s32 s3, s9;
	s6 =	sadd.s32 @!p0 $0x88, s6;
	s7 =	simm.s32 @p2 $0x1082  }
0x22: {  	[simem:s7], [sflag:s8] =	dma.local @!p0 [hbm:s6], $0xF7A  }
0x23: {  	s9 =	sor.u32 $0xD0000000, s2;
	s6 =	simm.s32 $0x108;
	_ =	swait.ge @!p0 [sflag:s8], $0x0  }
0x24: {  	s3 =	sadd.s32 $0x88, s3;
	s6 =	simm.s32 @!p1 $0x1082;
	[sflag:s4] =	ssyncset.s32 $0xFFFFF086  }
0x25: {  	[simem:s6], [sflag:s4] =	dma.local [hbm:s3], $0xF7A  }
0x26: {  	[smem:$0x3F9B] =	sst s1;
	(tag) =	ssettag s2;
	_ =	strace s9  }
0x27: {  	s1 =	sld [smem:$0x3FAB]  }
0x28: {  	s2 =	sld [smem:$0x3FAC]  }
0x29: {  	s4 =	sld [smem:$0x3FAE]  }
0x2a: {  	p0 =	seq.s32 s5, $0x0;
	s5 =	sld [smem:$0x3FAF]  }
0x2b: {  	s6 =	sld [smem:$0x3FB0]  }
0x2c: {  	s7 =	sld [smem:$0x3FB1]  }
0x2d: {  	s3 =	simm.s32 $0x108;
	s8 =	sld [smem:$0x3FB2]  }
0x2e: {  	s3 =	simm.s32 @!p0 $0x1082;
	s9 =	sld [smem:$0x3FB3]  }
0x2f: {  	lr =	sadd.s32 s0, s3;
	s0 =	sld [smem:$0x3FAA]  }
0x30: {  	s3 =	sld [smem:$0x3FAD]  }
0x31: {  	[smem:$0x3FB6] =	sst s10  }
0x32: {  	s10 =	sld [smem:$0x3FB4];
	_ =	sdelay $0x3  }
0x33: {  	p0 =	seq.s32 s10, $0x1;
	s10 =	sld [smem:$0x3FB6];
	_ =	sdelay $0x3  }
0x34: {  	[smem:$0x3FB6] =	sst s10  }
0x35: {  	s10 =	sld [smem:$0x3FB5];
	_ =	sdelay $0x3  }
0x36: {  	p1 =	seq.s32 s10, $0x1;
	s10 =	sld [smem:$0x3FB6];
	_ =	sdelay $0x3  }
0x37: {  	[smem:$0x3FB6] =	sst s10  }
0x38: {  	s10 =	sld [smem:$0x3FB7]  }
0x39: {  	_ = 	snop;
	(pc) =	sbr.ind lr, $3  }
0x3a: {  	_ = 	snop  }
0x3b: {  	_ = 	snop  }
0x3c: {  	p2 =	seq.s32 s10, $0x1;
	s10 =	sld [smem:$0x3FB6]  }
0x3d: {  	_ =	shalt  }
0x3e: {  	_ =	shalt  }
0x3f: {  	_ =	shalt  }
0x40: {  	_ =	shalt  }
0x41: {  	_ =	shalt  }
0x42: {  	_ =	shalt  }
0x43: {  	_ =	shalt  }
0x44: {  	_ =	shalt  }
0x45: {  	_ =	shalt  }
0x46: {  	_ =	shalt  }
0x47: {  	_ =	shalt  }
0x48: {  	_ =	shalt  }
0x49: {  	_ =	shalt  }
0x4a: {  	_ =	shalt  }
0x4b: {  	_ =	shalt  }
0x4c: {  	_ =	shalt  }
0x4d: {  	_ =	shalt  }
0x4e: {  	_ =	shalt  }
0x4f: {  	_ =	shalt  }
0x50: {  	_ =	shalt  }
0x51: {  	_ =	shalt  }
0x52: {  	_ =	shalt  }
0x53: {  	_ =	shalt  }
0x54: {  	_ =	shalt  }
0x55: {  	_ =	shalt  }
0x56: {  	_ =	shalt  }
0x57: {  	_ =	shalt  }
0x58: {  	_ =	shalt  }
0x59: {  	_ =	shalt  }
0x5a: {  	_ =	shalt  }
0x5b: {  	_ =	shalt  }
0x5c: {  	_ =	shalt  }
0x5d: {  	_ =	shalt  }
0x5e: {  	_ =	shalt  }
0x5f: {  	_ =	shalt  }
0x60: {  	_ =	shalt  }
0x61: {  	_ =	shalt  }
0x62: {  	_ =	shalt  }
0x63: {  	_ =	shalt  }
0x64: {  	_ =	shalt  }
0x65: {  	_ =	shalt  }
0x66: {  	_ =	shalt  }
0x67: {  	_ =	shalt  }
0x68: {  	_ =	shalt  }
0x69: {  	_ =	shalt  }
0x6a: {  	_ =	shalt  }
0x6b: {  	_ =	shalt  }
0x6c: {  	_ =	shalt  }
0x6d: {  	_ =	shalt  }
0x6e: {  	_ =	shalt  }
0x6f: {  	_ =	shalt  }
0x70: {  	_ =	shalt  }
0x71: {  	_ =	shalt  }
0x72: {  	_ =	shalt  }
0x73: {  	_ =	shalt  }
0x74: {  	_ =	shalt  }
0x75: {  	_ =	shalt  }
0x76: {  	_ =	shalt  }
0x77: {  	_ =	shalt  }
0x78: {  	_ =	shalt  }
0x79: {  	_ =	shalt  }
0x7a: {  	_ =	shalt  }
0x7b: {  	_ =	shalt  }
0x7c: {  	_ =	shalt  }
0x7d: {  	_ =	shalt  }
0x7e: {  	_ =	shalt  }
0x7f: {  	_ =	shalt  }
0x80: {  	_ =	shalt  }
0x81: {  	_ =	shalt  }
0x82: {  	_ =	shalt  }
0x83: {  	_ =	shalt  }
0x84: {  	_ =	shalt  }
0x85: {  	_ =	shalt  }
0x86: {  	_ =	shalt  }
0x87: {  	_ =	shalt  }
.Lfunc_end0:
.L_simem_size_0:
called_computation_lowered:
.L_overlay_start_0:
0x88: {  	s2 =	sld [smem:$0x3FD9]  }
0x89: {  	s3 =	sld [smem:$0x3FFE];
	_ =	sdelay $0x1  }
0x8a: {  	s1 =	srdreg.scid  }
0x8b: {  	s0 =	sand.u32 $0x1, s1  }
0x8c: {  	s17 =	sshll.u32 s0, $0xA;
	s2 =	sadd.s32 s3, s2  }
0x8d: {  	s2 =	sadd.s32 s2, s17  }
0x8e: {  	[smem:$0x3FC2] =	sst s2  }
0x8f: {  	_ = 	snop  }
0x90: {  	s2 =	sld [smem:$0x3FD0];
	(tm) =	ssettm $0x1  }
0x91: {  	s18 =	sld [smem:$0x3FFB];
	_ =	sdelay $0x3  }
0x92: {  	_ =	strace s18  }
0x93: {  	s3 =	sld [smem:$0x3FFC];
	_ =	sdelay $0x3  }
0x94: {  	_ =	strace s3  }
0x95: {  	s3 =	sld [smem:$0x3FFD];
	_ =	sdelay $0x3  }
0x96: {  	_ =	strace s3  }
0x97: {  	_ =	strace $0x8FFFFFFF  }
0x98: {  	s19 =	sld [smem:$0x3FDB];
	_ =	sdelay $0x1  }
0x99: {  	s4 =	simm.s32 $_scs_section_size  }
0x9a: {  	s5 =	simm.s32 $_size__tile_overlayer_lowered;
	s6 =	simm.s32 $_tile_overlayer_lowered  }
0x9b: {  	s22 =	simm.s32 $0x1BFF;
	s21 =	sshll.u32 s6, $0x1;
	s3 =	sadd.s32 s4, s19  }
0x9c: {  	s7 =	simm.s32 $0x0;
	s20 =	sshll.u32 s5, $0x1;
	s5 =	sadd.s32 s21, s3  }
0x9d: {  	[timem:s7], [sflag:s22] =	dma.local [hbm:s5], s20  }
0x9e: {  	_ =	swait.ge [sflag:s22], s20  }
0x9f: {  	s4 =	ssub.s32 $0x0, s20;
	[sflag:s22] =	ssyncset.done $0x0  }
0xa0: {  	[sflag:s22] =	ssyncadd.s32 s4;
	_ =	sdelay $0x1  }
0xa1: {  	s23 =	simm.s32 $0x1B8B  }
0xa2: {  	_ =	swait.ge [sflag:s23], $0x1  }
0xa3: {  	[sflag:s23] =	ssyncset.done $0x0  }
0xa4: {  	s25 =	simm.s32 $0x1B8E;
	s24 =	sld [smem:$0x3FFE];
	[sflag:s23] =	ssyncadd.s32 $0xFFFFFFFF  }
0xa5: {  	s26 =	simm.s32 $execute0_lowered;
	[smem:$0x3FD2] =	sst s25  }
0xa6: {  	s5 =	sshll.u32 s26, $0x1;
	_ =	strace $0x80000046;
	[dreg:$0x1] =	wrdreg $0xFFFFFFFF  }
0xa7: {  	s28 =	simm.s32 $_size_execute0_lowered;
	s3 =	sadd.s32 s3, s5;
	[dreg:$0x0] =	wrdreg $0x0  }
0xa8: {  	s5 =	sshll.u32 s28, $0x1;
	[dreg:$0x2] =	wrdreg s3  }
0xa9: {  	[dreg:$0x3] =	wrdreg s5  }
0xaa: {  	[dreg:$0x4] =	wrdreg $0xC0  }
0xab: {  	_ =	task [dreg:s7], $0x5FFFF  }
0xac: {  	[dreg:$0x1] =	wrdreg $0xFFFFFFFF  }
0xad: {  	[dreg:$0x0] =	wrdreg $0x60  }
0xae: {  	[dreg:$0x2] =	wrdreg s24  }
0xaf: {  	[dreg:$0x3] =	wrdreg s2  }
0xb0: {  	[dreg:$0x4] =	wrdreg $0x97E00  }
0xb1: {  	[dreg:$0x5] =	wrdreg $0x9  }
0xb2: {  	_ =	task.clear_ibuf [dreg:s7], $0x6FFFF;
	_ =	strace $0x90000046  }
0xb3: {  	s29 =	simm.s32 $0x9;
	_ =	strace $0x80000048  }
0xb4: {  	_ =	swait.ge [sflag:s29], $0x1  }
0xb5: {  	[sflag:s29] =	ssyncadd.s32 $0xFFFFFFFF  }
0xb6: {  	_ =	strace $0x90000048  }
0xb7: {  	_ =	sfence  }
0xb8: {  	s30 =	sld [smem:$0x0];
	_ =	sdelay $0x2  }
0xb9: {  	s31 =	sshll.u32 s1, $0xD;
	s1 =	sshrl.u32 s1, $0x2  }
0xba: {  	s3 =	sand.u32 $0x4000, s31;
	s1 =	sadd.s32 s1, s30  }
0xbb: {  	s0 =	sor.u32 s3, s0;
	s1 =	sshll.u32 s1, $0x11  }
0xbc: {  	s0 =	sor.u32 s1, s0  }
0xbd: {  	s0 =	sadd.s32 $0x8F2B, s0  }
0xbe: {  	[sflag:s0] =	ssyncadd.remote.s32 $0x1  }
0xbf: {  	_ =	sfence.sel $0xFFFF  }
0xc0: {  	[dreg:$0x0] =	wrdreg $0xFFFFFFFF;
	(pc) =	sbr.abs _section_cstart, $3  }
0xc1: {  	[dreg:$0x1] =	wrdreg $0xFFFFFFFF  }
0xc2: {  	_ =	task.clear_ibuf [dreg:s7], $0x2FFFF;
	_ =	strace $0x9FFFFFFF  }
0xc3: {  	(tm) =	ssettm $0x7FFFFFFF  }
tec
execute0_lowered:
.L_overlay_start_1:
0x0: {  	(tag) =	ssettag $0x1  }
0x1: {  	s0 =	rddreg [dreg:$0x0]  }
0x2: {  	s2 =	rddreg [dreg:$0x1]  }
0x3: {  	s1 =	srdreg.scid;
	s10 =	stileid.u32  }
0x4: {  	s3 =	rddreg [dreg:$0x2];
	s5 =	simm.s32 $0x0;
	s28 =	simm.s32 $0x1  }
0x5: {  	s30 =	simm.s32 $0x4;
	s31 =	simm.s32 $0x7;
	s11 =	simm.s32 $0x5  }
0x6: {  	s12 =	simm.s32 $0x8;
	s15 =	simm.s32 $0x5BE0;
	s16 =	simm.s32 $0x190  }
0x7: {  	s14 =	simm.s32 $0x9;
	s1 =	sand.u32 $0x1, s1;
	s4 =	smul.u32 $0x15F90, s10  }
0x8: {  	[smem:$0x7FF] =	sst s5;
	s5 =	sadd.s32 $0x600, s0;
	s8 =	smul.u32 $0x57E40, s10  }
0x9: {  	s13 =	simm.s32 $0x3;
	s6 =	smul.u32 $0x15F900, s1;
	_ =	strace $0x80000047  }
0xa: {  	s17 =	ssub.s32 $0x2, s1;
	s1 =	sshll.u32 s1, $0x4;
	s8 =	sshrl.u32 s8, $0x2  }
0xb: {  	s9 =	sshrl.u32 s17, $0x1;
	s1 =	sor.u32 s10, s1;
	s8 =	sadd.s32 s8, s3  }
0xc: {  	s7 =	sadd.s32 s4, s6;
	s6 =	sadd.s32 $0x2C600, s0;
	s18 =	sadd.s32 $0x2D00, s8  }
0xd: {  	s1 =	smul.u32 $0x2710, s1;
	s19 =	sadd.s32 $0x5A00, s8;
	[dreg:$0x5] =	wrdreg s18  }
0xe: {  	s7 =	sshrl.u32 s7, $0x3;
	s20 =	sadd.s32 $0x8700, s8;
	[dreg:$0x6] =	wrdreg s19  }
0xf: {  	s21 =	sadd.s32 $0xB400, s8;
	s23 =	sadd.s32 $0xE100, s8;
	[dreg:$0x7] =	wrdreg s20  }
0x10: {  	s24 =	sadd.s32 $0x10E00, s8;
	s8 =	sadd.s32 $0x13B00, s8;
	[dreg:$0x8] =	wrdreg s21  }
0x11: {  	s0 =	sadd.s32 s7, s0;
	s7 =	ssub.s32 s17, s9;
	[dreg:$0x9] =	wrdreg s23  }
0x12: {  	s17 =	sadd.s32 s4, s3;
	s22 =	sshrl.u32 s1, $0x3;
	[dreg:$0xa] =	wrdreg s24  }
0x13: {  	[dreg:$0xc] =	wrdreg s8;
	s25 =	sadd.s32 $0xA0, s1;
	s26 =	sadd.s32 $0xF0, s1  }
0x14: {  	s19 =	sadd.s32 $0x140, s1;
	s23 =	simm.s32 $0xA;
	s24 =	simm.s32 $0x50  }
0x15: {  	s1 =	simm.s32 $0x140;
	s8 =	simm.s32 $0x2EE0;
	[dreg:$0xe] =	wrdreg s25  }
0x16: {  	s9 =	simm.s32 $0xF0;
	s21 =	simm.s32 $0x6;
	[dreg:$0xf] =	wrdreg s26  }
0x17: {  	s18 =	simm.s32 $0x0;
	s4 =	sadd.s32 s2, s22;
	[dreg:$0x4] =	wrdreg s17  }
0x18: {  	s0 =	sadd.s32 $0x31600, s0;
	s29 =	smax.u32 s7, $0x1;
	[dreg:$0xb] =	wrdreg s4  }
0x19: {  	s22 =	simm.s32 $0x1E0;
	s25 =	simm.s32 $0x4E200;
	[dreg:$0x10] =	wrdreg s0  }
0x1a: {  	s26 =	simm.s32 $0xA0;
	s4 =	sadd.s32 $0xA, s4;
	[dreg:$0x11] =	wrdreg s29  }
0x1b: {  	v0 =	vimm.f32 $0.0e+00;
	vm0 =	vmmov $0xff;
	s7 =	simm.s32 $0xB;
	s0 =	simm.s32 $0x2;
	[dreg:$0xd] =	wrdreg s4  }
.LBB2_1:
0x1c: {  	s4 =	simm.s32 $0x0;
	s10 =	simm.s32 $0x240  }
.LBB2_2:
0x1d: {  	p0 =	sne.s32 s10, $0xB1C0;
	[tilespmem:s4+$0x260] =	vst v0  }
0x1e: {  	[tilespmem:s4+$0x1E0] =	vst v0  }
0x1f: {  	[tilespmem:s4+$0x1F0] =	vst v0  }
0x20: {  	[tilespmem:s4+$0x200] =	vst v0  }
.Ltmp0:
0x21: {  	[tilespmem:s4+$0x210] =	vst v0;
	(pc) =	sbr.rel @p0 .LBB2_2-.Ltmp0, $4  }
0x22: {  	[tilespmem:s4+$0x220] =	vst v0  }
0x23: {  	[tilespmem:s4+$0x230] =	vst v0  }
0x24: {  	[tilespmem:s4+$0x240] =	vst v0  }
0x25: {  	[tilespmem:s4+$0x250] =	vst v0;
	s4 =	sshra.s32 s10, $0x2;
	s10 =	sadd.s32 $0x240, s10  }
0x26: {  	[tilespmem:s4+$0x260] =	vst v0  }
0x27: {  	[tilespmem:s4+$0x1E0] =	vst v0  }
0x28: {  	[tilespmem:s4+$0x1F0] =	vst v0  }
0x29: {  	[tilespmem:s4+$0x200] =	vst v0  }
0x2a: {  	[tilespmem:s4+$0x210] =	vst v0  }
0x2b: {  	[tilespmem:s4+$0x220] =	vst v0  }
0x2c: {  	[tilespmem:s4+$0x230] =	vst v0  }
0x2d: {  	[tilespmem:s4+$0x240] =	vst v0  }
0x2e: {  	[dreg:$0x12] =	wrdreg s18;
	[tilespmem:s4+$0x250] =	vst v0  }
0x2f: {  	[spmem:s17] =	stream.linear.scatter [tilespmem:s22], [sflag:$0xA], $0x2D00, $0x38;
	[tilespmem:$0x1F770] =	vst v63  }
0x30: {  	s29 =	rddreg [dreg:$0x5]  }
0x31: {  	[spmem:s29] =	stream.linear.scatter [tilespmem:s22], [sflag:$0xA], $0x2D00, $0x38;
	[tilespmem:$0x1F770] =	vst v63  }
0x32: {  	s10 =	rddreg [dreg:$0x6]  }
0x33: {  	[spmem:s10] =	stream.linear.scatter [tilespmem:s22], [sflag:$0xA], $0x2D00, $0x38;
	[tilespmem:$0x1F770] =	vst v63  }
0x34: {  	s17 =	rddreg [dreg:$0x7]  }
0x35: {  	[spmem:s17] =	stream.linear.scatter [tilespmem:s22], [sflag:$0xA], $0x2D00, $0x38;
	[tilespmem:$0x1F770] =	vst v63  }
0x36: {  	s18 =	rddreg [dreg:$0x8]  }
0x37: {  	[spmem:s18] =	stream.linear.scatter [tilespmem:s22], [sflag:$0xA], $0x2D00, $0x38;
	[tilespmem:$0x1F770] =	vst v63  }
0x38: {  	s20 =	rddreg [dreg:$0x9]  }
0x39: {  	[spmem:s20] =	stream.linear.scatter [tilespmem:s22], [sflag:$0xA], $0x2D00, $0x38;
	[tilespmem:$0x1F770] =	vst v63  }
0x3a: {  	s29 =	rddreg [dreg:$0xa]  }
0x3b: {  	[spmem:s29] =	stream.linear.scatter [tilespmem:s22], [sflag:$0xA], $0x2D00, $0x38;
	[tilespmem:$0x1F770] =	vst v63  }
0x3c: {  	s10 =	rddreg [dreg:$0xc]  }
0x3d: {  	[spmem:s10] =	stream.linear.scatter [tilespmem:s22], [sflag:$0xA], $0x2490, $0x38;
	[tilespmem:$0x1F770] =	vst v63  }
0x3e: {  	_ =	swait.ge [sflag:s23], $0x2D00  }
0x3f: {  	[sflag:s23] =	ssyncset.done $0x0  }
0x40: {  	[sflag:s23] =	ssyncadd.s32 $0xFFFFD300  }
0x41: {  	_ =	swait.ge [sflag:s23], $0x2D00  }
0x42: {  	[sflag:s23] =	ssyncset.done $0x0  }
0x43: {  	[sflag:s23] =	ssyncadd.s32 $0xFFFFD300  }
0x44: {  	_ =	swait.ge [sflag:s23], $0x2D00  }
0x45: {  	[sflag:s23] =	ssyncset.done $0x0  }
0x46: {  	[sflag:s23] =	ssyncadd.s32 $0xFFFFD300  }
0x47: {  	_ =	swait.ge [sflag:s23], $0x2D00  }
0x48: {  	[sflag:s23] =	ssyncset.done $0x0  }
0x49: {  	[sflag:s23] =	ssyncadd.s32 $0xFFFFD300  }
0x4a: {  	_ =	swait.ge [sflag:s23], $0x2D00  }
0x4b: {  	[sflag:s23] =	ssyncset.done $0x0  }
0x4c: {  	[sflag:s23] =	ssyncadd.s32 $0xFFFFD300  }
0x4d: {  	_ =	swait.ge [sflag:s23], $0x2D00  }
0x4e: {  	[sflag:s23] =	ssyncset.done $0x0  }
0x4f: {  	[sflag:s23] =	ssyncadd.s32 $0xFFFFD300  }
0x50: {  	_ =	swait.ge [sflag:s23], $0x2D00  }
0x51: {  	[sflag:s23] =	ssyncset.done $0x0  }
0x52: {  	[sflag:s23] =	ssyncadd.s32 $0xFFFFD300  }
0x53: {  	_ =	swait.ge [sflag:s23], $0x2490  }
0x54: {  	[sflag:s23] =	ssyncset.done $0x0  }
0x55: {  	[sflag:s23] =	ssyncadd.s32 $0xFFFFDB70  }
0x56: {  	[bflag:$0x0] =	sbarrier.arrive $0xFFFF  }
0x57: {  	s20 =	simm.s32 $0x0;
	s17 =	rddreg [dreg:$0xb]  }
0x58: {  	[tilespmem:s20], [sflag:$0x1] =	stream.strided.gather [hbm4b:s17+s24], $0xA0, s25, s24, $0x38;
	[tilespmem:$0x1F770] =	vst v63  }
0x59: {  	s18 =	rddreg [dreg:$0xd]  }
0x5a: {  	[tilespmem:s26], [sflag:$0x2] =	stream.strided.gather [hbm4b:s18+s24], $0xA0, s25, s24, $0x38;
	[tilespmem:$0x1F770] =	vst v63  }
0x5b: {  	_ =	swait.ge [sflag:s28], $0xA0  }
0x5c: {  	[sflag:s28] =	ssyncset.done $0x0  }
0x5d: {  	[sflag:s28] =	ssyncadd.s32 $0xFFFFFF60  }
0x5e: {  	[tilespmem:s22], [sflag:$0x4] =	stream.indirect.gather [hbm4b:s5+s24], $0x90, s20, s24, $0xb8;
	[tilespmem:$0x1F770] =	vst v63  }
0x5f: {  	s29 =	simm.s32 $0x88E0  }
0x60: {  	[tilespmem:s29], [sflag:$0x7] =	stream.indirect.gather [hbm4b:s6+s24], $0x10, s24, s24, $0xb8;
	[tilespmem:$0x1F770] =	vst v63  }
.LBB2_4:
0x61: {  	_ =	swait.ge [sflag:s30], $0x2D00  }
0x62: {  	[sflag:s30] =	ssyncset.done $0x0  }
0x63: {  	[sflag:s30] =	ssyncadd.s32 $0xFFFFD300  }
0x64: {  	_ =	swait.ge [sflag:s31], $0x500  }
0x65: {  	p0 =	seq.s32 s20, $0x0;
	[sflag:s31] =	ssyncset.done $0x0  }
0x66: {  	s4 =	simm.s32 @!p0 $0xC;
	[sflag:s31] =	ssyncadd.s32 $0xFFFFFB00  }
0x67: {  	s29 =	smul.u32 $0xF0, s20;
	_ =	swait.ge @!p0 [sflag:s4], $0x2D00  }
0x68: {  	s10 =	rddreg [dreg:$0xe]  }
0x69: {  	s10 =	sadd.s32 s29, s10  }
0x6a: {  	[sflag:s4] =	ssyncset.done @!p0 $0x0;
	s10 =	sshrl.u32 s10, $0x3  }
0x6b: {  	[sflag:s4] =	ssyncadd.s32 @!p0 $0xFFFFD300;
	s17 =	sadd.s32 s2, s10  }
0x6c: {  	[tilespmem:s1], [sflag:$0x3] =	stream.strided.gather [hbm4b:s17+s24], $0xA0, s25, s24, $0x38;
	[tilespmem:$0x1F770] =	vst v63  }
0x6d: {  	_ =	swait.ge [sflag:s0], $0xA0  }
0x6e: {  	[sflag:s0] =	ssyncset.done $0x0  }
0x6f: {  	[sflag:s0] =	ssyncadd.s32 $0xFFFFFF60  }
0x70: {  	[tilespmem:s8], [sflag:$0x5] =	stream.indirect.gather [hbm4b:s5+s24], $0x90, s26, s24, $0xb8;
	[tilespmem:$0x1F770] =	vst v63  }
0x71: {  	s18 =	simm.s32 $0x8DE0;
	s10 =	simm.s32 $0x300  }
0x72: {  	[tilespmem:s18], [sflag:$0x8] =	stream.indirect.gather [hbm4b:s6+s24], $0x10, s9, s24, $0xb8;
	[tilespmem:$0x1F770] =	vst v63  }
0x73: {  	s4 =	simm.s32 $0x8900;
	v1 =	vld [tilespmem:s10+$0x110]  }
0x74: {  	v2 =	vld [tilespmem:s4+$0x10]  }
0x75: {  	v3 =	vld [tilespmem:s4+$0xFFFFFFE0]  }
0x76: {  	v4 =	vld [tilespmem:s10+$0xFFFFFFF0]  }
0x77: {  	v5 =	vld [tilespmem:s4+$0xFFFFFFF0]  }
0x78: {  	v6 =	vld [tilespmem:s10+$0x80]  }
0x79: {  	v7 =	vld [tilespmem:s4+$0x0]  }
0x7a: {  	v8 =	vld [tilespmem:s10+$0xFFFFFEE0]  }
0x7b: {  	v1 =	vadd.f32 v2, v1;
	v2 =	vld [tilespmem:s10+$0xFFFFFF60]  }
0x7c: {  	v10 =	vld [tilespmem:s10+$0xFFFFFEF0];
	v4 =	vadd.f32 v5, v4  }
0x7d: {  	v11 =	vld [tilespmem:s10+$0xFFFFFF30];
	v9 =	vmul.f32 $2.000000030e-01, v1  }
0x7e: {  	v13 =	vld [tilespmem:s10+$0xFFFFFF40];
	v6 =	vadd.f32 v7, v6;
	vm1 =	vgt.f32 v1, $0.0e+00;
	v7 =	vmul.f32 $2.000000030e-01, v4  }
0x7f: {  	v14 =	vld [tilespmem:s10+$0xFFFFFF90];
	v1 =	vsel vm1, v1, v9;
	vm1 =	vgt.f32 v4, $0.0e+00  }
0x80: {  	v15 =	vld [tilespmem:s10+$0xFFFFFFB0];
	v1 =	vmul.f32 $1.442695020e+00, v1;
	v2 =	vadd.f32 v3, v2;
	v4 =	vsel vm1, v4, v7  }
0x81: {  	v16 =	vld [tilespmem:s10+$0xFFFFFFC0];
	v12 =	vmul.f32 $2.000000030e-01, v6;
	v4 =	vmul.f32 $1.442695020e+00, v4  }
0x82: {  	v17 =	vld [tilespmem:s10+$0xFFFFFFD0];
	vm2 =	vgt.f32 v6, $0.0e+00;
	(erf) = vpow2.f32 v1;
	v1 =	vmul.f32 $2.000000030e-01, v2  }
0x83: {  	v19 =	vld [tilespmem:s10+$0xFFFFFFE0];
	v6 =	vsel vm2, v6, v12;
	vm1 =	vgt.f32 v2, $0.0e+00  }
0x84: {  	v20 =	vld [tilespmem:s10+$0x0];
	(erf) = vpow2.f32 v4;
	v1 =	vsel vm1, v2, v1;
	v2 =	vmul.f32 $1.442695020e+00, v6  }
0x85: {  	v21 =	vld [tilespmem:s10+$0x10];
	v1 =	vmul.f32 $1.442695020e+00, v1  }
0x86: {  	v23 =	vld [tilespmem:s10+$0x20];
	(erf) = vpow2.f32 v2  }
0x87: {  	v4 =	vld [tilespmem:s10+$0x100];
	(erf) = vpow2.f32 v1  }
0x88: {  	v12 =	vld [tilespmem:s10+$0xFFFFFF70]  }
0x89: {  	v6 =	vld [tilespmem:s10+$0xFFFFFF80]  }
0x8a: {  	v27 =	vld [tilespmem:s10+$0x40]  }
0x8b: {  	v28 =	vld [tilespmem:s10+$0x60];
	v2 =	vpop (erf)  }
0x8c: {  	v1 =	vld [tilespmem:s10+$0xFFFFFFA0];
	v18 =	vnsel vm0, $0x0, v2;
	v4 =	vmul.f32 v4, v2  }
0x8d: {  	v29 =	vld [tilespmem:s10+$0x70];
	v22 =	vpop (erf);
	[tilespmem:s10+$0x110] =	vst v18  }
0x8e: {  	v5 =	vld [tilespmem:s10+$0xFFFFFF00];
	v12 =	vmul.f32 v22, v12;
	v6 =	vmul.f32 v22, v6;
	[tilespmem:s10+$0x100] =	vst v4;
	v4 =	vnsel vm0, $0x0, v22  }
0x8f: {  	v9 =	vld [tilespmem:s10+$0xFFFFFF10];
	v25 =	vmul.f32 v14, v22;
	v18 =	vmul.f32 v15, v22;
	v24 =	vpop (erf);
	[tilespmem:s10+$0xFFFFFFF0] =	vst v4  }
0x90: {  	v3 =	vld [tilespmem:s10+$0xFFFFFF20];
	v14 =	vmul.f32 v16, v22;
	v17 =	vmul.f32 v17, v22;
	[tilespmem:s10+$0xFFFFFF70] =	vst v12;
	v26 =	vpop (erf)  }
0x91: {  	v7 =	vld [tilespmem:s10+$0xFFFFFF50];
	v4 =	vmul.f32 v1, v22;
	[tilespmem:s10+$0xFFFFFF80] =	vst v6;
	v8 =	vmul.f32 v26, v8  }
0x92: {  	v30 =	vld [tilespmem:s10+$0xA0];
	v12 =	vmul.f32 v19, v22;
	[tilespmem:s10+$0xFFFFFF90] =	vst v25;
	v10 =	vmul.f32 v26, v10  }
0x93: {  	v1 =	vld [tilespmem:s10+$0x30];
	v15 =	vmul.f32 v24, v20;
	v5 =	vmul.f32 v5, v26;
	[tilespmem:s10+$0xFFFFFEE0] =	vst v8  }
0x94: {  	v6 =	vld [tilespmem:s10+$0x50];
	v16 =	vmul.f32 v23, v24;
	v9 =	vmul.f32 v9, v26;
	[tilespmem:s10+$0xFFFFFEF0] =	vst v10  }
0x95: {  	v3 =	vmul.f32 v3, v26;
	v13 =	vmul.f32 v13, v26;
	[tilespmem:s10+$0xFFFFFF00] =	vst v5;
	v5 =	vld [tilespmem:s10+$0x90]  }
0x96: {  	v19 =	vld [tilespmem:s10+$0xB0];
	v7 =	vmul.f32 v7, v26;
	v8 =	vmul.f32 v11, v26;
	[tilespmem:s10+$0xFFFFFF10] =	vst v9  }
0x97: {  	v20 =	vld [tilespmem:s10+$0xC0];
	v10 =	vmul.f32 v24, v21;
	[tilespmem:s10+$0xFFFFFF40] =	vst v13;
	v13 =	vmul.f32 v27, v24  }
0x98: {  	[tilespmem:s10+$0xFFFFFF20] =	vst v3;
	v21 =	vld [tilespmem:s10+$0xD0];
	v9 =	vmul.f32 v28, v24;
	v11 =	vmul.f32 v1, v24  }
0x99: {  	v22 =	vld [tilespmem:s10+$0xE0];
	v3 =	vnsel vm0, $0x0, v26;
	[tilespmem:s10+$0xFFFFFF30] =	vst v8;
	v8 =	vmul.f32 v6, v24;
	v6 =	vmul.f32 v29, v24  }
0x9a: {  	s17 =	simm.s32 $0x0;
	s18 =	simm.s32 $0x540;
	v23 =	vld [tilespmem:s10+$0xF0];
	[tilespmem:s10+$0xFFFFFF50] =	vst v7;
	v1 =	vnsel vm0, $0x0, v24;
	v7 =	vmul.f32 v2, v5;
	v5 =	vmul.f32 v2, v30  }
.LBB2_5:
0x9b: {  	v24 =	vld [tilespmem:s18+$0x110];
	[tilespmem:s10+$0xFFFFFFA0] =	vst v4;
	v4 =	vmul.f32 v19, v2;
	s4 =	sadd.s32 $0x40, s4  }
0x9c: {  	s17 =	sadd.s32 $0x4, s17;
	v19 =	vld [tilespmem:s4+$0x10];
	[tilespmem:s10+$0xFFFFFFB0] =	vst v18;
	v18 =	vmul.f32 v20, v2  }
0x9d: {  	p0 =	slt.u32 s17, $0x4C;
	v20 =	vld [tilespmem:s4+$0xFFFFFFE0];
	[tilespmem:s10+$0xFFFFFFC0] =	vst v14;
	v14 =	vmul.f32 v21, v2  }
0x9e: {  	v21 =	vld [tilespmem:s18+$0xFFFFFFF0];
	[tilespmem:s10+$0xFFFFFFD0] =	vst v17;
	v17 =	vmul.f32 v22, v2  }
0x9f: {  	v22 =	vld [tilespmem:s4+$0xFFFFFFF0];
	[tilespmem:s10+$0xFFFFFFE0] =	vst v12;
	v2 =	vmul.f32 v23, v2  }
0xa0: {  	v12 =	vld [tilespmem:s18+$0x80];
	[tilespmem:s10+$0x0] =	vst v15  }
0xa1: {  	v15 =	vld [tilespmem:s4+$0x0];
	v19 =	vadd.f32 v19, v24;
	[tilespmem:s10+$0x10] =	vst v10  }
0xa2: {  	v10 =	vld [tilespmem:s18+$0xFFFFFF60];
	[tilespmem:s10+$0x20] =	vst v16  }
0xa3: {  	v16 =	vld [tilespmem:s18+$0xFFFFFEE0];
	v23 =	vmul.f32 $2.000000030e-01, v19;
	[tilespmem:s10+$0x30] =	vst v11  }
0xa4: {  	vm1 =	vgt.f32 v19, $0.0e+00;
	v11 =	vld [tilespmem:s18+$0xFFFFFEF0];
	v21 =	vadd.f32 v22, v21;
	[tilespmem:s10+$0x40] =	vst v13  }
0xa5: {  	v13 =	vld [tilespmem:s18+$0xFFFFFF00];
	v19 =	vsel vm1, v19, v23;
	[tilespmem:s10+$0x50] =	vst v8  }
0xa6: {  	v8 =	vld [tilespmem:s18+$0xFFFFFF10];
	v22 =	vmul.f32 $2.000000030e-01, v21;
	v12 =	vadd.f32 v15, v12;
	v15 =	vmul.f32 $1.442695020e+00, v19;
	[tilespmem:s10+$0x60] =	vst v9  }
0xa7: {  	vm1 =	vgt.f32 v21, $0.0e+00;
	v9 =	vadd.f32 v20, v10;
	v10 =	vld [tilespmem:s18+$0xFFFFFF20];
	[tilespmem:s10+$0x70] =	vst v6  }
0xa8: {  	v6 =	vld [tilespmem:s18+$0xFFFFFF30];
	vm2 =	vgt.f32 v12, $0.0e+00;
	v19 =	vmul.f32 $2.000000030e-01, v12;
	(erf) = vpow2.f32 v15;
	[tilespmem:s10+$0x90] =	vst v7  }
0xa9: {  	v20 =	vsel vm1, v21, v22;
	vm3 =	vgt.f32 v9, $0.0e+00;
	v7 =	vmul.f32 $2.000000030e-01, v9;
	v15 =	vld [tilespmem:s18+$0xFFFFFF40];
	[tilespmem:s10+$0xA0] =	vst v5  }
0xaa: {  	v20 =	vmul.f32 $1.442695020e+00, v20;
	v5 =	vld [tilespmem:s18+$0xFFFFFF50];
	v12 =	vsel vm2, v12, v19;
	[tilespmem:s10+$0xB0] =	vst v4  }
0xab: {  	v4 =	vsel vm3, v9, v7;
	v7 =	vld [tilespmem:s18+$0xFFFFFF70];
	v9 =	vmul.f32 $1.442695020e+00, v12;
	[tilespmem:s10+$0xC0] =	vst v18  }
0xac: {  	v4 =	vmul.f32 $1.442695020e+00, v4;
	v12 =	vld [tilespmem:s18+$0xFFFFFF80];
	(erf) = vpow2.f32 v20;
	[tilespmem:s10+$0xD0] =	vst v14  }
0xad: {  	v14 =	vld [tilespmem:s18+$0x100];
	(erf) = vpow2.f32 v9;
	[tilespmem:s10+$0xE0] =	vst v17  }
0xae: {  	v9 =	vld [tilespmem:s18+$0xFFFFFF90];
	(erf) = vpow2.f32 v4;
	[tilespmem:s10+$0xF0] =	vst v2  }
0xaf: {  	v4 =	vld [tilespmem:s18+$0xFFFFFFA0];
	[tilespmem:s10+$0xFFFFFF60] =	vst v3  }
0xb0: {  	v17 =	vld [tilespmem:s18+$0xFFFFFFB0];
	[tilespmem:s10+$0x80] =	vst v1;
	s10 =	smov.u32 s18  }
0xb1: {  	v19 =	vld [tilespmem:s18+$0xFFFFFFC0];
	v2 =	vpop (erf)  }
0xb2: {  	v20 =	vld [tilespmem:s18+$0xFFFFFFD0];
	v1 =	vnsel vm0, $0x0, v2;
	v3 =	vmul.f32 v14, v2  }
0xb3: {  	v21 =	vld [tilespmem:s18+$0xFFFFFFE0];
	[tilespmem:s18+$0x110] =	vst v1  }
0xb4: {  	v22 =	vld [tilespmem:s18+$0x0];
	[tilespmem:s18+$0x100] =	vst v3  }
0xb5: {  	v23 =	vld [tilespmem:s18+$0x10];
	v24 =	vpop (erf)  }
0xb6: {  	v1 =	vnsel vm0, $0x0, v24;
	v7 =	vmul.f32 v24, v7;
	v12 =	vmul.f32 v24, v12;
	v25 =	vld [tilespmem:s18+$0x20];
	v26 =	vpop (erf)  }
0xb7: {  	v27 =	vmul.f32 v9, v24;
	v4 =	vmul.f32 v4, v24;
	[tilespmem:s18+$0xFFFFFFF0] =	vst v1;
	v1 =	vnsel vm0, $0x0, v26;
	v9 =	vld [tilespmem:s18+$0x30];
	v14 =	vpop (erf)  }
0xb8: {  	v3 =	vnsel vm0, $0x0, v14;
	v16 =	vmul.f32 v14, v16;
	v11 =	vmul.f32 v14, v11;
	[tilespmem:s18+$0xFFFFFF70] =	vst v7;
	v7 =	vld [tilespmem:s18+$0x40]  }
0xb9: {  	v13 =	vmul.f32 v13, v14;
	v8 =	vmul.f32 v8, v14;
	[tilespmem:s18+$0xFFFFFF80] =	vst v12;
	v28 =	vld [tilespmem:s18+$0x50]  }
0xba: {  	v10 =	vmul.f32 v10, v14;
	v6 =	vmul.f32 v6, v14;
	[tilespmem:s18+$0xFFFFFEE0] =	vst v16;
	v29 =	vld [tilespmem:s18+$0x60]  }
0xbb: {  	v30 =	vmul.f32 v15, v14;
	v5 =	vmul.f32 v5, v14;
	[tilespmem:s18+$0xFFFFFEF0] =	vst v11;
	v31 =	vld [tilespmem:s18+$0x70]  }
0xbc: {  	v18 =	vmul.f32 v17, v24;
	v14 =	vmul.f32 v19, v24;
	[tilespmem:s18+$0xFFFFFF00] =	vst v13;
	v32 =	vld [tilespmem:s18+$0x90]  }
0xbd: {  	v17 =	vmul.f32 v20, v24;
	v12 =	vmul.f32 v21, v24;
	[tilespmem:s18+$0xFFFFFF10] =	vst v8;
	v24 =	vld [tilespmem:s18+$0xA0]  }
.Ltmp1:
0xbe: {  	v15 =	vmul.f32 v26, v22;
	[tilespmem:s18+$0xFFFFFF20] =	vst v10;
	v10 =	vmul.f32 v26, v23;
	v19 =	vld [tilespmem:s18+$0xB0];
	(pc) =	sbr.rel @p0 .LBB2_5-.Ltmp1, $4  }
0xbf: {  	v16 =	vmul.f32 v25, v26;
	v11 =	vmul.f32 v9, v26;
	[tilespmem:s18+$0xFFFFFF30] =	vst v6;
	v20 =	vld [tilespmem:s18+$0xC0]  }
0xc0: {  	v13 =	vmul.f32 v7, v26;
	v8 =	vmul.f32 v28, v26;
	[tilespmem:s18+$0xFFFFFF40] =	vst v30;
	v21 =	vld [tilespmem:s18+$0xD0]  }
0xc1: {  	v9 =	vmul.f32 v29, v26;
	v6 =	vmul.f32 v31, v26;
	[tilespmem:s18+$0xFFFFFF50] =	vst v5;
	v22 =	vld [tilespmem:s18+$0xE0]  }
0xc2: {  	v7 =	vmul.f32 v2, v32;
	s18 =	sadd.s32 $0x240, s18;
	[tilespmem:s10+$0xFFFFFF90] =	vst v27;
	v5 =	vmul.f32 v2, v24;
	v23 =	vld [tilespmem:s10+$0xF0]  }
0xc3: {  	[tilespmem:s10+$0xFFFFFFA0] =	vst v4  }
0xc4: {  	[tilespmem:s10+$0xFFFFFFB0] =	vst v18  }
0xc5: {  	[tilespmem:s10+$0xFFFFFFC0] =	vst v14  }
0xc6: {  	[tilespmem:s10+$0xFFFFFFD0] =	vst v17  }
0xc7: {  	[tilespmem:s10+$0xFFFFFFE0] =	vst v12  }
0xc8: {  	[tilespmem:s10+$0x0] =	vst v15  }
0xc9: {  	[tilespmem:s10+$0x10] =	vst v10  }
0xca: {  	[tilespmem:s10+$0x20] =	vst v16  }
0xcb: {  	[tilespmem:s10+$0x30] =	vst v11  }
0xcc: {  	[tilespmem:s10+$0x40] =	vst v13  }
0xcd: {  	[tilespmem:s10+$0x50] =	vst v8  }
0xce: {  	[tilespmem:s10+$0x60] =	vst v9  }
0xcf: {  	[tilespmem:s10+$0x70] =	vst v6  }
0xd0: {  	[tilespmem:s10+$0xFFFFFF60] =	vst v3  }
0xd1: {  	[tilespmem:s10+$0x80] =	vst v1  }
0xd2: {  	v4 =	vmul.f32 v19, v2;
	[tilespmem:s10+$0x90] =	vst v7  }
0xd3: {  	v6 =	vmul.f32 v20, v2;
	[tilespmem:s10+$0xA0] =	vst v5  }
0xd4: {  	v5 =	vmul.f32 v21, v2;
	[tilespmem:s10+$0xB0] =	vst v4  }
0xd5: {  	v4 =	vmul.f32 v22, v2;
	[tilespmem:s10+$0xC0] =	vst v6  }
0xd6: {  	v2 =	vmul.f32 v23, v2;
	[tilespmem:s10+$0xD0] =	vst v5  }
0xd7: {  	[tilespmem:s10+$0xE0] =	vst v4  }
0xd8: {  	[tilespmem:s10+$0xF0] =	vst v2  }
0xd9: {  	[spmem:s3] =	stream.indirect.scatter.add.f32 [tilespmem:s22], [sflag:$0xA], $0x90, s24, s24, $0xb8;
	[tilespmem:$0x1F770] =	vst v63  }
0xda: {  	_ =	swait.ge [sflag:s11], $0x2D00  }
0xdb: {  	[sflag:s11] =	ssyncset.done $0x0  }
0xdc: {  	[sflag:s11] =	ssyncadd.s32 $0xFFFFD300  }
0xdd: {  	_ =	swait.ge [sflag:s12], $0x500  }
0xde: {  	[sflag:s12] =	ssyncset.done $0x0  }
0xdf: {  	[sflag:s12] =	ssyncadd.s32 $0xFFFFFB00  }
0xe0: {  	_ =	swait.ge [sflag:s23], $0x2D00  }
0xe1: {  	s4 =	rddreg [dreg:$0xf]  }
0xe2: {  	s4 =	sadd.s32 s29, s4  }
0xe3: {  	[sflag:s23] =	ssyncset.done $0x0;
	s4 =	sshrl.u32 s4, $0x3  }
0xe4: {  	s17 =	simm.s32 $0x0;
	[sflag:s23] =	ssyncadd.s32 $0xFFFFD300;
	s4 =	sadd.s32 s2, s4  }
0xe5: {  	[tilespmem:s17], [sflag:$0x1] =	stream.strided.gather [hbm4b:s4+s24], $0xA0, s25, s24, $0x38;
	[tilespmem:$0x1F770] =	vst v63  }
0xe6: {  	_ =	swait.ge [sflag:s13], $0xA0  }
0xe7: {  	[sflag:s13] =	ssyncset.done $0x0  }
0xe8: {  	[sflag:s13] =	ssyncadd.s32 $0xFFFFFF60  }
0xe9: {  	[tilespmem:s15], [sflag:$0x6] =	stream.indirect.gather [hbm4b:s5+s24], $0x90, s1, s24, $0xb8;
	[tilespmem:$0x1F770] =	vst v63  }
0xea: {  	s18 =	simm.s32 $0x92E0;
	s10 =	simm.s32 $0x3000  }
0xeb: {  	[tilespmem:s18], [sflag:$0x9] =	stream.indirect.gather [hbm4b:s6+s24], $0x10, s16, s24, $0xb8;
	[tilespmem:$0x1F770] =	vst v63  }
0xec: {  	s4 =	simm.s32 $0x8E00;
	v1 =	vld [tilespmem:s10+$0x110]  }
0xed: {  	v2 =	vld [tilespmem:s4+$0x10]  }
0xee: {  	v3 =	vld [tilespmem:s4+$0xFFFFFFE0]  }
0xef: {  	v4 =	vld [tilespmem:s10+$0xFFFFFFF0]  }
0xf0: {  	v5 =	vld [tilespmem:s4+$0xFFFFFFF0]  }
0xf1: {  	v6 =	vld [tilespmem:s10+$0x80]  }
0xf2: {  	v7 =	vld [tilespmem:s4+$0x0]  }
0xf3: {  	v8 =	vld [tilespmem:s10+$0xFFFFFEE0]  }
0xf4: {  	v1 =	vadd.f32 v2, v1;
	v2 =	vld [tilespmem:s10+$0xFFFFFF60]  }
0xf5: {  	v10 =	vld [tilespmem:s10+$0xFFFFFEF0];
	v4 =	vadd.f32 v5, v4  }
0xf6: {  	v11 =	vld [tilespmem:s10+$0xFFFFFF30];
	v9 =	vmul.f32 $2.000000030e-01, v1  }
0xf7: {  	v13 =	vld [tilespmem:s10+$0xFFFFFF40];
	v6 =	vadd.f32 v7, v6;
	vm1 =	vgt.f32 v1, $0.0e+00;
	v7 =	vmul.f32 $2.000000030e-01, v4  }
0xf8: {  	v14 =	vld [tilespmem:s10+$0xFFFFFF90];
	v1 =	vsel vm1, v1, v9;
	vm1 =	vgt.f32 v4, $0.0e+00  }
0xf9: {  	v15 =	vld [tilespmem:s10+$0xFFFFFFB0];
	v1 =	vmul.f32 $1.442695020e+00, v1;
	v2 =	vadd.f32 v3, v2;
	v4 =	vsel vm1, v4, v7  }
0xfa: {  	v16 =	vld [tilespmem:s10+$0xFFFFFFC0];
	v12 =	vmul.f32 $2.000000030e-01, v6;
	v4 =	vmul.f32 $1.442695020e+00, v4  }
0xfb: {  	v17 =	vld [tilespmem:s10+$0xFFFFFFD0];
	vm2 =	vgt.f32 v6, $0.0e+00;
	(erf) = vpow2.f32 v1;
	v1 =	vmul.f32 $2.000000030e-01, v2  }
0xfc: {  	v19 =	vld [tilespmem:s10+$0xFFFFFFE0];
	v6 =	vsel vm2, v6, v12;
	vm1 =	vgt.f32 v2, $0.0e+00  }
0xfd: {  	v20 =	vld [tilespmem:s10+$0x0];
	(erf) = vpow2.f32 v4;
	v1 =	vsel vm1, v2, v1;
	v2 =	vmul.f32 $1.442695020e+00, v6  }
0xfe: {  	v21 =	vld [tilespmem:s10+$0x10];
	v1 =	vmul.f32 $1.442695020e+00, v1  }
0xff: {  	v23 =	vld [tilespmem:s10+$0x20];
	(erf) = vpow2.f32 v2  }
0x100: {  	v4 =	vld [tilespmem:s10+$0x100];
	(erf) = vpow2.f32 v1  }
0x101: {  	v12 =	vld [tilespmem:s10+$0xFFFFFF70]  }
0x102: {  	v6 =	vld [tilespmem:s10+$0xFFFFFF80]  }
0x103: {  	v27 =	vld [tilespmem:s10+$0x40]  }
0x104: {  	v28 =	vld [tilespmem:s10+$0x60];
	v2 =	vpop (erf)  }
0x105: {  	v1 =	vld [tilespmem:s10+$0xFFFFFFA0];
	v18 =	vnsel vm0, $0x0, v2;
	v4 =	vmul.f32 v4, v2  }
0x106: {  	v29 =	vld [tilespmem:s10+$0x70];
	v22 =	vpop (erf);
	[tilespmem:s10+$0x110] =	vst v18  }
0x107: {  	v5 =	vld [tilespmem:s10+$0xFFFFFF00];
	v12 =	vmul.f32 v22, v12;
	v6 =	vmul.f32 v22, v6;
	[tilespmem:s10+$0x100] =	vst v4;
	v4 =	vnsel vm0, $0x0, v22  }
0x108: {  	v9 =	vld [tilespmem:s10+$0xFFFFFF10];
	v25 =	vmul.f32 v14, v22;
	v18 =	vmul.f32 v15, v22;
	v24 =	vpop (erf);
	[tilespmem:s10+$0xFFFFFFF0] =	vst v4  }
0x109: {  	v3 =	vld [tilespmem:s10+$0xFFFFFF20];
	v14 =	vmul.f32 v16, v22;
	v17 =	vmul.f32 v17, v22;
	[tilespmem:s10+$0xFFFFFF70] =	vst v12;
	v26 =	vpop (erf)  }
0x10a: {  	v7 =	vld [tilespmem:s10+$0xFFFFFF50];
	v4 =	vmul.f32 v1, v22;
	[tilespmem:s10+$0xFFFFFF80] =	vst v6;
	v8 =	vmul.f32 v26, v8  }
0x10b: {  	v30 =	vld [tilespmem:s10+$0xA0];
	v12 =	vmul.f32 v19, v22;
	[tilespmem:s10+$0xFFFFFF90] =	vst v25;
	v10 =	vmul.f32 v26, v10  }
0x10c: {  	v1 =	vld [tilespmem:s10+$0x30];
	v15 =	vmul.f32 v24, v20;
	v5 =	vmul.f32 v5, v26;
	[tilespmem:s10+$0xFFFFFEE0] =	vst v8  }
0x10d: {  	v6 =	vld [tilespmem:s10+$0x50];
	v16 =	vmul.f32 v23, v24;
	v9 =	vmul.f32 v9, v26;
	[tilespmem:s10+$0xFFFFFEF0] =	vst v10  }
0x10e: {  	v3 =	vmul.f32 v3, v26;
	v13 =	vmul.f32 v13, v26;
	[tilespmem:s10+$0xFFFFFF00] =	vst v5;
	v5 =	vld [tilespmem:s10+$0x90]  }
0x10f: {  	v19 =	vld [tilespmem:s10+$0xB0];
	v7 =	vmul.f32 v7, v26;
	v8 =	vmul.f32 v11, v26;
	[tilespmem:s10+$0xFFFFFF10] =	vst v9  }
0x110: {  	v20 =	vld [tilespmem:s10+$0xC0];
	v10 =	vmul.f32 v24, v21;
	[tilespmem:s10+$0xFFFFFF40] =	vst v13;
	v13 =	vmul.f32 v27, v24  }
0x111: {  	[tilespmem:s10+$0xFFFFFF20] =	vst v3;
	v21 =	vld [tilespmem:s10+$0xD0];
	v9 =	vmul.f32 v28, v24;
	v11 =	vmul.f32 v1, v24  }
0x112: {  	v22 =	vld [tilespmem:s10+$0xE0];
	v3 =	vnsel vm0, $0x0, v26;
	[tilespmem:s10+$0xFFFFFF30] =	vst v8;
	v8 =	vmul.f32 v6, v24;
	v6 =	vmul.f32 v29, v24  }
0x113: {  	s17 =	simm.s32 $0x0;
	s18 =	simm.s32 $0x3240;
	v23 =	vld [tilespmem:s10+$0xF0];
	[tilespmem:s10+$0xFFFFFF50] =	vst v7;
	v1 =	vnsel vm0, $0x0, v24;
	v7 =	vmul.f32 v2, v5;
	v5 =	vmul.f32 v2, v30  }
.LBB2_7:
0x114: {  	v24 =	vld [tilespmem:s18+$0x110];
	[tilespmem:s10+$0xFFFFFFA0] =	vst v4;
	v4 =	vmul.f32 v19, v2;
	s4 =	sadd.s32 $0x40, s4  }
0x115: {  	s17 =	sadd.s32 $0x4, s17;
	v19 =	vld [tilespmem:s4+$0x10];
	[tilespmem:s10+$0xFFFFFFB0] =	vst v18;
	v18 =	vmul.f32 v20, v2  }
0x116: {  	p0 =	slt.u32 s17, $0x4C;
	v20 =	vld [tilespmem:s4+$0xFFFFFFE0];
	[tilespmem:s10+$0xFFFFFFC0] =	vst v14;
	v14 =	vmul.f32 v21, v2  }
0x117: {  	v21 =	vld [tilespmem:s18+$0xFFFFFFF0];
	[tilespmem:s10+$0xFFFFFFD0] =	vst v17;
	v17 =	vmul.f32 v22, v2  }
0x118: {  	v22 =	vld [tilespmem:s4+$0xFFFFFFF0];
	[tilespmem:s10+$0xFFFFFFE0] =	vst v12;
	v2 =	vmul.f32 v23, v2  }
0x119: {  	v12 =	vld [tilespmem:s18+$0x80];
	[tilespmem:s10+$0x0] =	vst v15  }
0x11a: {  	v15 =	vld [tilespmem:s4+$0x0];
	v19 =	vadd.f32 v19, v24;
	[tilespmem:s10+$0x10] =	vst v10  }
0x11b: {  	v10 =	vld [tilespmem:s18+$0xFFFFFF60];
	[tilespmem:s10+$0x20] =	vst v16  }
0x11c: {  	v16 =	vld [tilespmem:s18+$0xFFFFFEE0];
	v23 =	vmul.f32 $2.000000030e-01, v19;
	[tilespmem:s10+$0x30] =	vst v11  }
0x11d: {  	vm1 =	vgt.f32 v19, $0.0e+00;
	v11 =	vld [tilespmem:s18+$0xFFFFFEF0];
	v21 =	vadd.f32 v22, v21;
	[tilespmem:s10+$0x40] =	vst v13  }
0x11e: {  	v13 =	vld [tilespmem:s18+$0xFFFFFF00];
	v19 =	vsel vm1, v19, v23;
	[tilespmem:s10+$0x50] =	vst v8  }
0x11f: {  	v8 =	vld [tilespmem:s18+$0xFFFFFF10];
	v22 =	vmul.f32 $2.000000030e-01, v21;
	v12 =	vadd.f32 v15, v12;
	v15 =	vmul.f32 $1.442695020e+00, v19;
	[tilespmem:s10+$0x60] =	vst v9  }
0x120: {  	vm1 =	vgt.f32 v21, $0.0e+00;
	v9 =	vadd.f32 v20, v10;
	v10 =	vld [tilespmem:s18+$0xFFFFFF20];
	[tilespmem:s10+$0x70] =	vst v6  }
0x121: {  	v6 =	vld [tilespmem:s18+$0xFFFFFF30];
	vm2 =	vgt.f32 v12, $0.0e+00;
	v19 =	vmul.f32 $2.000000030e-01, v12;
	(erf) = vpow2.f32 v15;
	[tilespmem:s10+$0x90] =	vst v7  }
0x122: {  	v20 =	vsel vm1, v21, v22;
	vm3 =	vgt.f32 v9, $0.0e+00;
	v7 =	vmul.f32 $2.000000030e-01, v9;
	v15 =	vld [tilespmem:s18+$0xFFFFFF40];
	[tilespmem:s10+$0xA0] =	vst v5  }
0x123: {  	v20 =	vmul.f32 $1.442695020e+00, v20;
	v5 =	vld [tilespmem:s18+$0xFFFFFF50];
	v12 =	vsel vm2, v12, v19;
	[tilespmem:s10+$0xB0] =	vst v4  }
0x124: {  	v4 =	vsel vm3, v9, v7;
	v7 =	vld [tilespmem:s18+$0xFFFFFF70];
	v9 =	vmul.f32 $1.442695020e+00, v12;
	[tilespmem:s10+$0xC0] =	vst v18  }
0x125: {  	v4 =	vmul.f32 $1.442695020e+00, v4;
	v12 =	vld [tilespmem:s18+$0xFFFFFF80];
	(erf) = vpow2.f32 v20;
	[tilespmem:s10+$0xD0] =	vst v14  }
0x126: {  	v14 =	vld [tilespmem:s18+$0x100];
	(erf) = vpow2.f32 v9;
	[tilespmem:s10+$0xE0] =	vst v17  }
0x127: {  	v9 =	vld [tilespmem:s18+$0xFFFFFF90];
	(erf) = vpow2.f32 v4;
	[tilespmem:s10+$0xF0] =	vst v2  }
0x128: {  	v4 =	vld [tilespmem:s18+$0xFFFFFFA0];
	[tilespmem:s10+$0xFFFFFF60] =	vst v3  }
0x129: {  	v17 =	vld [tilespmem:s18+$0xFFFFFFB0];
	[tilespmem:s10+$0x80] =	vst v1;
	s10 =	smov.u32 s18  }
0x12a: {  	v19 =	vld [tilespmem:s18+$0xFFFFFFC0];
	v2 =	vpop (erf)  }
0x12b: {  	v20 =	vld [tilespmem:s18+$0xFFFFFFD0];
	v1 =	vnsel vm0, $0x0, v2;
	v3 =	vmul.f32 v14, v2  }
0x12c: {  	v21 =	vld [tilespmem:s18+$0xFFFFFFE0];
	[tilespmem:s18+$0x110] =	vst v1  }
0x12d: {  	v22 =	vld [tilespmem:s18+$0x0];
	[tilespmem:s18+$0x100] =	vst v3  }
0x12e: {  	v23 =	vld [tilespmem:s18+$0x10];
	v24 =	vpop (erf)  }
0x12f: {  	v1 =	vnsel vm0, $0x0, v24;
	v7 =	vmul.f32 v24, v7;
	v12 =	vmul.f32 v24, v12;
	v25 =	vld [tilespmem:s18+$0x20];
	v26 =	vpop (erf)  }
0x130: {  	v27 =	vmul.f32 v9, v24;
	v4 =	vmul.f32 v4, v24;
	[tilespmem:s18+$0xFFFFFFF0] =	vst v1;
	v1 =	vnsel vm0, $0x0, v26;
	v9 =	vld [tilespmem:s18+$0x30];
	v14 =	vpop (erf)  }
0x131: {  	v3 =	vnsel vm0, $0x0, v14;
	v16 =	vmul.f32 v14, v16;
	v11 =	vmul.f32 v14, v11;
	[tilespmem:s18+$0xFFFFFF70] =	vst v7;
	v7 =	vld [tilespmem:s18+$0x40]  }
0x132: {  	v13 =	vmul.f32 v13, v14;
	v8 =	vmul.f32 v8, v14;
	[tilespmem:s18+$0xFFFFFF80] =	vst v12;
	v28 =	vld [tilespmem:s18+$0x50]  }
0x133: {  	v10 =	vmul.f32 v10, v14;
	v6 =	vmul.f32 v6, v14;
	[tilespmem:s18+$0xFFFFFEE0] =	vst v16;
	v29 =	vld [tilespmem:s18+$0x60]  }
0x134: {  	v30 =	vmul.f32 v15, v14;
	v5 =	vmul.f32 v5, v14;
	[tilespmem:s18+$0xFFFFFEF0] =	vst v11;
	v31 =	vld [tilespmem:s18+$0x70]  }
0x135: {  	v18 =	vmul.f32 v17, v24;
	v14 =	vmul.f32 v19, v24;
	[tilespmem:s18+$0xFFFFFF00] =	vst v13;
	v32 =	vld [tilespmem:s18+$0x90]  }
0x136: {  	v17 =	vmul.f32 v20, v24;
	v12 =	vmul.f32 v21, v24;
	[tilespmem:s18+$0xFFFFFF10] =	vst v8;
	v24 =	vld [tilespmem:s18+$0xA0]  }
.Ltmp2:
0x137: {  	v15 =	vmul.f32 v26, v22;
	[tilespmem:s18+$0xFFFFFF20] =	vst v10;
	v10 =	vmul.f32 v26, v23;
	v19 =	vld [tilespmem:s18+$0xB0];
	(pc) =	sbr.rel @p0 .LBB2_7-.Ltmp2, $4  }
0x138: {  	v16 =	vmul.f32 v25, v26;
	v11 =	vmul.f32 v9, v26;
	[tilespmem:s18+$0xFFFFFF30] =	vst v6;
	v20 =	vld [tilespmem:s18+$0xC0]  }
0x139: {  	v13 =	vmul.f32 v7, v26;
	v8 =	vmul.f32 v28, v26;
	[tilespmem:s18+$0xFFFFFF40] =	vst v30;
	v21 =	vld [tilespmem:s18+$0xD0]  }
0x13a: {  	v9 =	vmul.f32 v29, v26;
	v6 =	vmul.f32 v31, v26;
	[tilespmem:s18+$0xFFFFFF50] =	vst v5;
	v22 =	vld [tilespmem:s18+$0xE0]  }
0x13b: {  	v7 =	vmul.f32 v2, v32;
	s18 =	sadd.s32 $0x240, s18;
	[tilespmem:s10+$0xFFFFFF90] =	vst v27;
	v5 =	vmul.f32 v2, v24;
	v23 =	vld [tilespmem:s10+$0xF0]  }
0x13c: {  	[tilespmem:s10+$0xFFFFFFA0] =	vst v4  }
0x13d: {  	[tilespmem:s10+$0xFFFFFFB0] =	vst v18  }
0x13e: {  	[tilespmem:s10+$0xFFFFFFC0] =	vst v14  }
0x13f: {  	[tilespmem:s10+$0xFFFFFFD0] =	vst v17  }
0x140: {  	[tilespmem:s10+$0xFFFFFFE0] =	vst v12  }
0x141: {  	[tilespmem:s10+$0x0] =	vst v15  }
0x142: {  	[tilespmem:s10+$0x10] =	vst v10  }
0x143: {  	[tilespmem:s10+$0x20] =	vst v16  }
0x144: {  	[tilespmem:s10+$0x30] =	vst v11  }
0x145: {  	[tilespmem:s10+$0x40] =	vst v13  }
0x146: {  	[tilespmem:s10+$0x50] =	vst v8  }
0x147: {  	[tilespmem:s10+$0x60] =	vst v9  }
0x148: {  	[tilespmem:s10+$0x70] =	vst v6  }
0x149: {  	[tilespmem:s10+$0xFFFFFF60] =	vst v3  }
0x14a: {  	[tilespmem:s10+$0x80] =	vst v1  }
0x14b: {  	v4 =	vmul.f32 v19, v2;
	[tilespmem:s10+$0x90] =	vst v7  }
0x14c: {  	v6 =	vmul.f32 v20, v2;
	[tilespmem:s10+$0xA0] =	vst v5  }
0x14d: {  	v5 =	vmul.f32 v21, v2;
	[tilespmem:s10+$0xB0] =	vst v4  }
0x14e: {  	v4 =	vmul.f32 v22, v2;
	[tilespmem:s10+$0xC0] =	vst v6  }
0x14f: {  	v2 =	vmul.f32 v23, v2;
	[tilespmem:s10+$0xD0] =	vst v5  }
0x150: {  	[tilespmem:s10+$0xE0] =	vst v4  }
0x151: {  	[tilespmem:s10+$0xF0] =	vst v2  }
0x152: {  	[spmem:s3] =	stream.indirect.scatter.add.f32 [tilespmem:s8], [sflag:$0xB], $0x90, s9, s24, $0xb8;
	[tilespmem:$0x1F770] =	vst v63  }
0x153: {  	_ =	swait.ge [sflag:s21], $0x2D00  }
0x154: {  	[sflag:s21] =	ssyncset.done $0x0  }
0x155: {  	[sflag:s21] =	ssyncadd.s32 $0xFFFFD300  }
0x156: {  	_ =	swait.ge [sflag:s14], $0x500  }
0x157: {  	[sflag:s14] =	ssyncset.done $0x0  }
0x158: {  	[sflag:s14] =	ssyncadd.s32 $0xFFFFFB00  }
0x159: {  	s4 =	sadd.s32 s29, s19;
	_ =	swait.ge [sflag:s7], $0x2D00  }
0x15a: {  	s4 =	sshrl.u32 s4, $0x3;
	[sflag:s7] =	ssyncset.done $0x0  }
0x15b: {  	s4 =	sadd.s32 s2, s4;
	[sflag:s7] =	ssyncadd.s32 $0xFFFFD300  }
0x15c: {  	[tilespmem:s26], [sflag:$0x2] =	stream.strided.gather [hbm4b:s4+s24], $0xA0, s25, s24, $0x38;
	[tilespmem:$0x1F770] =	vst v63  }
0x15d: {  	_ =	swait.ge [sflag:s28], $0xA0  }
0x15e: {  	[sflag:s28] =	ssyncset.done $0x0  }
0x15f: {  	s18 =	simm.s32 $0x0;
	[sflag:s28] =	ssyncadd.s32 $0xFFFFFF60  }
0x160: {  	[tilespmem:s22], [sflag:$0x4] =	stream.indirect.gather [hbm4b:s5+s24], $0x90, s18, s24, $0xb8;
	[tilespmem:$0x1F770] =	vst v63  }
0x161: {  	s29 =	simm.s32 $0x88E0;
	s10 =	simm.s32 $0x5D00  }
0x162: {  	[tilespmem:s29], [sflag:$0x7] =	stream.indirect.gather [hbm4b:s6+s24], $0x10, s24, s24, $0xb8;
	[tilespmem:$0x1F770] =	vst v63  }
0x163: {  	s4 =	simm.s32 $0x9300;
	v1 =	vld [tilespmem:s10+$0x110]  }
0x164: {  	v2 =	vld [tilespmem:s4+$0x10]  }
0x165: {  	v3 =	vld [tilespmem:s4+$0xFFFFFFE0]  }
0x166: {  	v4 =	vld [tilespmem:s10+$0xFFFFFFF0]  }
0x167: {  	v5 =	vld [tilespmem:s4+$0xFFFFFFF0]  }
0x168: {  	v6 =	vld [tilespmem:s10+$0x80]  }
0x169: {  	v7 =	vld [tilespmem:s4+$0x0]  }
0x16a: {  	v8 =	vld [tilespmem:s10+$0xFFFFFEE0]  }
0x16b: {  	v1 =	vadd.f32 v2, v1;
	v2 =	vld [tilespmem:s10+$0xFFFFFF60]  }
0x16c: {  	v10 =	vld [tilespmem:s10+$0xFFFFFEF0];
	v4 =	vadd.f32 v5, v4  }
0x16d: {  	v11 =	vld [tilespmem:s10+$0xFFFFFF30];
	v9 =	vmul.f32 $2.000000030e-01, v1  }
0x16e: {  	v13 =	vld [tilespmem:s10+$0xFFFFFF40];
	v6 =	vadd.f32 v7, v6;
	vm1 =	vgt.f32 v1, $0.0e+00;
	v7 =	vmul.f32 $2.000000030e-01, v4  }
0x16f: {  	v14 =	vld [tilespmem:s10+$0xFFFFFF90];
	v1 =	vsel vm1, v1, v9;
	vm1 =	vgt.f32 v4, $0.0e+00  }
0x170: {  	v15 =	vld [tilespmem:s10+$0xFFFFFFB0];
	v1 =	vmul.f32 $1.442695020e+00, v1;
	v2 =	vadd.f32 v3, v2;
	v4 =	vsel vm1, v4, v7  }
0x171: {  	v16 =	vld [tilespmem:s10+$0xFFFFFFC0];
	v12 =	vmul.f32 $2.000000030e-01, v6;
	v4 =	vmul.f32 $1.442695020e+00, v4  }
0x172: {  	v17 =	vld [tilespmem:s10+$0xFFFFFFD0];
	vm2 =	vgt.f32 v6, $0.0e+00;
	(erf) = vpow2.f32 v1;
	v1 =	vmul.f32 $2.000000030e-01, v2  }
0x173: {  	v19 =	vld [tilespmem:s10+$0xFFFFFFE0];
	v6 =	vsel vm2, v6, v12;
	vm1 =	vgt.f32 v2, $0.0e+00  }
0x174: {  	v20 =	vld [tilespmem:s10+$0x0];
	(erf) = vpow2.f32 v4;
	v1 =	vsel vm1, v2, v1;
	v2 =	vmul.f32 $1.442695020e+00, v6  }
0x175: {  	v21 =	vld [tilespmem:s10+$0x10];
	v1 =	vmul.f32 $1.442695020e+00, v1  }
0x176: {  	v23 =	vld [tilespmem:s10+$0x20];
	(erf) = vpow2.f32 v2  }
0x177: {  	v4 =	vld [tilespmem:s10+$0x100];
	(erf) = vpow2.f32 v1  }
0x178: {  	v12 =	vld [tilespmem:s10+$0xFFFFFF70]  }
0x179: {  	v6 =	vld [tilespmem:s10+$0xFFFFFF80]  }
0x17a: {  	v27 =	vld [tilespmem:s10+$0x40]  }
0x17b: {  	v28 =	vld [tilespmem:s10+$0x60];
	v2 =	vpop (erf)  }
0x17c: {  	v1 =	vld [tilespmem:s10+$0xFFFFFFA0];
	v18 =	vnsel vm0, $0x0, v2;
	v4 =	vmul.f32 v4, v2  }
0x17d: {  	v29 =	vld [tilespmem:s10+$0x70];
	v22 =	vpop (erf);
	[tilespmem:s10+$0x110] =	vst v18  }
0x17e: {  	v5 =	vld [tilespmem:s10+$0xFFFFFF00];
	v12 =	vmul.f32 v22, v12;
	v6 =	vmul.f32 v22, v6;
	[tilespmem:s10+$0x100] =	vst v4;
	v4 =	vnsel vm0, $0x0, v22  }
0x17f: {  	v9 =	vld [tilespmem:s10+$0xFFFFFF10];
	v25 =	vmul.f32 v14, v22;
	v18 =	vmul.f32 v15, v22;
	v24 =	vpop (erf);
	[tilespmem:s10+$0xFFFFFFF0] =	vst v4  }
0x180: {  	v3 =	vld [tilespmem:s10+$0xFFFFFF20];
	v14 =	vmul.f32 v16, v22;
	v17 =	vmul.f32 v17, v22;
	[tilespmem:s10+$0xFFFFFF70] =	vst v12;
	v26 =	vpop (erf)  }
0x181: {  	v7 =	vld [tilespmem:s10+$0xFFFFFF50];
	v4 =	vmul.f32 v1, v22;
	[tilespmem:s10+$0xFFFFFF80] =	vst v6;
	v8 =	vmul.f32 v26, v8  }
0x182: {  	v30 =	vld [tilespmem:s10+$0xA0];
	v12 =	vmul.f32 v19, v22;
	[tilespmem:s10+$0xFFFFFF90] =	vst v25;
	v10 =	vmul.f32 v26, v10  }
0x183: {  	v1 =	vld [tilespmem:s10+$0x30];
	v15 =	vmul.f32 v24, v20;
	v5 =	vmul.f32 v5, v26;
	[tilespmem:s10+$0xFFFFFEE0] =	vst v8  }
0x184: {  	v6 =	vld [tilespmem:s10+$0x50];
	v16 =	vmul.f32 v23, v24;
	v9 =	vmul.f32 v9, v26;
	[tilespmem:s10+$0xFFFFFEF0] =	vst v10  }
0x185: {  	v3 =	vmul.f32 v3, v26;
	v13 =	vmul.f32 v13, v26;
	[tilespmem:s10+$0xFFFFFF00] =	vst v5;
	v5 =	vld [tilespmem:s10+$0x90]  }
0x186: {  	v19 =	vld [tilespmem:s10+$0xB0];
	v7 =	vmul.f32 v7, v26;
	v8 =	vmul.f32 v11, v26;
	[tilespmem:s10+$0xFFFFFF10] =	vst v9  }
0x187: {  	v20 =	vld [tilespmem:s10+$0xC0];
	v10 =	vmul.f32 v24, v21;
	[tilespmem:s10+$0xFFFFFF40] =	vst v13;
	v13 =	vmul.f32 v27, v24  }
0x188: {  	[tilespmem:s10+$0xFFFFFF20] =	vst v3;
	v21 =	vld [tilespmem:s10+$0xD0];
	v9 =	vmul.f32 v28, v24;
	v11 =	vmul.f32 v1, v24  }
0x189: {  	v22 =	vld [tilespmem:s10+$0xE0];
	v3 =	vnsel vm0, $0x0, v26;
	[tilespmem:s10+$0xFFFFFF30] =	vst v8;
	v8 =	vmul.f32 v6, v24;
	v6 =	vmul.f32 v29, v24  }
0x18a: {  	s17 =	simm.s32 $0x0;
	s18 =	simm.s32 $0x5F40;
	v23 =	vld [tilespmem:s10+$0xF0];
	[tilespmem:s10+$0xFFFFFF50] =	vst v7;
	v1 =	vnsel vm0, $0x0, v24;
	v7 =	vmul.f32 v2, v5;
	v5 =	vmul.f32 v2, v30  }
.LBB2_9:
0x18b: {  	v24 =	vld [tilespmem:s18+$0x110];
	[tilespmem:s10+$0xFFFFFFA0] =	vst v4;
	v4 =	vmul.f32 v19, v2;
	s4 =	sadd.s32 $0x40, s4  }
0x18c: {  	s17 =	sadd.s32 $0x4, s17;
	v19 =	vld [tilespmem:s4+$0x10];
	[tilespmem:s10+$0xFFFFFFB0] =	vst v18;
	v18 =	vmul.f32 v20, v2  }
0x18d: {  	p0 =	slt.u32 s17, $0x4C;
	v20 =	vld [tilespmem:s4+$0xFFFFFFE0];
	[tilespmem:s10+$0xFFFFFFC0] =	vst v14;
	v14 =	vmul.f32 v21, v2  }
0x18e: {  	v21 =	vld [tilespmem:s18+$0xFFFFFFF0];
	[tilespmem:s10+$0xFFFFFFD0] =	vst v17;
	v17 =	vmul.f32 v22, v2  }
0x18f: {  	v22 =	vld [tilespmem:s4+$0xFFFFFFF0];
	[tilespmem:s10+$0xFFFFFFE0] =	vst v12;
	v2 =	vmul.f32 v23, v2  }
0x190: {  	v12 =	vld [tilespmem:s18+$0x80];
	[tilespmem:s10+$0x0] =	vst v15  }
0x191: {  	v15 =	vld [tilespmem:s4+$0x0];
	v19 =	vadd.f32 v19, v24;
	[tilespmem:s10+$0x10] =	vst v10  }
0x192: {  	v10 =	vld [tilespmem:s18+$0xFFFFFF60];
	[tilespmem:s10+$0x20] =	vst v16  }
0x193: {  	v16 =	vld [tilespmem:s18+$0xFFFFFEE0];
	v23 =	vmul.f32 $2.000000030e-01, v19;
	[tilespmem:s10+$0x30] =	vst v11  }
0x194: {  	vm1 =	vgt.f32 v19, $0.0e+00;
	v11 =	vld [tilespmem:s18+$0xFFFFFEF0];
	v21 =	vadd.f32 v22, v21;
	[tilespmem:s10+$0x40] =	vst v13  }
0x195: {  	v13 =	vld [tilespmem:s18+$0xFFFFFF00];
	v19 =	vsel vm1, v19, v23;
	[tilespmem:s10+$0x50] =	vst v8  }
0x196: {  	v8 =	vld [tilespmem:s18+$0xFFFFFF10];
	v22 =	vmul.f32 $2.000000030e-01, v21;
	v12 =	vadd.f32 v15, v12;
	v15 =	vmul.f32 $1.442695020e+00, v19;
	[tilespmem:s10+$0x60] =	vst v9  }
0x197: {  	vm1 =	vgt.f32 v21, $0.0e+00;
	v9 =	vadd.f32 v20, v10;
	v10 =	vld [tilespmem:s18+$0xFFFFFF20];
	[tilespmem:s10+$0x70] =	vst v6  }
0x198: {  	v6 =	vld [tilespmem:s18+$0xFFFFFF30];
	vm2 =	vgt.f32 v12, $0.0e+00;
	v19 =	vmul.f32 $2.000000030e-01, v12;
	(erf) = vpow2.f32 v15;
	[tilespmem:s10+$0x90] =	vst v7  }
0x199: {  	v20 =	vsel vm1, v21, v22;
	vm3 =	vgt.f32 v9, $0.0e+00;
	v7 =	vmul.f32 $2.000000030e-01, v9;
	v15 =	vld [tilespmem:s18+$0xFFFFFF40];
	[tilespmem:s10+$0xA0] =	vst v5  }
0x19a: {  	v20 =	vmul.f32 $1.442695020e+00, v20;
	v5 =	vld [tilespmem:s18+$0xFFFFFF50];
	v12 =	vsel vm2, v12, v19;
	[tilespmem:s10+$0xB0] =	vst v4  }
0x19b: {  	v4 =	vsel vm3, v9, v7;
	v7 =	vld [tilespmem:s18+$0xFFFFFF70];
	v9 =	vmul.f32 $1.442695020e+00, v12;
	[tilespmem:s10+$0xC0] =	vst v18  }
0x19c: {  	v4 =	vmul.f32 $1.442695020e+00, v4;
	v12 =	vld [tilespmem:s18+$0xFFFFFF80];
	(erf) = vpow2.f32 v20;
	[tilespmem:s10+$0xD0] =	vst v14  }
0x19d: {  	v14 =	vld [tilespmem:s18+$0x100];
	(erf) = vpow2.f32 v9;
	[tilespmem:s10+$0xE0] =	vst v17  }
0x19e: {  	v9 =	vld [tilespmem:s18+$0xFFFFFF90];
	(erf) = vpow2.f32 v4;
	[tilespmem:s10+$0xF0] =	vst v2  }
0x19f: {  	v4 =	vld [tilespmem:s18+$0xFFFFFFA0];
	[tilespmem:s10+$0xFFFFFF60] =	vst v3  }
0x1a0: {  	v17 =	vld [tilespmem:s18+$0xFFFFFFB0];
	[tilespmem:s10+$0x80] =	vst v1;
	s10 =	smov.u32 s18  }
0x1a1: {  	v19 =	vld [tilespmem:s18+$0xFFFFFFC0];
	v2 =	vpop (erf)  }
0x1a2: {  	v20 =	vld [tilespmem:s18+$0xFFFFFFD0];
	v1 =	vnsel vm0, $0x0, v2;
	v3 =	vmul.f32 v14, v2  }
0x1a3: {  	v21 =	vld [tilespmem:s18+$0xFFFFFFE0];
	[tilespmem:s18+$0x110] =	vst v1  }
0x1a4: {  	v22 =	vld [tilespmem:s18+$0x0];
	[tilespmem:s18+$0x100] =	vst v3  }
0x1a5: {  	v23 =	vld [tilespmem:s18+$0x10];
	v24 =	vpop (erf)  }
0x1a6: {  	v1 =	vnsel vm0, $0x0, v24;
	v7 =	vmul.f32 v24, v7;
	v12 =	vmul.f32 v24, v12;
	v25 =	vld [tilespmem:s18+$0x20];
	v26 =	vpop (erf)  }
0x1a7: {  	v27 =	vmul.f32 v9, v24;
	v4 =	vmul.f32 v4, v24;
	[tilespmem:s18+$0xFFFFFFF0] =	vst v1;
	v1 =	vnsel vm0, $0x0, v26;
	v9 =	vld [tilespmem:s18+$0x30];
	v14 =	vpop (erf)  }
0x1a8: {  	v3 =	vnsel vm0, $0x0, v14;
	v16 =	vmul.f32 v14, v16;
	v11 =	vmul.f32 v14, v11;
	[tilespmem:s18+$0xFFFFFF70] =	vst v7;
	v7 =	vld [tilespmem:s18+$0x40]  }
0x1a9: {  	v13 =	vmul.f32 v13, v14;
	v8 =	vmul.f32 v8, v14;
	[tilespmem:s18+$0xFFFFFF80] =	vst v12;
	v28 =	vld [tilespmem:s18+$0x50]  }
0x1aa: {  	v10 =	vmul.f32 v10, v14;
	v6 =	vmul.f32 v6, v14;
	[tilespmem:s18+$0xFFFFFEE0] =	vst v16;
	v29 =	vld [tilespmem:s18+$0x60]  }
0x1ab: {  	v30 =	vmul.f32 v15, v14;
	v5 =	vmul.f32 v5, v14;
	[tilespmem:s18+$0xFFFFFEF0] =	vst v11;
	v31 =	vld [tilespmem:s18+$0x70]  }
0x1ac: {  	v18 =	vmul.f32 v17, v24;
	v14 =	vmul.f32 v19, v24;
	[tilespmem:s18+$0xFFFFFF00] =	vst v13;
	v32 =	vld [tilespmem:s18+$0x90]  }
0x1ad: {  	v17 =	vmul.f32 v20, v24;
	v12 =	vmul.f32 v21, v24;
	[tilespmem:s18+$0xFFFFFF10] =	vst v8;
	v24 =	vld [tilespmem:s18+$0xA0]  }
.Ltmp3:
0x1ae: {  	v15 =	vmul.f32 v26, v22;
	[tilespmem:s18+$0xFFFFFF20] =	vst v10;
	v10 =	vmul.f32 v26, v23;
	v19 =	vld [tilespmem:s18+$0xB0];
	(pc) =	sbr.rel @p0 .LBB2_9-.Ltmp3, $4  }
0x1af: {  	v16 =	vmul.f32 v25, v26;
	v11 =	vmul.f32 v9, v26;
	[tilespmem:s18+$0xFFFFFF30] =	vst v6;
	v20 =	vld [tilespmem:s18+$0xC0]  }
0x1b0: {  	v13 =	vmul.f32 v7, v26;
	v8 =	vmul.f32 v28, v26;
	[tilespmem:s18+$0xFFFFFF40] =	vst v30;
	v21 =	vld [tilespmem:s18+$0xD0]  }
0x1b1: {  	v9 =	vmul.f32 v29, v26;
	v6 =	vmul.f32 v31, v26;
	[tilespmem:s18+$0xFFFFFF50] =	vst v5;
	v22 =	vld [tilespmem:s18+$0xE0]  }
0x1b2: {  	v7 =	vmul.f32 v2, v32;
	s18 =	sadd.s32 $0x240, s18;
	[tilespmem:s10+$0xFFFFFF90] =	vst v27;
	v5 =	vmul.f32 v2, v24;
	v23 =	vld [tilespmem:s10+$0xF0]  }
0x1b3: {  	[tilespmem:s10+$0xFFFFFFA0] =	vst v4  }
0x1b4: {  	[tilespmem:s10+$0xFFFFFFB0] =	vst v18  }
0x1b5: {  	[tilespmem:s10+$0xFFFFFFC0] =	vst v14  }
0x1b6: {  	[tilespmem:s10+$0xFFFFFFD0] =	vst v17  }
0x1b7: {  	[tilespmem:s10+$0xFFFFFFE0] =	vst v12  }
0x1b8: {  	[tilespmem:s10+$0x0] =	vst v15  }
0x1b9: {  	[tilespmem:s10+$0x10] =	vst v10  }
0x1ba: {  	[tilespmem:s10+$0x20] =	vst v16  }
0x1bb: {  	[tilespmem:s10+$0x30] =	vst v11  }
0x1bc: {  	[tilespmem:s10+$0x40] =	vst v13  }
0x1bd: {  	[tilespmem:s10+$0x50] =	vst v8  }
0x1be: {  	[tilespmem:s10+$0x60] =	vst v9  }
0x1bf: {  	[tilespmem:s10+$0x70] =	vst v6  }
0x1c0: {  	[tilespmem:s10+$0xFFFFFF60] =	vst v3  }
0x1c1: {  	[tilespmem:s10+$0x80] =	vst v1  }
0x1c2: {  	v60 =	vmul.f32 v19, v2;
	[tilespmem:s10+$0x90] =	vst v7  }
0x1c3: {  	s20 =	sadd.s32 $0x1, s20;
	v61 =	vmul.f32 v20, v2;
	[tilespmem:s10+$0xA0] =	vst v5  }
0x1c4: {  	p0 =	sne.s32 s20, $0x29;
	v62 =	vmul.f32 v21, v2;
	[tilespmem:s10+$0xB0] =	vst v60  }
.Ltmp4:
0x1c5: {  	v63 =	vmul.f32 v22, v2;
	[tilespmem:s10+$0xC0] =	vst v61;
	(pc) =	sbr.rel @p0 .LBB2_4-.Ltmp4, $4  }
0x1c6: {  	v2 =	vmul.f32 v23, v2;
	[tilespmem:s10+$0xD0] =	vst v62  }
0x1c7: {  	[tilespmem:s10+$0xE0] =	vst v63  }
0x1c8: {  	[tilespmem:s10+$0xF0] =	vst v2  }
0x1c9: {  	[spmem:s3] =	stream.indirect.scatter.add.f32 [tilespmem:s15], [sflag:$0xC], $0x90, s16, s24, $0xb8;
	[tilespmem:$0x1F770] =	vst v63  }
0x1ca: {  	_ =	swait.ge [sflag:s30], $0x2D00  }
0x1cb: {  	[sflag:s30] =	ssyncset.done $0x0  }
0x1cc: {  	[sflag:s30] =	ssyncadd.s32 $0xFFFFD300  }
0x1cd: {  	_ =	swait.ge [sflag:s31], $0x500  }
0x1ce: {  	[sflag:s31] =	ssyncset.done $0x0  }
0x1cf: {  	[sflag:s31] =	ssyncadd.s32 $0xFFFFFB00  }
0x1d0: {  	_ =	swait.ge [sflag:s0], $0xA0  }
0x1d1: {  	[sflag:s0] =	ssyncset.done $0x0  }
0x1d2: {  	[sflag:s0] =	ssyncadd.s32 $0xFFFFFF60  }
0x1d3: {  	[tilespmem:s8], [sflag:$0x5] =	stream.indirect.gather [hbm4b:s5+s24], $0x90, s26, s24, $0xb8;
	[tilespmem:$0x1F770] =	vst v63  }
0x1d4: {  	s4 =	simm.s32 $0x8DE0;
	s10 =	simm.s32 $0x300  }
0x1d5: {  	[tilespmem:s4], [sflag:$0x8] =	stream.indirect.gather [hbm4b:s6+s24], $0x10, s9, s24, $0xb8;
	[tilespmem:$0x1F770] =	vst v63  }
0x1d6: {  	s4 =	simm.s32 $0x8900;
	v1 =	vld [tilespmem:s10+$0x110]  }
0x1d7: {  	v2 =	vld [tilespmem:s4+$0x10]  }
0x1d8: {  	v3 =	vld [tilespmem:s4+$0xFFFFFFE0]  }
0x1d9: {  	v4 =	vld [tilespmem:s10+$0xFFFFFFF0]  }
0x1da: {  	v5 =	vld [tilespmem:s4+$0xFFFFFFF0]  }
0x1db: {  	v6 =	vld [tilespmem:s10+$0x80]  }
0x1dc: {  	v7 =	vld [tilespmem:s4+$0x0]  }
0x1dd: {  	v8 =	vld [tilespmem:s10+$0xFFFFFEE0]  }
0x1de: {  	v1 =	vadd.f32 v2, v1;
	v2 =	vld [tilespmem:s10+$0xFFFFFF60]  }
0x1df: {  	v10 =	vld [tilespmem:s10+$0xFFFFFEF0];
	v4 =	vadd.f32 v5, v4  }
0x1e0: {  	v11 =	vld [tilespmem:s10+$0xFFFFFF30];
	v9 =	vmul.f32 $2.000000030e-01, v1  }
0x1e1: {  	v13 =	vld [tilespmem:s10+$0xFFFFFF40];
	v6 =	vadd.f32 v7, v6;
	vm1 =	vgt.f32 v1, $0.0e+00;
	v7 =	vmul.f32 $2.000000030e-01, v4  }
0x1e2: {  	v14 =	vld [tilespmem:s10+$0xFFFFFF90];
	v1 =	vsel vm1, v1, v9;
	vm1 =	vgt.f32 v4, $0.0e+00  }
0x1e3: {  	v15 =	vld [tilespmem:s10+$0xFFFFFFB0];
	v1 =	vmul.f32 $1.442695020e+00, v1;
	v2 =	vadd.f32 v3, v2;
	v4 =	vsel vm1, v4, v7  }
0x1e4: {  	v16 =	vld [tilespmem:s10+$0xFFFFFFC0];
	v12 =	vmul.f32 $2.000000030e-01, v6;
	v4 =	vmul.f32 $1.442695020e+00, v4  }
0x1e5: {  	v17 =	vld [tilespmem:s10+$0xFFFFFFD0];
	vm2 =	vgt.f32 v6, $0.0e+00;
	(erf) = vpow2.f32 v1;
	v1 =	vmul.f32 $2.000000030e-01, v2  }
0x1e6: {  	v19 =	vld [tilespmem:s10+$0xFFFFFFE0];
	v6 =	vsel vm2, v6, v12;
	vm1 =	vgt.f32 v2, $0.0e+00  }
0x1e7: {  	v20 =	vld [tilespmem:s10+$0x0];
	(erf) = vpow2.f32 v4;
	v1 =	vsel vm1, v2, v1;
	v2 =	vmul.f32 $1.442695020e+00, v6  }
0x1e8: {  	v21 =	vld [tilespmem:s10+$0x10];
	v1 =	vmul.f32 $1.442695020e+00, v1  }
0x1e9: {  	v23 =	vld [tilespmem:s10+$0x20];
	(erf) = vpow2.f32 v2  }
0x1ea: {  	v4 =	vld [tilespmem:s10+$0x100];
	(erf) = vpow2.f32 v1  }
0x1eb: {  	v12 =	vld [tilespmem:s10+$0xFFFFFF70]  }
0x1ec: {  	v6 =	vld [tilespmem:s10+$0xFFFFFF80]  }
0x1ed: {  	v27 =	vld [tilespmem:s10+$0x40]  }
0x1ee: {  	v28 =	vld [tilespmem:s10+$0x60];
	v2 =	vpop (erf)  }
0x1ef: {  	v1 =	vld [tilespmem:s10+$0xFFFFFFA0];
	v18 =	vnsel vm0, $0x0, v2;
	v4 =	vmul.f32 v4, v2  }
0x1f0: {  	v29 =	vld [tilespmem:s10+$0x70];
	v22 =	vpop (erf);
	[tilespmem:s10+$0x110] =	vst v18  }
0x1f1: {  	v5 =	vld [tilespmem:s10+$0xFFFFFF00];
	v12 =	vmul.f32 v22, v12;
	v6 =	vmul.f32 v22, v6;
	[tilespmem:s10+$0x100] =	vst v4;
	v4 =	vnsel vm0, $0x0, v22  }
0x1f2: {  	v9 =	vld [tilespmem:s10+$0xFFFFFF10];
	v25 =	vmul.f32 v14, v22;
	v18 =	vmul.f32 v15, v22;
	v24 =	vpop (erf);
	[tilespmem:s10+$0xFFFFFFF0] =	vst v4  }
0x1f3: {  	v3 =	vld [tilespmem:s10+$0xFFFFFF20];
	v14 =	vmul.f32 v16, v22;
	v17 =	vmul.f32 v17, v22;
	[tilespmem:s10+$0xFFFFFF70] =	vst v12;
	v26 =	vpop (erf)  }
0x1f4: {  	v7 =	vld [tilespmem:s10+$0xFFFFFF50];
	v4 =	vmul.f32 v1, v22;
	[tilespmem:s10+$0xFFFFFF80] =	vst v6;
	v8 =	vmul.f32 v26, v8  }
0x1f5: {  	v30 =	vld [tilespmem:s10+$0xA0];
	v12 =	vmul.f32 v19, v22;
	[tilespmem:s10+$0xFFFFFF90] =	vst v25;
	v10 =	vmul.f32 v26, v10  }
0x1f6: {  	v1 =	vld [tilespmem:s10+$0x30];
	v15 =	vmul.f32 v24, v20;
	v5 =	vmul.f32 v5, v26;
	[tilespmem:s10+$0xFFFFFEE0] =	vst v8  }
0x1f7: {  	v6 =	vld [tilespmem:s10+$0x50];
	v16 =	vmul.f32 v23, v24;
	v9 =	vmul.f32 v9, v26;
	[tilespmem:s10+$0xFFFFFEF0] =	vst v10  }
0x1f8: {  	v3 =	vmul.f32 v3, v26;
	v13 =	vmul.f32 v13, v26;
	[tilespmem:s10+$0xFFFFFF00] =	vst v5;
	v5 =	vld [tilespmem:s10+$0x90]  }
0x1f9: {  	v19 =	vld [tilespmem:s10+$0xB0];
	v7 =	vmul.f32 v7, v26;
	v8 =	vmul.f32 v11, v26;
	[tilespmem:s10+$0xFFFFFF10] =	vst v9  }
0x1fa: {  	v20 =	vld [tilespmem:s10+$0xC0];
	v10 =	vmul.f32 v24, v21;
	[tilespmem:s10+$0xFFFFFF40] =	vst v13;
	v13 =	vmul.f32 v27, v24  }
0x1fb: {  	[tilespmem:s10+$0xFFFFFF20] =	vst v3;
	v21 =	vld [tilespmem:s10+$0xD0];
	v9 =	vmul.f32 v28, v24;
	v11 =	vmul.f32 v1, v24  }
0x1fc: {  	v22 =	vld [tilespmem:s10+$0xE0];
	v3 =	vnsel vm0, $0x0, v26;
	[tilespmem:s10+$0xFFFFFF30] =	vst v8;
	v8 =	vmul.f32 v6, v24;
	v6 =	vmul.f32 v29, v24  }
0x1fd: {  	s17 =	simm.s32 $0x0;
	s18 =	simm.s32 $0x540;
	v23 =	vld [tilespmem:s10+$0xF0];
	[tilespmem:s10+$0xFFFFFF50] =	vst v7;
	v1 =	vnsel vm0, $0x0, v24;
	v7 =	vmul.f32 v2, v5;
	v5 =	vmul.f32 v2, v30  }
.LBB2_12:
0x1fe: {  	v24 =	vld [tilespmem:s18+$0x110];
	[tilespmem:s10+$0xFFFFFFA0] =	vst v4;
	v4 =	vmul.f32 v19, v2;
	s4 =	sadd.s32 $0x40, s4  }
0x1ff: {  	s17 =	sadd.s32 $0x4, s17;
	v19 =	vld [tilespmem:s4+$0x10];
	[tilespmem:s10+$0xFFFFFFB0] =	vst v18;
	v18 =	vmul.f32 v20, v2  }
0x200: {  	p0 =	slt.u32 s17, $0x4C;
	v20 =	vld [tilespmem:s4+$0xFFFFFFE0];
	[tilespmem:s10+$0xFFFFFFC0] =	vst v14;
	v14 =	vmul.f32 v21, v2  }
0x201: {  	v21 =	vld [tilespmem:s18+$0xFFFFFFF0];
	[tilespmem:s10+$0xFFFFFFD0] =	vst v17;
	v17 =	vmul.f32 v22, v2  }
0x202: {  	v22 =	vld [tilespmem:s4+$0xFFFFFFF0];
	[tilespmem:s10+$0xFFFFFFE0] =	vst v12;
	v2 =	vmul.f32 v23, v2  }
0x203: {  	v12 =	vld [tilespmem:s18+$0x80];
	[tilespmem:s10+$0x0] =	vst v15  }
0x204: {  	v15 =	vld [tilespmem:s4+$0x0];
	v19 =	vadd.f32 v19, v24;
	[tilespmem:s10+$0x10] =	vst v10  }
0x205: {  	v10 =	vld [tilespmem:s18+$0xFFFFFF60];
	[tilespmem:s10+$0x20] =	vst v16  }
0x206: {  	v16 =	vld [tilespmem:s18+$0xFFFFFEE0];
	v23 =	vmul.f32 $2.000000030e-01, v19;
	[tilespmem:s10+$0x30] =	vst v11  }
0x207: {  	vm1 =	vgt.f32 v19, $0.0e+00;
	v11 =	vld [tilespmem:s18+$0xFFFFFEF0];
	v21 =	vadd.f32 v22, v21;
	[tilespmem:s10+$0x40] =	vst v13  }
0x208: {  	v13 =	vld [tilespmem:s18+$0xFFFFFF00];
	v19 =	vsel vm1, v19, v23;
	[tilespmem:s10+$0x50] =	vst v8  }
0x209: {  	v8 =	vld [tilespmem:s18+$0xFFFFFF10];
	v22 =	vmul.f32 $2.000000030e-01, v21;
	v12 =	vadd.f32 v15, v12;
	v15 =	vmul.f32 $1.442695020e+00, v19;
	[tilespmem:s10+$0x60] =	vst v9  }
0x20a: {  	vm1 =	vgt.f32 v21, $0.0e+00;
	v9 =	vadd.f32 v20, v10;
	v10 =	vld [tilespmem:s18+$0xFFFFFF20];
	[tilespmem:s10+$0x70] =	vst v6  }
0x20b: {  	v6 =	vld [tilespmem:s18+$0xFFFFFF30];
	vm2 =	vgt.f32 v12, $0.0e+00;
	v19 =	vmul.f32 $2.000000030e-01, v12;
	(erf) = vpow2.f32 v15;
	[tilespmem:s10+$0x90] =	vst v7  }
0x20c: {  	v20 =	vsel vm1, v21, v22;
	vm3 =	vgt.f32 v9, $0.0e+00;
	v7 =	vmul.f32 $2.000000030e-01, v9;
	v15 =	vld [tilespmem:s18+$0xFFFFFF40];
	[tilespmem:s10+$0xA0] =	vst v5  }
0x20d: {  	v20 =	vmul.f32 $1.442695020e+00, v20;
	v5 =	vld [tilespmem:s18+$0xFFFFFF50];
	v12 =	vsel vm2, v12, v19;
	[tilespmem:s10+$0xB0] =	vst v4  }
0x20e: {  	v4 =	vsel vm3, v9, v7;
	v7 =	vld [tilespmem:s18+$0xFFFFFF70];
	v9 =	vmul.f32 $1.442695020e+00, v12;
	[tilespmem:s10+$0xC0] =	vst v18  }
0x20f: {  	v4 =	vmul.f32 $1.442695020e+00, v4;
	v12 =	vld [tilespmem:s18+$0xFFFFFF80];
	(erf) = vpow2.f32 v20;
	[tilespmem:s10+$0xD0] =	vst v14  }
0x210: {  	v14 =	vld [tilespmem:s18+$0x100];
	(erf) = vpow2.f32 v9;
	[tilespmem:s10+$0xE0] =	vst v17  }
0x211: {  	v9 =	vld [tilespmem:s18+$0xFFFFFF90];
	(erf) = vpow2.f32 v4;
	[tilespmem:s10+$0xF0] =	vst v2  }
0x212: {  	v4 =	vld [tilespmem:s18+$0xFFFFFFA0];
	[tilespmem:s10+$0xFFFFFF60] =	vst v3  }
0x213: {  	v17 =	vld [tilespmem:s18+$0xFFFFFFB0];
	[tilespmem:s10+$0x80] =	vst v1;
	s10 =	smov.u32 s18  }
0x214: {  	v19 =	vld [tilespmem:s18+$0xFFFFFFC0];
	v2 =	vpop (erf)  }
0x215: {  	v20 =	vld [tilespmem:s18+$0xFFFFFFD0];
	v1 =	vnsel vm0, $0x0, v2;
	v3 =	vmul.f32 v14, v2  }
0x216: {  	v21 =	vld [tilespmem:s18+$0xFFFFFFE0];
	[tilespmem:s18+$0x110] =	vst v1  }
0x217: {  	v22 =	vld [tilespmem:s18+$0x0];
	[tilespmem:s18+$0x100] =	vst v3  }
0x218: {  	v23 =	vld [tilespmem:s18+$0x10];
	v24 =	vpop (erf)  }
0x219: {  	v1 =	vnsel vm0, $0x0, v24;
	v7 =	vmul.f32 v24, v7;
	v12 =	vmul.f32 v24, v12;
	v25 =	vld [tilespmem:s18+$0x20];
	v26 =	vpop (erf)  }
0x21a: {  	v27 =	vmul.f32 v9, v24;
	v4 =	vmul.f32 v4, v24;
	[tilespmem:s18+$0xFFFFFFF0] =	vst v1;
	v1 =	vnsel vm0, $0x0, v26;
	v9 =	vld [tilespmem:s18+$0x30];
	v14 =	vpop (erf)  }
0x21b: {  	v3 =	vnsel vm0, $0x0, v14;
	v16 =	vmul.f32 v14, v16;
	v11 =	vmul.f32 v14, v11;
	[tilespmem:s18+$0xFFFFFF70] =	vst v7;
	v7 =	vld [tilespmem:s18+$0x40]  }
0x21c: {  	v13 =	vmul.f32 v13, v14;
	v8 =	vmul.f32 v8, v14;
	[tilespmem:s18+$0xFFFFFF80] =	vst v12;
	v28 =	vld [tilespmem:s18+$0x50]  }
0x21d: {  	v10 =	vmul.f32 v10, v14;
	v6 =	vmul.f32 v6, v14;
	[tilespmem:s18+$0xFFFFFEE0] =	vst v16;
	v29 =	vld [tilespmem:s18+$0x60]  }
0x21e: {  	v30 =	vmul.f32 v15, v14;
	v5 =	vmul.f32 v5, v14;
	[tilespmem:s18+$0xFFFFFEF0] =	vst v11;
	v31 =	vld [tilespmem:s18+$0x70]  }
0x21f: {  	v18 =	vmul.f32 v17, v24;
	v14 =	vmul.f32 v19, v24;
	[tilespmem:s18+$0xFFFFFF00] =	vst v13;
	v32 =	vld [tilespmem:s18+$0x90]  }
0x220: {  	v17 =	vmul.f32 v20, v24;
	v12 =	vmul.f32 v21, v24;
	[tilespmem:s18+$0xFFFFFF10] =	vst v8;
	v24 =	vld [tilespmem:s18+$0xA0]  }
.Ltmp5:
0x221: {  	v15 =	vmul.f32 v26, v22;
	[tilespmem:s18+$0xFFFFFF20] =	vst v10;
	v10 =	vmul.f32 v26, v23;
	v19 =	vld [tilespmem:s18+$0xB0];
	(pc) =	sbr.rel @p0 .LBB2_12-.Ltmp5, $4  }
0x222: {  	v16 =	vmul.f32 v25, v26;
	v11 =	vmul.f32 v9, v26;
	[tilespmem:s18+$0xFFFFFF30] =	vst v6;
	v20 =	vld [tilespmem:s18+$0xC0]  }
0x223: {  	v13 =	vmul.f32 v7, v26;
	v8 =	vmul.f32 v28, v26;
	[tilespmem:s18+$0xFFFFFF40] =	vst v30;
	v21 =	vld [tilespmem:s18+$0xD0]  }
0x224: {  	v9 =	vmul.f32 v29, v26;
	v6 =	vmul.f32 v31, v26;
	[tilespmem:s18+$0xFFFFFF50] =	vst v5;
	v22 =	vld [tilespmem:s18+$0xE0]  }
0x225: {  	v7 =	vmul.f32 v2, v32;
	s18 =	sadd.s32 $0x240, s18;
	[tilespmem:s10+$0xFFFFFF90] =	vst v27;
	v5 =	vmul.f32 v2, v24;
	v23 =	vld [tilespmem:s10+$0xF0]  }
0x226: {  	[tilespmem:s10+$0xFFFFFFA0] =	vst v4  }
0x227: {  	[tilespmem:s10+$0xFFFFFFB0] =	vst v18  }
0x228: {  	[tilespmem:s10+$0xFFFFFFC0] =	vst v14  }
0x229: {  	[tilespmem:s10+$0xFFFFFFD0] =	vst v17  }
0x22a: {  	[tilespmem:s10+$0xFFFFFFE0] =	vst v12  }
0x22b: {  	[tilespmem:s10+$0x0] =	vst v15  }
0x22c: {  	[tilespmem:s10+$0x10] =	vst v10  }
0x22d: {  	[tilespmem:s10+$0x20] =	vst v16  }
0x22e: {  	[tilespmem:s10+$0x30] =	vst v11  }
0x22f: {  	[tilespmem:s10+$0x40] =	vst v13  }
0x230: {  	[tilespmem:s10+$0x50] =	vst v8  }
0x231: {  	[tilespmem:s10+$0x60] =	vst v9  }
0x232: {  	[tilespmem:s10+$0x70] =	vst v6  }
0x233: {  	[tilespmem:s10+$0xFFFFFF60] =	vst v3  }
0x234: {  	[tilespmem:s10+$0x80] =	vst v1  }
0x235: {  	v4 =	vmul.f32 v19, v2;
	[tilespmem:s10+$0x90] =	vst v7  }
0x236: {  	v6 =	vmul.f32 v20, v2;
	[tilespmem:s10+$0xA0] =	vst v5  }
0x237: {  	v5 =	vmul.f32 v21, v2;
	[tilespmem:s10+$0xB0] =	vst v4  }
0x238: {  	v4 =	vmul.f32 v22, v2;
	[tilespmem:s10+$0xC0] =	vst v6  }
0x239: {  	v2 =	vmul.f32 v23, v2;
	[tilespmem:s10+$0xD0] =	vst v5  }
0x23a: {  	[tilespmem:s10+$0xE0] =	vst v4  }
0x23b: {  	[tilespmem:s10+$0xF0] =	vst v2  }
0x23c: {  	[spmem:s3] =	stream.indirect.scatter.add.f32 [tilespmem:s22], [sflag:$0xA], $0x90, s24, s24, $0xb8;
	[tilespmem:$0x1F770] =	vst v63  }
0x23d: {  	_ =	swait.ge [sflag:s11], $0x2D00  }
0x23e: {  	[sflag:s11] =	ssyncset.done $0x0  }
0x23f: {  	[sflag:s11] =	ssyncadd.s32 $0xFFFFD300  }
0x240: {  	_ =	swait.ge [sflag:s12], $0x500  }
0x241: {  	[sflag:s12] =	ssyncset.done $0x0  }
0x242: {  	s10 =	simm.s32 $0x3000;
	[sflag:s12] =	ssyncadd.s32 $0xFFFFFB00  }
0x243: {  	s4 =	simm.s32 $0x8E00;
	v1 =	vld [tilespmem:s10+$0x110]  }
0x244: {  	v2 =	vld [tilespmem:s4+$0x10]  }
0x245: {  	v3 =	vld [tilespmem:s4+$0xFFFFFFE0]  }
0x246: {  	v4 =	vld [tilespmem:s10+$0xFFFFFFF0]  }
0x247: {  	v5 =	vld [tilespmem:s4+$0xFFFFFFF0]  }
0x248: {  	v6 =	vld [tilespmem:s10+$0x80]  }
0x249: {  	v7 =	vld [tilespmem:s4+$0x0]  }
0x24a: {  	v8 =	vld [tilespmem:s10+$0xFFFFFEE0]  }
0x24b: {  	v1 =	vadd.f32 v2, v1;
	v2 =	vld [tilespmem:s10+$0xFFFFFF60]  }
0x24c: {  	v10 =	vld [tilespmem:s10+$0xFFFFFEF0];
	v4 =	vadd.f32 v5, v4  }
0x24d: {  	v11 =	vld [tilespmem:s10+$0xFFFFFF30];
	v9 =	vmul.f32 $2.000000030e-01, v1  }
0x24e: {  	v13 =	vld [tilespmem:s10+$0xFFFFFF40];
	v6 =	vadd.f32 v7, v6;
	vm1 =	vgt.f32 v1, $0.0e+00;
	v7 =	vmul.f32 $2.000000030e-01, v4  }
0x24f: {  	v14 =	vld [tilespmem:s10+$0xFFFFFF90];
	v1 =	vsel vm1, v1, v9;
	vm1 =	vgt.f32 v4, $0.0e+00  }
0x250: {  	v15 =	vld [tilespmem:s10+$0xFFFFFFB0];
	v1 =	vmul.f32 $1.442695020e+00, v1;
	v2 =	vadd.f32 v3, v2;
	v4 =	vsel vm1, v4, v7  }
0x251: {  	v16 =	vld [tilespmem:s10+$0xFFFFFFC0];
	v12 =	vmul.f32 $2.000000030e-01, v6;
	v4 =	vmul.f32 $1.442695020e+00, v4  }
0x252: {  	v17 =	vld [tilespmem:s10+$0xFFFFFFD0];
	vm2 =	vgt.f32 v6, $0.0e+00;
	(erf) = vpow2.f32 v1;
	v1 =	vmul.f32 $2.000000030e-01, v2  }
0x253: {  	v19 =	vld [tilespmem:s10+$0xFFFFFFE0];
	v6 =	vsel vm2, v6, v12;
	vm1 =	vgt.f32 v2, $0.0e+00  }
0x254: {  	v20 =	vld [tilespmem:s10+$0x0];
	(erf) = vpow2.f32 v4;
	v1 =	vsel vm1, v2, v1;
	v2 =	vmul.f32 $1.442695020e+00, v6  }
0x255: {  	v21 =	vld [tilespmem:s10+$0x10];
	v1 =	vmul.f32 $1.442695020e+00, v1  }
0x256: {  	v23 =	vld [tilespmem:s10+$0x20];
	(erf) = vpow2.f32 v2  }
0x257: {  	v4 =	vld [tilespmem:s10+$0x100];
	(erf) = vpow2.f32 v1  }
0x258: {  	v12 =	vld [tilespmem:s10+$0xFFFFFF70]  }
0x259: {  	v6 =	vld [tilespmem:s10+$0xFFFFFF80]  }
0x25a: {  	v27 =	vld [tilespmem:s10+$0x40]  }
0x25b: {  	v28 =	vld [tilespmem:s10+$0x60];
	v2 =	vpop (erf)  }
0x25c: {  	v1 =	vld [tilespmem:s10+$0xFFFFFFA0];
	v18 =	vnsel vm0, $0x0, v2;
	v4 =	vmul.f32 v4, v2  }
0x25d: {  	v29 =	vld [tilespmem:s10+$0x70];
	v22 =	vpop (erf);
	[tilespmem:s10+$0x110] =	vst v18  }
0x25e: {  	v5 =	vld [tilespmem:s10+$0xFFFFFF00];
	v12 =	vmul.f32 v22, v12;
	v6 =	vmul.f32 v22, v6;
	[tilespmem:s10+$0x100] =	vst v4;
	v4 =	vnsel vm0, $0x0, v22  }
0x25f: {  	v9 =	vld [tilespmem:s10+$0xFFFFFF10];
	v25 =	vmul.f32 v14, v22;
	v18 =	vmul.f32 v15, v22;
	v24 =	vpop (erf);
	[tilespmem:s10+$0xFFFFFFF0] =	vst v4  }
0x260: {  	v3 =	vld [tilespmem:s10+$0xFFFFFF20];
	v14 =	vmul.f32 v16, v22;
	v17 =	vmul.f32 v17, v22;
	[tilespmem:s10+$0xFFFFFF70] =	vst v12;
	v26 =	vpop (erf)  }
0x261: {  	v7 =	vld [tilespmem:s10+$0xFFFFFF50];
	v4 =	vmul.f32 v1, v22;
	[tilespmem:s10+$0xFFFFFF80] =	vst v6;
	v8 =	vmul.f32 v26, v8  }
0x262: {  	v30 =	vld [tilespmem:s10+$0xA0];
	v12 =	vmul.f32 v19, v22;
	[tilespmem:s10+$0xFFFFFF90] =	vst v25;
	v10 =	vmul.f32 v26, v10  }
0x263: {  	v1 =	vld [tilespmem:s10+$0x30];
	v15 =	vmul.f32 v24, v20;
	v5 =	vmul.f32 v5, v26;
	[tilespmem:s10+$0xFFFFFEE0] =	vst v8  }
0x264: {  	v6 =	vld [tilespmem:s10+$0x50];
	v16 =	vmul.f32 v23, v24;
	v9 =	vmul.f32 v9, v26;
	[tilespmem:s10+$0xFFFFFEF0] =	vst v10  }
0x265: {  	v3 =	vmul.f32 v3, v26;
	v13 =	vmul.f32 v13, v26;
	[tilespmem:s10+$0xFFFFFF00] =	vst v5;
	v5 =	vld [tilespmem:s10+$0x90]  }
0x266: {  	v19 =	vld [tilespmem:s10+$0xB0];
	v7 =	vmul.f32 v7, v26;
	v8 =	vmul.f32 v11, v26;
	[tilespmem:s10+$0xFFFFFF10] =	vst v9  }
0x267: {  	v20 =	vld [tilespmem:s10+$0xC0];
	v10 =	vmul.f32 v24, v21;
	[tilespmem:s10+$0xFFFFFF40] =	vst v13;
	v13 =	vmul.f32 v27, v24  }
0x268: {  	[tilespmem:s10+$0xFFFFFF20] =	vst v3;
	v21 =	vld [tilespmem:s10+$0xD0];
	v9 =	vmul.f32 v28, v24;
	v11 =	vmul.f32 v1, v24  }
0x269: {  	v22 =	vld [tilespmem:s10+$0xE0];
	v3 =	vnsel vm0, $0x0, v26;
	[tilespmem:s10+$0xFFFFFF30] =	vst v8;
	v8 =	vmul.f32 v6, v24;
	v6 =	vmul.f32 v29, v24  }
0x26a: {  	s17 =	simm.s32 $0x0;
	s18 =	simm.s32 $0x3240;
	v23 =	vld [tilespmem:s10+$0xF0];
	[tilespmem:s10+$0xFFFFFF50] =	vst v7;
	v1 =	vnsel vm0, $0x0, v24;
	v7 =	vmul.f32 v2, v5;
	v5 =	vmul.f32 v2, v30  }
.LBB2_14:
0x26b: {  	v24 =	vld [tilespmem:s18+$0x110];
	[tilespmem:s10+$0xFFFFFFA0] =	vst v4;
	v4 =	vmul.f32 v19, v2;
	s4 =	sadd.s32 $0x40, s4  }
0x26c: {  	s17 =	sadd.s32 $0x4, s17;
	v19 =	vld [tilespmem:s4+$0x10];
	[tilespmem:s10+$0xFFFFFFB0] =	vst v18;
	v18 =	vmul.f32 v20, v2  }
0x26d: {  	p0 =	slt.u32 s17, $0x4C;
	v20 =	vld [tilespmem:s4+$0xFFFFFFE0];
	[tilespmem:s10+$0xFFFFFFC0] =	vst v14;
	v14 =	vmul.f32 v21, v2  }
0x26e: {  	v21 =	vld [tilespmem:s18+$0xFFFFFFF0];
	[tilespmem:s10+$0xFFFFFFD0] =	vst v17;
	v17 =	vmul.f32 v22, v2  }
0x26f: {  	v22 =	vld [tilespmem:s4+$0xFFFFFFF0];
	[tilespmem:s10+$0xFFFFFFE0] =	vst v12;
	v2 =	vmul.f32 v23, v2  }
0x270: {  	v12 =	vld [tilespmem:s18+$0x80];
	[tilespmem:s10+$0x0] =	vst v15  }
0x271: {  	v15 =	vld [tilespmem:s4+$0x0];
	v19 =	vadd.f32 v19, v24;
	[tilespmem:s10+$0x10] =	vst v10  }
0x272: {  	v10 =	vld [tilespmem:s18+$0xFFFFFF60];
	[tilespmem:s10+$0x20] =	vst v16  }
0x273: {  	v16 =	vld [tilespmem:s18+$0xFFFFFEE0];
	v23 =	vmul.f32 $2.000000030e-01, v19;
	[tilespmem:s10+$0x30] =	vst v11  }
0x274: {  	vm1 =	vgt.f32 v19, $0.0e+00;
	v11 =	vld [tilespmem:s18+$0xFFFFFEF0];
	v21 =	vadd.f32 v22, v21;
	[tilespmem:s10+$0x40] =	vst v13  }
0x275: {  	v13 =	vld [tilespmem:s18+$0xFFFFFF00];
	v19 =	vsel vm1, v19, v23;
	[tilespmem:s10+$0x50] =	vst v8  }
0x276: {  	v8 =	vld [tilespmem:s18+$0xFFFFFF10];
	v22 =	vmul.f32 $2.000000030e-01, v21;
	v12 =	vadd.f32 v15, v12;
	v15 =	vmul.f32 $1.442695020e+00, v19;
	[tilespmem:s10+$0x60] =	vst v9  }
0x277: {  	vm1 =	vgt.f32 v21, $0.0e+00;
	v9 =	vadd.f32 v20, v10;
	v10 =	vld [tilespmem:s18+$0xFFFFFF20];
	[tilespmem:s10+$0x70] =	vst v6  }
0x278: {  	v6 =	vld [tilespmem:s18+$0xFFFFFF30];
	vm2 =	vgt.f32 v12, $0.0e+00;
	v19 =	vmul.f32 $2.000000030e-01, v12;
	(erf) = vpow2.f32 v15;
	[tilespmem:s10+$0x90] =	vst v7  }
0x279: {  	v20 =	vsel vm1, v21, v22;
	vm3 =	vgt.f32 v9, $0.0e+00;
	v7 =	vmul.f32 $2.000000030e-01, v9;
	v15 =	vld [tilespmem:s18+$0xFFFFFF40];
	[tilespmem:s10+$0xA0] =	vst v5  }
0x27a: {  	v20 =	vmul.f32 $1.442695020e+00, v20;
	v5 =	vld [tilespmem:s18+$0xFFFFFF50];
	v12 =	vsel vm2, v12, v19;
	[tilespmem:s10+$0xB0] =	vst v4  }
0x27b: {  	v4 =	vsel vm3, v9, v7;
	v7 =	vld [tilespmem:s18+$0xFFFFFF70];
	v9 =	vmul.f32 $1.442695020e+00, v12;
	[tilespmem:s10+$0xC0] =	vst v18  }
0x27c: {  	v4 =	vmul.f32 $1.442695020e+00, v4;
	v12 =	vld [tilespmem:s18+$0xFFFFFF80];
	(erf) = vpow2.f32 v20;
	[tilespmem:s10+$0xD0] =	vst v14  }
0x27d: {  	v14 =	vld [tilespmem:s18+$0x100];
	(erf) = vpow2.f32 v9;
	[tilespmem:s10+$0xE0] =	vst v17  }
0x27e: {  	v9 =	vld [tilespmem:s18+$0xFFFFFF90];
	(erf) = vpow2.f32 v4;
	[tilespmem:s10+$0xF0] =	vst v2  }
0x27f: {  	v4 =	vld [tilespmem:s18+$0xFFFFFFA0];
	[tilespmem:s10+$0xFFFFFF60] =	vst v3  }
0x280: {  	v17 =	vld [tilespmem:s18+$0xFFFFFFB0];
	[tilespmem:s10+$0x80] =	vst v1;
	s10 =	smov.u32 s18  }
0x281: {  	v19 =	vld [tilespmem:s18+$0xFFFFFFC0];
	v2 =	vpop (erf)  }
0x282: {  	v20 =	vld [tilespmem:s18+$0xFFFFFFD0];
	v1 =	vnsel vm0, $0x0, v2;
	v3 =	vmul.f32 v14, v2  }
0x283: {  	v21 =	vld [tilespmem:s18+$0xFFFFFFE0];
	[tilespmem:s18+$0x110] =	vst v1  }
0x284: {  	v22 =	vld [tilespmem:s18+$0x0];
	[tilespmem:s18+$0x100] =	vst v3  }
0x285: {  	v23 =	vld [tilespmem:s18+$0x10];
	v24 =	vpop (erf)  }
0x286: {  	v1 =	vnsel vm0, $0x0, v24;
	v7 =	vmul.f32 v24, v7;
	v12 =	vmul.f32 v24, v12;
	v25 =	vld [tilespmem:s18+$0x20];
	v26 =	vpop (erf)  }
0x287: {  	v27 =	vmul.f32 v9, v24;
	v4 =	vmul.f32 v4, v24;
	[tilespmem:s18+$0xFFFFFFF0] =	vst v1;
	v1 =	vnsel vm0, $0x0, v26;
	v9 =	vld [tilespmem:s18+$0x30];
	v14 =	vpop (erf)  }
0x288: {  	v3 =	vnsel vm0, $0x0, v14;
	v16 =	vmul.f32 v14, v16;
	v11 =	vmul.f32 v14, v11;
	[tilespmem:s18+$0xFFFFFF70] =	vst v7;
	v7 =	vld [tilespmem:s18+$0x40]  }
0x289: {  	v13 =	vmul.f32 v13, v14;
	v8 =	vmul.f32 v8, v14;
	[tilespmem:s18+$0xFFFFFF80] =	vst v12;
	v28 =	vld [tilespmem:s18+$0x50]  }
0x28a: {  	v10 =	vmul.f32 v10, v14;
	v6 =	vmul.f32 v6, v14;
	[tilespmem:s18+$0xFFFFFEE0] =	vst v16;
	v29 =	vld [tilespmem:s18+$0x60]  }
0x28b: {  	v30 =	vmul.f32 v15, v14;
	v5 =	vmul.f32 v5, v14;
	[tilespmem:s18+$0xFFFFFEF0] =	vst v11;
	v31 =	vld [tilespmem:s18+$0x70]  }
0x28c: {  	v18 =	vmul.f32 v17, v24;
	v14 =	vmul.f32 v19, v24;
	[tilespmem:s18+$0xFFFFFF00] =	vst v13;
	v32 =	vld [tilespmem:s18+$0x90]  }
0x28d: {  	v17 =	vmul.f32 v20, v24;
	v12 =	vmul.f32 v21, v24;
	[tilespmem:s18+$0xFFFFFF10] =	vst v8;
	v24 =	vld [tilespmem:s18+$0xA0]  }
.Ltmp6:
0x28e: {  	v15 =	vmul.f32 v26, v22;
	[tilespmem:s18+$0xFFFFFF20] =	vst v10;
	v10 =	vmul.f32 v26, v23;
	v19 =	vld [tilespmem:s18+$0xB0];
	(pc) =	sbr.rel @p0 .LBB2_14-.Ltmp6, $4  }
0x28f: {  	v16 =	vmul.f32 v25, v26;
	v11 =	vmul.f32 v9, v26;
	[tilespmem:s18+$0xFFFFFF30] =	vst v6;
	v20 =	vld [tilespmem:s18+$0xC0]  }
0x290: {  	v13 =	vmul.f32 v7, v26;
	v8 =	vmul.f32 v28, v26;
	[tilespmem:s18+$0xFFFFFF40] =	vst v30;
	v21 =	vld [tilespmem:s18+$0xD0]  }
0x291: {  	v9 =	vmul.f32 v29, v26;
	v6 =	vmul.f32 v31, v26;
	[tilespmem:s18+$0xFFFFFF50] =	vst v5;
	v22 =	vld [tilespmem:s18+$0xE0]  }
0x292: {  	v7 =	vmul.f32 v2, v32;
	s18 =	sadd.s32 $0x240, s18;
	[tilespmem:s10+$0xFFFFFF90] =	vst v27;
	v5 =	vmul.f32 v2, v24;
	v23 =	vld [tilespmem:s10+$0xF0]  }
0x293: {  	[tilespmem:s10+$0xFFFFFFA0] =	vst v4  }
0x294: {  	[tilespmem:s10+$0xFFFFFFB0] =	vst v18  }
0x295: {  	[tilespmem:s10+$0xFFFFFFC0] =	vst v14  }
0x296: {  	[tilespmem:s10+$0xFFFFFFD0] =	vst v17  }
0x297: {  	[tilespmem:s10+$0xFFFFFFE0] =	vst v12  }
0x298: {  	[tilespmem:s10+$0x0] =	vst v15  }
0x299: {  	[tilespmem:s10+$0x10] =	vst v10  }
0x29a: {  	[tilespmem:s10+$0x20] =	vst v16  }
0x29b: {  	[tilespmem:s10+$0x30] =	vst v11  }
0x29c: {  	[tilespmem:s10+$0x40] =	vst v13  }
0x29d: {  	[tilespmem:s10+$0x50] =	vst v8  }
0x29e: {  	[tilespmem:s10+$0x60] =	vst v9  }
0x29f: {  	[tilespmem:s10+$0x70] =	vst v6  }
0x2a0: {  	[tilespmem:s10+$0xFFFFFF60] =	vst v3  }
0x2a1: {  	[tilespmem:s10+$0x80] =	vst v1  }
0x2a2: {  	v60 =	vmul.f32 v19, v2;
	[tilespmem:s10+$0x90] =	vst v7  }
0x2a3: {  	v61 =	vmul.f32 v20, v2;
	[tilespmem:s10+$0xA0] =	vst v5  }
0x2a4: {  	v62 =	vmul.f32 v21, v2;
	[tilespmem:s10+$0xB0] =	vst v60  }
0x2a5: {  	v63 =	vmul.f32 v22, v2;
	[tilespmem:s10+$0xC0] =	vst v61  }
0x2a6: {  	v2 =	vmul.f32 v23, v2;
	[tilespmem:s10+$0xD0] =	vst v62  }
0x2a7: {  	[tilespmem:s10+$0xE0] =	vst v63  }
0x2a8: {  	[tilespmem:s10+$0xF0] =	vst v2  }
0x2a9: {  	[spmem:s3] =	stream.indirect.scatter.add.f32 [tilespmem:s8], [sflag:$0xB], $0x90, s9, s24, $0xb8;
	[tilespmem:$0x1F770] =	vst v63  }
0x2aa: {  	_ =	swait.ge [sflag:s23], $0x2D00  }
0x2ab: {  	[sflag:s23] =	ssyncset.done $0x0  }
0x2ac: {  	[sflag:s23] =	ssyncadd.s32 $0xFFFFD300  }
0x2ad: {  	_ =	swait.ge [sflag:s7], $0x2D00  }
0x2ae: {  	[sflag:s7] =	ssyncset.done $0x0  }
0x2af: {  	s4 =	simm.s32 $0xC;
	[sflag:s7] =	ssyncadd.s32 $0xFFFFD300  }
0x2b0: {  	_ =	swait.ge [sflag:s4], $0x2D00  }
0x2b1: {  	[sflag:s4] =	ssyncset.done $0x0  }
0x2b2: {  	[sflag:s4] =	ssyncadd.s32 $0xFFFFD300  }
0x2b3: {  	s20 =	stileid.u32;
	[bflag:$0x0] =	sbarrier.arrive $0xFFFF  }
0x2b4: {  	s10 =	simm.s32 $0xD;
	s4 =	sshll.u32 s20, $0x6;
	s17 =	rddreg [dreg:$0x4]  }
0x2b5: {  	s4 =	sor.u32 $0x1C0D, s4;
	s18 =	rddreg [dreg:$0x10];
	s29 =	sshrl.u32 s17, $0x3  }
0x2b6: {  	[hbm:s18], [sflag:s4] =	dma.local [spmem:s29], $0x2BF2  }
0x2b7: {  	_ =	swait.ge [sflag:s10], $0x2BF2  }
0x2b8: {  	s20 =	rddreg [dreg:$0x12]  }
0x2b9: {  	s29 =	rddreg [dreg:$0x11];
	s18 =	sadd.s32 $0x1, s20  }
0x2ba: {  	p0 =	sne.s32 s18, s29  }
.Ltmp7:
0x2bb: {  	_ = 	snop;
	(pc) =	sbr.rel @p0 .LBB2_1-.Ltmp7, $3  }
0x2bc: {  	_ =	sdelay $0x1  }
0x2bd: {  	[sflag:s10] =	ssyncset.done $0x0  }
0x2be: {  	[sflag:s10] =	ssyncadd.s32 $0xFFFFD40E  }
0x2bf: {  	_ =	sfence.sel $0x180000  }
0x2c0: {  	[bflag:$0x0] =	sbarrier.arrive $0xFFFF  }
0x2c1: {  	_ =	strace $0x90000047  }
0x2c2: {  	s0 =	stileid.u32;
	[bflag:$0x2] =	sbarrier.arrive $0xFFFF  }
0x2c3: {  	p0 =	sne.s32 s0, $0x0;
	s0 =	rddreg [dreg:$0x3]  }
0x2c4: {  	s0 =	sadd.s32 @!p0 $0x100000, s0  }
0x2c5: {  	[sflag:s0] =	ssyncadd.tile.s32 @!p0 $0x1;
	_ =	shalt  }
.Lfunc_end2:
_tile_overlayer_lowered:
.L_overlay_start_2:
0x2c6: {  	(tag) =	ssettag $0x2  }
0x2c7: {  	s0 =	rddreg [dreg:$0x0];
	s2 =	stileid.u32  }
0x2c8: {  	s1 =	rddreg [dreg:$0x1];
	p0 =	sne.s32 s2, $0x0  }
0x2c9: {  	s3 =	rddreg [dreg:$0x2];
	[bflag:$0x3] =	sbarrier.arrive $0xFFFF;
	s2 =	simm.s32 @!p0 $0x1C0D  }
0x2ca: {  	[timem:s3], [sflag:s2] =	dma.local @!p0 [hbm:s0], s1  }
0x2cb: {  	s0 =	simm.s32 @!p0 $0xD  }
0x2cc: {  	_ =	swait.ge @!p0 [sflag:s0], s1  }
0x2cd: {  	s1 =	ssub.s32 @!p0 $0x0, s1;
	[sflag:s0] =	ssyncset.done @!p0 $0x0  }
0x2ce: {  	[sflag:s0] =	ssyncadd.s32 @!p0 s1  }
0x2cf: {  	[bflag:$0x3] =	sbarrier.arrive $0xFFFF  }
0x2d0: {  	_ =	shalt  }

</sc_bundles>
